<compile_context>
chip_gen: v7x
topology: tpu7x:2x2x1
jax: 0.10.2.dev20260603
libtpu: 0.0.44.dev20260713+nightly
codegen_flags: <defaults>
</compile_context>

<pallas_src>
import functools

import jax
import jax.numpy as jnp
from jax import lax
from jax.experimental import pallas as pl
from jax.experimental.pallas import tpu as pltpu
from jax.experimental.pallas import tpu_sc as plsc

N = 2048
E = 32768
H1 = 512
H2 = 128

NC, NS = 2, 16
EPT = E // NS
NCHUNK = EPT // 128
HALF = N // 2
COLW = 512
NPASS = N // COLW
PELEMS = HALF * COLW
PSTRIPE = PELEMS // NS


def _build_adjacency(src, dst, w):
    mesh = plsc.VectorSubcoreMesh(
        core_axis_name="c", subcore_axis_name="s",
        num_cores=NC, num_subcores=NS)

    @functools.partial(
        pl.kernel,
        out_type=[
            jax.ShapeDtypeStruct((2 * NPASS * PELEMS,), jnp.float32),
            jax.ShapeDtypeStruct((N,), jnp.float32),
        ],
        mesh=mesh,
        scratch_types=[
            pltpu.VMEM((EPT,), jnp.int32),
            pltpu.VMEM((EPT,), jnp.int32),
            pltpu.VMEM((EPT,), jnp.float32),
            [pltpu.VMEM((EPT,), jnp.int32) for _ in range(NPASS)],
            [pltpu.VMEM((EPT,), jnp.float32) for _ in range(NPASS)],
            pltpu.VMEM((EPT,), jnp.int32),
            pltpu.VMEM((EPT,), jnp.float32),
            pltpu.VMEM((8192,), jnp.float32),
            pltpu.VMEM((128,), jnp.float32),
            pltpu.VMEM_SHARED((PELEMS,), jnp.float32),
            pltpu.VMEM_SHARED((PELEMS,), jnp.float32),
            pltpu.VMEM_SHARED((HALF,), jnp.float32),
            pltpu.SemaphoreType.DMA,
        ],
    )
    def adj_kernel(src_h, dst_h, w_h, a_out, deg_out,
                   src_v, dst_v, w_v, idx_v, val_v, didx_v, dval_v,
                   zeros_v, junk_v, sh_a0, sh_a1, sh_d, sem):
        bufs = (sh_a0, sh_a1)
        cid = lax.axis_index("c")
        sid = lax.axis_index("s")
        base_e = sid * EPT
        loads = [
            pltpu.async_copy(src_h.at[pl.ds(base_e, EPT)], src_v, sem),
            pltpu.async_copy(dst_h.at[pl.ds(base_e, EPT)], dst_v, sem),
            pltpu.async_copy(w_h.at[pl.ds(base_e, EPT)], w_v, sem),
        ]

        def zero_body(i, carry):
            zeros_v[pl.ds(i * 16, 16)] = jnp.zeros((16,), jnp.float32)
            return carry
        lax.fori_loop(0, 8192 // 16, zero_body, 0)

        def zero_stripe(buf):
            descs = [
                pltpu.async_copy(
                    zeros_v, buf.at[pl.ds(sid * PSTRIPE + jz * 8192, 8192)], sem)
                for jz in range(PSTRIPE // 8192)]
            for d in descs:
                d.wait()

        zero_stripe(sh_a0)
        zero_stripe(sh_a1)

        @pl.when(sid == 0)
        def _zero_deg():
            pltpu.sync_copy(zeros_v.at[pl.ds(0, HALF)], sh_d)

        for d in loads:
            d.wait()
        plsc.subcore_barrier()

        row0 = cid * HALF
        for k in range(NPASS):
            buf = bufs[k % 2]
            col0 = k * COLW

            def chunk_body(j, carry):
                for v in range(8):
                    e0 = j * 128 + v * 16
                    s_ = src_v[pl.ds(e0, 16)]
                    d_ = dst_v[pl.ds(e0, 16)]
                    wv = w_v[pl.ds(e0, 16)]
                    dl = d_ - row0
                    sl = s_ - col0
                    in_row = (d_ >= row0) & (d_ < row0 + HALF)
                    m = in_row & (s_ >= col0) & (s_ < col0 + COLW)
                    dummy = lax.iota(jnp.int32, 16) + e0
                    idx_v[k][pl.ds(e0, 16)] = jnp.where(m, dl * COLW + sl, dummy)
                    val_v[k][pl.ds(e0, 16)] = jnp.where(m, wv, 0.0)
                    if k == 0:
                        didx_v[pl.ds(e0, 16)] = jnp.where(
                            in_row, dl, dummy & (HALF - 1))
                        dval_v[pl.ds(e0, 16)] = jnp.where(in_row, 1.0, 0.0)
                return carry
            lax.fori_loop(0, NCHUNK, chunk_body, 0)

            adds = [pltpu.async_copy(val_v[k], buf.at[idx_v[k]], sem,
                                     add=True)]
            if k == 0:
                adds.append(
                    pltpu.async_copy(dval_v, sh_d.at[didx_v], sem, add=True))
            for d in adds:
                d.wait()

            plsc.subcore_barrier()

            if k >= 1:
                kp = k - 1
                pbuf = bufs[kp % 2]
                qbase = (cid * NPASS + kp) * PELEMS + sid * PSTRIPE
                pltpu.sync_copy(pbuf.at[pl.ds(sid * PSTRIPE, PSTRIPE)],
                                a_out.at[pl.ds(qbase, PSTRIPE)])
                if kp + 2 < NPASS:
                    zero_stripe(pbuf)
            plsc.subcore_barrier()

        kp = NPASS - 1
        pbuf = bufs[kp % 2]
        qbase = (cid * NPASS + kp) * PELEMS + sid * PSTRIPE
        pltpu.sync_copy(pbuf.at[pl.ds(sid * PSTRIPE, PSTRIPE)],
                        a_out.at[pl.ds(qbase, PSTRIPE)])

        @pl.when(sid == 0)
        def _write_deg():
            pltpu.sync_copy(sh_d, deg_out.at[pl.ds(cid * HALF, HALF)])

    return adj_kernel(src, dst, w)


_BM = 256


def _split_bf16(x):
    hi = x.astype(jnp.bfloat16)
    lo = (x - hi.astype(jnp.float32)).astype(jnp.bfloat16)
    return hi, lo


def _dot3(x, w, dims):
    xh, xl = _split_bf16(x)
    wh, wl = _split_bf16(w)
    acc = lax.dot_general(xh, wh, dims, preferred_element_type=jnp.float32)
    acc += lax.dot_general(xh, wl, dims, preferred_element_type=jnp.float32)
    acc += lax.dot_general(xl, wh, dims, preferred_element_type=jnp.float32)
    return acc


_DIMS_RT = (((1,), (1,)), ((), ()))
_DIMS_NN = (((1,), (0,)), ((), ()))


def _mm_rt_kernel(x_ref, wh_ref, wl_ref, o_ref):
    xh, xl = _split_bf16(x_ref[...])
    acc = lax.dot_general(xh, wh_ref[...], _DIMS_RT,
                          preferred_element_type=jnp.float32)
    acc += lax.dot_general(xh, wl_ref[...], _DIMS_RT,
                           preferred_element_type=jnp.float32)
    acc += lax.dot_general(xl, wh_ref[...], _DIMS_RT,
                           preferred_element_type=jnp.float32)
    o_ref[...] = acc


def _matmul_rt(x, wh, wl):
    m, k = x.shape
    n = wh.shape[0]
    return pl.pallas_call(
        _mm_rt_kernel,
        grid=(m // _BM,),
        in_specs=[
            pl.BlockSpec((_BM, k), lambda i: (i, 0)),
            pl.BlockSpec((n, k), lambda i: (0, 0)),
            pl.BlockSpec((n, k), lambda i: (0, 0)),
        ],
        out_specs=pl.BlockSpec((_BM, n), lambda i: (i, 0)),
        out_shape=jax.ShapeDtypeStruct((m, n), jnp.float32),
    )(x, wh, wl)


def _conv_layer(a_q, y, yh, yl, r, b, w2=None, relu=False):
    m, h = y.shape
    nblk_half = HALF // _BM

    def body(a_ref, yh_ref, yl_ref, yblk_ref, r_ref, b_ref, *rest):
        if w2 is not None:
            w2_ref, o_ref = rest
        else:
            (o_ref,) = rest
        acc = None
        for s in range(NPASS):
            ah = a_ref[0, s]
            t = lax.dot_general(ah, yh_ref[pl.ds(s * COLW, COLW), :],
                                _DIMS_NN, preferred_element_type=jnp.float32)
            t += lax.dot_general(ah, yl_ref[pl.ds(s * COLW, COLW), :],
                                 _DIMS_NN, preferred_element_type=jnp.float32)
            acc = t if acc is None else acc + t
        h_ = (acc + yblk_ref[...]) * r_ref[...] + b_ref[...]
        if relu:
            h_ = jnp.maximum(h_, 0.0)
        if w2 is not None:
            h_ = lax.dot_general(
                h_, w2_ref[...], _DIMS_RT,
                preferred_element_type=jnp.float32)
        o_ref[...] = h_

    out_n = w2.shape[0] if w2 is not None else h
    in_specs = [
        pl.BlockSpec((1, NPASS, _BM, COLW),
                     lambda i: (i // nblk_half, 0, i % nblk_half, 0)),
        pl.BlockSpec((m, h), lambda i: (0, 0)),
        pl.BlockSpec((m, h), lambda i: (0, 0)),
        pl.BlockSpec((_BM, h), lambda i: (i, 0)),
        pl.BlockSpec((_BM, 1), lambda i: (i, 0)),
        pl.BlockSpec((1, h), lambda i: (0, 0)),
    ]
    args = [a_q, yh, yl, y, r, b.reshape(1, h)]
    if w2 is not None:
        in_specs.append(pl.BlockSpec((out_n, h), lambda i: (0, 0)))
        args.append(w2)
    return pl.pallas_call(
        body,
        grid=(m // _BM,),
        in_specs=in_specs,
        out_specs=pl.BlockSpec((_BM, out_n), lambda i: (i, 0)),
        out_shape=jax.ShapeDtypeStruct((m, out_n), jnp.float32),
    )(*args)


def _gram_kernel(zi_ref, zfull_ref, o_ref):
    o_ref[...] = lax.dot_general(
        zi_ref[...], zfull_ref[...], _DIMS_RT,
        preferred_element_type=jnp.float32)


def _gram(z):
    m, h = z.shape
    return pl.pallas_call(
        _gram_kernel,
        grid=(m // _BM,),
        in_specs=[
            pl.BlockSpec((_BM, h), lambda i: (i, 0)),
            pl.BlockSpec((m, h), lambda i: (0, 0)),
        ],
        out_specs=pl.BlockSpec((_BM, m), lambda i: (i, 0)),
        out_shape=jax.ShapeDtypeStruct((m, m), jnp.float32),
    )(z, z)


def kernel(edge_index, edge_weight, feat, W1, b1, W2, b2):
    src = edge_index[0]
    dst = edge_index[1]
    a_flat, deg = _build_adjacency(src, dst, edge_weight)
    a_q = a_flat.reshape(2, NPASS, HALF, COLW).astype(jnp.bfloat16)
    r = (1.0 / (deg + 1.0)).reshape(N, 1)

    w1h = W1.astype(jnp.bfloat16)
    w1l = (W1 - w1h.astype(jnp.float32)).astype(jnp.bfloat16)
    y1 = _matmul_rt(feat, w1h, w1l)
    y1h = y1.astype(jnp.bfloat16)
    y1l = (y1 - y1h.astype(jnp.float32)).astype(jnp.bfloat16)
    y2 = _conv_layer(a_q, y1, y1h, y1l, r, b1, w2=W2, relu=True)
    y2h = y2.astype(jnp.bfloat16)
    y2l = (y2 - y2h.astype(jnp.float32)).astype(jnp.bfloat16)
    z = _conv_layer(a_q, y2, y2h, y2l, r, b2)
    adj_rec = _gram(z)
    return (z, adj_rec)

# --- scband reference (transcript-rebuilt; emitter-appended) ---
"""Pipeline reference for scband-graph-encoder-68856915690120 (READ-ONLY COPY).

The authoritative reference and input builder live on the scoring server;
editing this copy changes nothing except your own understanding.
"""

import jax, jax.numpy as jnp
import numpy as np

N = 2048   # n_nodes == in_dim (feat parameter is [in_dim, in_dim] used as node features)
E = 32768  # avg_degree 16
H1 = 512
H2 = 128


def setup_inputs(seed: int = 0) -> dict:
    key = jax.random.key(seed)
    k1, k2, k3, k4, k5 = jax.random.split(key, 5)
    edge_index = jax.random.randint(k1, (2, E), 0, N, dtype=jnp.int32)
    edge_weight = jax.random.uniform(k2, (E,), dtype=jnp.float32)
    # xavier_uniform with relu gain for feat
    gain = np.sqrt(2.0)
    bound = gain * np.sqrt(6.0 / (N + N))
    feat = jax.random.uniform(k3, (N, N), minval=-bound, maxval=bound, dtype=jnp.float32)
    W1 = jax.random.normal(k4, (H1, N), dtype=jnp.float32) * (1.0 / np.sqrt(N))
    b1 = jnp.zeros((H1,), dtype=jnp.float32)
    W2 = jax.random.normal(k5, (H2, H1), dtype=jnp.float32) * (1.0 / np.sqrt(H1))
    b2 = jnp.zeros((H2,), dtype=jnp.float32)
    return {"edge_index": edge_index, "edge_weight": edge_weight, "feat": feat,
            "W1": W1, "b1": b1, "W2": W2, "b2": b2}


def _sage_gcn(x, edge_index, edge_weight, W, b):
    # DGL SAGEConv(aggregator_type='gcn') with edge_weight:
    #   neigh[v] = sum_{(u->v)} w_uv * x[u]
    #   h[v] = (neigh[v] + x[v]) / (in_degree(v) + 1)
    #   out = fc_neigh(h)
    src = edge_index[0]
    dst = edge_index[1]
    msg = x[src] * edge_weight[:, None]                       # gather + scale
    neigh = jax.ops.segment_sum(msg, dst, num_segments=N)     # scatter-add
    deg = jnp.bincount(dst, length=N).astype(x.dtype)         # in-degree (edge count)
    h = (neigh + x) / (deg[:, None] + 1.0)
    return h @ W.T + b


def reference(edge_index, edge_weight, feat, W1, b1, W2, b2):
    h = jax.nn.relu(_sage_gcn(feat, edge_index, edge_weight, W1, b1))
    z = _sage_gcn(h, edge_index, edge_weight, W2, b2)
    adj_rec = z @ z.T
    return (z, adj_rec)

if __name__ == "__main__":
    import jax
    _d = setup_inputs()
    print(jax.jit(kernel)(*tuple(_d.values())))

</pallas_src>

<mosaic_0001>
#map = affine_map<(d0, d1) -> (0)>
module attributes {stable_mosaic.version = 14 : i64} {
  func.func @adj_kernel(%arg0: i32, %arg1: i32, %arg2: memref<32768xi32, #tpu.memory_space<hbm>>, %arg3: memref<32768xi32, #tpu.memory_space<hbm>>, %arg4: memref<32768xf32, #tpu.memory_space<hbm>>, %arg5: memref<4194304xf32, #tpu.memory_space<hbm>>, %arg6: memref<2048xf32, #tpu.memory_space<hbm>>, %arg7: memref<2048xi32, #tpu.memory_space<vmem>>, %arg8: memref<2048xi32, #tpu.memory_space<vmem>>, %arg9: memref<2048xf32, #tpu.memory_space<vmem>>, %arg10: memref<2048xi32, #tpu.memory_space<vmem>>, %arg11: memref<2048xi32, #tpu.memory_space<vmem>>, %arg12: memref<2048xi32, #tpu.memory_space<vmem>>, %arg13: memref<2048xi32, #tpu.memory_space<vmem>>, %arg14: memref<2048xf32, #tpu.memory_space<vmem>>, %arg15: memref<2048xf32, #tpu.memory_space<vmem>>, %arg16: memref<2048xf32, #tpu.memory_space<vmem>>, %arg17: memref<2048xf32, #tpu.memory_space<vmem>>, %arg18: memref<2048xi32, #tpu.memory_space<vmem>>, %arg19: memref<2048xf32, #tpu.memory_space<vmem>>, %arg20: memref<8192xf32, #tpu.memory_space<vmem>>, %arg21: memref<128xf32, #tpu.memory_space<vmem>>, %arg22: memref<524288xf32, #tpu.memory_space<vmem_shared>>, %arg23: memref<524288xf32, #tpu.memory_space<vmem_shared>>, %arg24: memref<1024xf32, #tpu.memory_space<vmem_shared>>, %arg25: memref<!tpu.dma_semaphore, #tpu.memory_space<semaphore_mem>>) attributes {dimension_semantics = [#tpu.dimension_semantics<core_parallel>, #tpu.dimension_semantics<subcore_parallel>], iteration_bounds = array<i64: 2, 16>, scalar_prefetch = 0 : i64, scratch_operands = 19 : i64, tpu.core_type = #tpu.core_type<sc_vector_subcore>, window_params = [{transform_indices = #map}, {transform_indices = #map}, {transform_indices = #map}, {transform_indices = #map}, {transform_indices = #map}]} {
    %mul3A = arith.constant 2048 : i32
    %mul3A_0 = arith.muli %arg1, %mul3A : i32
    %dma_start3A = tpu.memref_slice %arg2[%mul3A_0] : memref<32768xi32, #tpu.memory_space<hbm>> -> memref<2048xi32, #tpu.memory_space<hbm>>
    %dma_start3A_1 = tpu.memref_slice %arg2[%mul3A_0] : memref<32768xi32, #tpu.memory_space<hbm>> -> memref<2048xi32, #tpu.memory_space<hbm>>
    tpu.enqueue_dma source(%dma_start3A_1 : memref<2048xi32, #tpu.memory_space<hbm>>) target(%arg7 : memref<2048xi32, #tpu.memory_space<vmem>>) target_semaphore(%arg25 : memref<!tpu.dma_semaphore, #tpu.memory_space<semaphore_mem>>)
    %dma_start3A_2 = tpu.memref_slice %arg3[%mul3A_0] : memref<32768xi32, #tpu.memory_space<hbm>> -> memref<2048xi32, #tpu.memory_space<hbm>>
    %dma_start3A_3 = tpu.memref_slice %arg3[%mul3A_0] : memref<32768xi32, #tpu.memory_space<hbm>> -> memref<2048xi32, #tpu.memory_space<hbm>>
    tpu.enqueue_dma source(%dma_start3A_3 : memref<2048xi32, #tpu.memory_space<hbm>>) target(%arg8 : memref<2048xi32, #tpu.memory_space<vmem>>) target_semaphore(%arg25 : memref<!tpu.dma_semaphore, #tpu.memory_space<semaphore_mem>>)
    %dma_start3A_4 = tpu.memref_slice %arg4[%mul3A_0] : memref<32768xf32, #tpu.memory_space<hbm>> -> memref<2048xf32, #tpu.memory_space<hbm>>
    %dma_start3A_5 = tpu.memref_slice %arg4[%mul3A_0] : memref<32768xf32, #tpu.memory_space<hbm>> -> memref<2048xf32, #tpu.memory_space<hbm>>
    tpu.enqueue_dma source(%dma_start3A_5 : memref<2048xf32, #tpu.memory_space<hbm>>) target(%arg9 : memref<2048xf32, #tpu.memory_space<vmem>>) target_semaphore(%arg25 : memref<!tpu.dma_semaphore, #tpu.memory_space<semaphore_mem>>)
    %scan3A = arith.constant 0 : i32
    %scan3A_6 = arith.constant 0 : i32
    %scan3A_7 = arith.constant 512 : i32
    %scan3A_8 = arith.addi %scan3A_6, %scan3A_7 : i32
    %scan3A_9 = arith.constant 1 : i32
    scf.for %scan3A_248 = %scan3A_6 to %scan3A_8 step %scan3A_9  : i32 {
      %broadcast_in_dim3A = arith.constant 0.000000e+00 : f32
      %broadcast_in_dim3A_249 = vector.broadcast %broadcast_in_dim3A : f32 to vector<16xf32>
      %mul3A_250 = arith.constant 16 : i32
      %mul3A_251 = arith.muli %scan3A_248, %mul3A_250 : i32
      %swap3A = arith.index_cast %mul3A_251 : i32 to index
      %swap3A_252 = tpu.vector_load %arg20[%swap3A] {strides = array<i32>} : memref<8192xf32, #tpu.memory_space<vmem>>, vector<16xf32>,
      %swap3A_253 = vector.shape_cast %swap3A_252 : vector<16xf32> to vector<16xf32>
      %swap3A_254 = vector.shape_cast %broadcast_in_dim3A_249 : vector<16xf32> to vector<16xf32>
      tpu.vector_store %arg20[%swap3A], %swap3A_254 {strides = array<i32>} : memref<8192xf32, #tpu.memory_space<vmem>>, vector<16xf32>,
    }
    %scan3A_10 = arith.constant 512 : i32
    %mul3A_11 = arith.constant 32768 : i32
    %mul3A_12 = arith.muli %arg1, %mul3A_11 : i32
    %add3A = arith.constant 0 : i32
    %add3A_13 = arith.addi %mul3A_12, %add3A : i32
    %dma_start3A_14 = tpu.memref_slice %arg22[%add3A_13] : memref<524288xf32, #tpu.memory_space<vmem_shared>> -> memref<8192xf32, #tpu.memory_space<vmem_shared>>
    %dma_start3A_15 = tpu.memref_slice %arg22[%add3A_13] : memref<524288xf32, #tpu.memory_space<vmem_shared>> -> memref<8192xf32, #tpu.memory_space<vmem_shared>>
    tpu.enqueue_dma source(%arg20 : memref<8192xf32, #tpu.memory_space<vmem>>) target(%dma_start3A_15 : memref<8192xf32, #tpu.memory_space<vmem_shared>>) target_semaphore(%arg25 : memref<!tpu.dma_semaphore, #tpu.memory_space<semaphore_mem>>)
    %mul3A_16 = arith.constant 32768 : i32
    %mul3A_17 = arith.muli %arg1, %mul3A_16 : i32
    %add3A_18 = arith.constant 8192 : i32
    %add3A_19 = arith.addi %mul3A_17, %add3A_18 : i32
    %dma_start3A_20 = tpu.memref_slice %arg22[%add3A_19] : memref<524288xf32, #tpu.memory_space<vmem_shared>> -> memref<8192xf32, #tpu.memory_space<vmem_shared>>
    %dma_start3A_21 = tpu.memref_slice %arg22[%add3A_19] : memref<524288xf32, #tpu.memory_space<vmem_shared>> -> memref<8192xf32, #tpu.memory_space<vmem_shared>>
    tpu.enqueue_dma source(%arg20 : memref<8192xf32, #tpu.memory_space<vmem>>) target(%dma_start3A_21 : memref<8192xf32, #tpu.memory_space<vmem_shared>>) target_semaphore(%arg25 : memref<!tpu.dma_semaphore, #tpu.memory_space<semaphore_mem>>)
    %mul3A_22 = arith.constant 32768 : i32
    %mul3A_23 = arith.muli %arg1, %mul3A_22 : i32
    %add3A_24 = arith.constant 16384 : i32
    %add3A_25 = arith.addi %mul3A_23, %add3A_24 : i32
    %dma_start3A_26 = tpu.memref_slice %arg22[%add3A_25] : memref<524288xf32, #tpu.memory_space<vmem_shared>> -> memref<8192xf32, #tpu.memory_space<vmem_shared>>
    %dma_start3A_27 = tpu.memref_slice %arg22[%add3A_25] : memref<524288xf32, #tpu.memory_space<vmem_shared>> -> memref<8192xf32, #tpu.memory_space<vmem_shared>>
    tpu.enqueue_dma source(%arg20 : memref<8192xf32, #tpu.memory_space<vmem>>) target(%dma_start3A_27 : memref<8192xf32, #tpu.memory_space<vmem_shared>>) target_semaphore(%arg25 : memref<!tpu.dma_semaphore, #tpu.memory_space<semaphore_mem>>)
    %mul3A_28 = arith.constant 32768 : i32
    %mul3A_29 = arith.muli %arg1, %mul3A_28 : i32
    %add3A_30 = arith.constant 24576 : i32
    %add3A_31 = arith.addi %mul3A_29, %add3A_30 : i32
    %dma_start3A_32 = tpu.memref_slice %arg22[%add3A_31] : memref<524288xf32, #tpu.memory_space<vmem_shared>> -> memref<8192xf32, #tpu.memory_space<vmem_shared>>
    %dma_start3A_33 = tpu.memref_slice %arg22[%add3A_31] : memref<524288xf32, #tpu.memory_space<vmem_shared>> -> memref<8192xf32, #tpu.memory_space<vmem_shared>>
    tpu.enqueue_dma source(%arg20 : memref<8192xf32, #tpu.memory_space<vmem>>) target(%dma_start3A_33 : memref<8192xf32, #tpu.memory_space<vmem_shared>>) target_semaphore(%arg25 : memref<!tpu.dma_semaphore, #tpu.memory_space<semaphore_mem>>)
    %dma_wait3A = tpu.memref_slice %arg22[%add3A_13] : memref<524288xf32, #tpu.memory_space<vmem_shared>> -> memref<8192xf32, #tpu.memory_space<vmem_shared>>
    %dma_wait3A_34 = tpu.memref_slice %arg22[%add3A_13] : memref<524288xf32, #tpu.memory_space<vmem_shared>> -> memref<8192xf32, #tpu.memory_space<vmem_shared>>
    tpu.wait_dma2 semaphore(%arg25 : memref<!tpu.dma_semaphore, #tpu.memory_space<semaphore_mem>>) src(%arg20 : memref<8192xf32, #tpu.memory_space<vmem>>) dst(%dma_wait3A_34 : memref<8192xf32, #tpu.memory_space<vmem_shared>>)
    %dma_wait3A_35 = tpu.memref_slice %arg22[%add3A_19] : memref<524288xf32, #tpu.memory_space<vmem_shared>> -> memref<8192xf32, #tpu.memory_space<vmem_shared>>
    %dma_wait3A_36 = tpu.memref_slice %arg22[%add3A_19] : memref<524288xf32, #tpu.memory_space<vmem_shared>> -> memref<8192xf32, #tpu.memory_space<vmem_shared>>
    tpu.wait_dma2 semaphore(%arg25 : memref<!tpu.dma_semaphore, #tpu.memory_space<semaphore_mem>>) src(%arg20 : memref<8192xf32, #tpu.memory_space<vmem>>) dst(%dma_wait3A_36 : memref<8192xf32, #tpu.memory_space<vmem_shared>>)
    %dma_wait3A_37 = tpu.memref_slice %arg22[%add3A_25] : memref<524288xf32, #tpu.memory_space<vmem_shared>> -> memref<8192xf32, #tpu.memory_space<vmem_shared>>
    %dma_wait3A_38 = tpu.memref_slice %arg22[%add3A_25] : memref<524288xf32, #tpu.memory_space<vmem_shared>> -> memref<8192xf32, #tpu.memory_space<vmem_shared>>
    tpu.wait_dma2 semaphore(%arg25 : memref<!tpu.dma_semaphore, #tpu.memory_space<semaphore_mem>>) src(%arg20 : memref<8192xf32, #tpu.memory_space<vmem>>) dst(%dma_wait3A_38 : memref<8192xf32, #tpu.memory_space<vmem_shared>>)
    %dma_wait3A_39 = tpu.memref_slice %arg22[%add3A_31] : memref<524288xf32, #tpu.memory_space<vmem_shared>> -> memref<8192xf32, #tpu.memory_space<vmem_shared>>
    %dma_wait3A_40 = tpu.memref_slice %arg22[%add3A_31] : memref<524288xf32, #tpu.memory_space<vmem_shared>> -> memref<8192xf32, #tpu.memory_space<vmem_shared>>
    tpu.wait_dma2 semaphore(%arg25 : memref<!tpu.dma_semaphore, #tpu.memory_space<semaphore_mem>>) src(%arg20 : memref<8192xf32, #tpu.memory_space<vmem>>) dst(%dma_wait3A_40 : memref<8192xf32, #tpu.memory_space<vmem_shared>>)
    %mul3A_41 = arith.constant 32768 : i32
    %mul3A_42 = arith.muli %arg1, %mul3A_41 : i32
    %add3A_43 = arith.constant 0 : i32
    %add3A_44 = arith.addi %mul3A_42, %add3A_43 : i32
    %dma_start3A_45 = tpu.memref_slice %arg23[%add3A_44] : memref<524288xf32, #tpu.memory_space<vmem_shared>> -> memref<8192xf32, #tpu.memory_space<vmem_shared>>
    %dma_start3A_46 = tpu.memref_slice %arg23[%add3A_44] : memref<524288xf32, #tpu.memory_space<vmem_shared>> -> memref<8192xf32, #tpu.memory_space<vmem_shared>>
    tpu.enqueue_dma source(%arg20 : memref<8192xf32, #tpu.memory_space<vmem>>) target(%dma_start3A_46 : memref<8192xf32, #tpu.memory_space<vmem_shared>>) target_semaphore(%arg25 : memref<!tpu.dma_semaphore, #tpu.memory_space<semaphore_mem>>)
    %mul3A_47 = arith.constant 32768 : i32
    %mul3A_48 = arith.muli %arg1, %mul3A_47 : i32
    %add3A_49 = arith.constant 8192 : i32
    %add3A_50 = arith.addi %mul3A_48, %add3A_49 : i32
    %dma_start3A_51 = tpu.memref_slice %arg23[%add3A_50] : memref<524288xf32, #tpu.memory_space<vmem_shared>> -> memref<8192xf32, #tpu.memory_space<vmem_shared>>
    %dma_start3A_52 = tpu.memref_slice %arg23[%add3A_50] : memref<524288xf32, #tpu.memory_space<vmem_shared>> -> memref<8192xf32, #tpu.memory_space<vmem_shared>>
    tpu.enqueue_dma source(%arg20 : memref<8192xf32, #tpu.memory_space<vmem>>) target(%dma_start3A_52 : memref<8192xf32, #tpu.memory_space<vmem_shared>>) target_semaphore(%arg25 : memref<!tpu.dma_semaphore, #tpu.memory_space<semaphore_mem>>)
    %mul3A_53 = arith.constant 32768 : i32
    %mul3A_54 = arith.muli %arg1, %mul3A_53 : i32
    %add3A_55 = arith.constant 16384 : i32
    %add3A_56 = arith.addi %mul3A_54, %add3A_55 : i32
    %dma_start3A_57 = tpu.memref_slice %arg23[%add3A_56] : memref<524288xf32, #tpu.memory_space<vmem_shared>> -> memref<8192xf32, #tpu.memory_space<vmem_shared>>
    %dma_start3A_58 = tpu.memref_slice %arg23[%add3A_56] : memref<524288xf32, #tpu.memory_space<vmem_shared>> -> memref<8192xf32, #tpu.memory_space<vmem_shared>>
    tpu.enqueue_dma source(%arg20 : memref<8192xf32, #tpu.memory_space<vmem>>) target(%dma_start3A_58 : memref<8192xf32, #tpu.memory_space<vmem_shared>>) target_semaphore(%arg25 : memref<!tpu.dma_semaphore, #tpu.memory_space<semaphore_mem>>)
    %mul3A_59 = arith.constant 32768 : i32
    %mul3A_60 = arith.muli %arg1, %mul3A_59 : i32
    %add3A_61 = arith.constant 24576 : i32
    %add3A_62 = arith.addi %mul3A_60, %add3A_61 : i32
    %dma_start3A_63 = tpu.memref_slice %arg23[%add3A_62] : memref<524288xf32, #tpu.memory_space<vmem_shared>> -> memref<8192xf32, #tpu.memory_space<vmem_shared>>
    %dma_start3A_64 = tpu.memref_slice %arg23[%add3A_62] : memref<524288xf32, #tpu.memory_space<vmem_shared>> -> memref<8192xf32, #tpu.memory_space<vmem_shared>>
    tpu.enqueue_dma source(%arg20 : memref<8192xf32, #tpu.memory_space<vmem>>) target(%dma_start3A_64 : memref<8192xf32, #tpu.memory_space<vmem_shared>>) target_semaphore(%arg25 : memref<!tpu.dma_semaphore, #tpu.memory_space<semaphore_mem>>)
    %dma_wait3A_65 = tpu.memref_slice %arg23[%add3A_44] : memref<524288xf32, #tpu.memory_space<vmem_shared>> -> memref<8192xf32, #tpu.memory_space<vmem_shared>>
    %dma_wait3A_66 = tpu.memref_slice %arg23[%add3A_44] : memref<524288xf32, #tpu.memory_space<vmem_shared>> -> memref<8192xf32, #tpu.memory_space<vmem_shared>>
    tpu.wait_dma2 semaphore(%arg25 : memref<!tpu.dma_semaphore, #tpu.memory_space<semaphore_mem>>) src(%arg20 : memref<8192xf32, #tpu.memory_space<vmem>>) dst(%dma_wait3A_66 : memref<8192xf32, #tpu.memory_space<vmem_shared>>)
    %dma_wait3A_67 = tpu.memref_slice %arg23[%add3A_50] : memref<524288xf32, #tpu.memory_space<vmem_shared>> -> memref<8192xf32, #tpu.memory_space<vmem_shared>>
    %dma_wait3A_68 = tpu.memref_slice %arg23[%add3A_50] : memref<524288xf32, #tpu.memory_space<vmem_shared>> -> memref<8192xf32, #tpu.memory_space<vmem_shared>>
    tpu.wait_dma2 semaphore(%arg25 : memref<!tpu.dma_semaphore, #tpu.memory_space<semaphore_mem>>) src(%arg20 : memref<8192xf32, #tpu.memory_space<vmem>>) dst(%dma_wait3A_68 : memref<8192xf32, #tpu.memory_space<vmem_shared>>)
    %dma_wait3A_69 = tpu.memref_slice %arg23[%add3A_56] : memref<524288xf32, #tpu.memory_space<vmem_shared>> -> memref<8192xf32, #tpu.memory_space<vmem_shared>>
    %dma_wait3A_70 = tpu.memref_slice %arg23[%add3A_56] : memref<524288xf32, #tpu.memory_space<vmem_shared>> -> memref<8192xf32, #tpu.memory_space<vmem_shared>>
    tpu.wait_dma2 semaphore(%arg25 : memref<!tpu.dma_semaphore, #tpu.memory_space<semaphore_mem>>) src(%arg20 : memref<8192xf32, #tpu.memory_space<vmem>>) dst(%dma_wait3A_70 : memref<8192xf32, #tpu.memory_space<vmem_shared>>)
    %dma_wait3A_71 = tpu.memref_slice %arg23[%add3A_62] : memref<524288xf32, #tpu.memory_space<vmem_shared>> -> memref<8192xf32, #tpu.memory_space<vmem_shared>>
    %dma_wait3A_72 = tpu.memref_slice %arg23[%add3A_62] : memref<524288xf32, #tpu.memory_space<vmem_shared>> -> memref<8192xf32, #tpu.memory_space<vmem_shared>>
    tpu.wait_dma2 semaphore(%arg25 : memref<!tpu.dma_semaphore, #tpu.memory_space<semaphore_mem>>) src(%arg20 : memref<8192xf32, #tpu.memory_space<vmem>>) dst(%dma_wait3A_72 : memref<8192xf32, #tpu.memory_space<vmem_shared>>)
    %eq3A = arith.constant 0 : i32
    %eq3A_73 = arith.cmpi eq, %arg1, %eq3A : i32
    %convert_element_type3A = arith.extui %eq3A_73 : i1 to i32
    %cond3A = arith.constant 0 : i32
    %cond3A_74 = arith.cmpi ne, %convert_element_type3A, %cond3A : i32
    scf.if %cond3A_74 {
      "tpu.region"() ({
        %run_scoped3A = tpu.sem_alloc : memref<!tpu.dma_semaphore, #tpu.memory_space<semaphore_mem>>
        %dma_start3A_248 = arith.constant 0 : i32
        %dma_start3A_249 = tpu.memref_slice %arg20[%dma_start3A_248] : memref<8192xf32, #tpu.memory_space<vmem>> -> memref<1024xf32, #tpu.memory_space<vmem>>
        %dma_start3A_250 = arith.constant 0 : i32
        %dma_start3A_251 = tpu.memref_slice %arg20[%dma_start3A_250] : memref<8192xf32, #tpu.memory_space<vmem>> -> memref<1024xf32, #tpu.memory_space<vmem>>
        tpu.enqueue_dma source(%dma_start3A_251 : memref<1024xf32, #tpu.memory_space<vmem>>) target(%arg24 : memref<1024xf32, #tpu.memory_space<vmem_shared>>) target_semaphore(%run_scoped3A : memref<!tpu.dma_semaphore, #tpu.memory_space<semaphore_mem>>)
        %dma_wait3A_252 = arith.constant 0 : i32
        %dma_wait3A_253 = tpu.memref_slice %arg20[%dma_wait3A_252] : memref<8192xf32, #tpu.memory_space<vmem>> -> memref<1024xf32, #tpu.memory_space<vmem>>
        %dma_wait3A_254 = arith.constant 0 : i32
        %dma_wait3A_255 = tpu.memref_slice %arg20[%dma_wait3A_254] : memref<8192xf32, #tpu.memory_space<vmem>> -> memref<1024xf32, #tpu.memory_space<vmem>>
        tpu.wait_dma2 semaphore(%run_scoped3A : memref<!tpu.dma_semaphore, #tpu.memory_space<semaphore_mem>>) src(%dma_wait3A_255 : memref<1024xf32, #tpu.memory_space<vmem>>) dst(%arg24 : memref<1024xf32, #tpu.memory_space<vmem_shared>>)
        tpu.yield
      }) : () -> ()
    } else {
    }
    %dma_wait3A_75 = tpu.memref_slice %arg2[%mul3A_0] : memref<32768xi32, #tpu.memory_space<hbm>> -> memref<2048xi32, #tpu.memory_space<hbm>>
    %dma_wait3A_76 = tpu.memref_slice %arg2[%mul3A_0] : memref<32768xi32, #tpu.memory_space<hbm>> -> memref<2048xi32, #tpu.memory_space<hbm>>
    tpu.wait_dma2 semaphore(%arg25 : memref<!tpu.dma_semaphore, #tpu.memory_space<semaphore_mem>>) src(%dma_wait3A_76 : memref<2048xi32, #tpu.memory_space<hbm>>) dst(%arg7 : memref<2048xi32, #tpu.memory_space<vmem>>)
    %dma_wait3A_77 = tpu.memref_slice %arg3[%mul3A_0] : memref<32768xi32, #tpu.memory_space<hbm>> -> memref<2048xi32, #tpu.memory_space<hbm>>
    %dma_wait3A_78 = tpu.memref_slice %arg3[%mul3A_0] : memref<32768xi32, #tpu.memory_space<hbm>> -> memref<2048xi32, #tpu.memory_space<hbm>>
    tpu.wait_dma2 semaphore(%arg25 : memref<!tpu.dma_semaphore, #tpu.memory_space<semaphore_mem>>) src(%dma_wait3A_78 : memref<2048xi32, #tpu.memory_space<hbm>>) dst(%arg8 : memref<2048xi32, #tpu.memory_space<vmem>>)
    %dma_wait3A_79 = tpu.memref_slice %arg4[%mul3A_0] : memref<32768xf32, #tpu.memory_space<hbm>> -> memref<2048xf32, #tpu.memory_space<hbm>>
    %dma_wait3A_80 = tpu.memref_slice %arg4[%mul3A_0] : memref<32768xf32, #tpu.memory_space<hbm>> -> memref<2048xf32, #tpu.memory_space<hbm>>
    tpu.wait_dma2 semaphore(%arg25 : memref<!tpu.dma_semaphore, #tpu.memory_space<semaphore_mem>>) src(%dma_wait3A_80 : memref<2048xf32, #tpu.memory_space<hbm>>) dst(%arg9 : memref<2048xf32, #tpu.memory_space<vmem>>)
    %barrier3A = arith.constant 0 : index
    tpu.barrier barrier_id(%barrier3A)
    %mul3A_81 = arith.constant 1024 : i32
    %mul3A_82 = arith.muli %arg0, %mul3A_81 : i32
    %scan3A_83 = arith.constant 0 : i32
    %scan3A_84 = arith.constant 0 : i32
    %scan3A_85 = arith.constant 16 : i32
    %scan3A_86 = arith.addi %scan3A_84, %scan3A_85 : i32
    %scan3A_87 = arith.constant 1 : i32
    scf.for %scan3A_248 = %scan3A_84 to %scan3A_86 step %scan3A_87  : i32 {
      %mul3A_249 = arith.constant 128 : i32
      %mul3A_250 = arith.muli %scan3A_248, %mul3A_249 : i32
      %add3A_251 = arith.constant 0 : i32
      %add3A_252 = arith.addi %mul3A_250, %add3A_251 : i32
      %get3A = arith.index_cast %add3A_252 : i32 to index
      %get3A_253 = tpu.vector_load %arg7[%get3A] {strides = array<i32>} : memref<2048xi32, #tpu.memory_space<vmem>>, vector<16xi32>,
      %get3A_254 = vector.shape_cast %get3A_253 : vector<16xi32> to vector<16xi32>
      %get3A_255 = arith.index_cast %add3A_252 : i32 to index
      %get3A_256 = tpu.vector_load %arg8[%get3A_255] {strides = array<i32>} : memref<2048xi32, #tpu.memory_space<vmem>>, vector<16xi32>,
      %get3A_257 = vector.shape_cast %get3A_256 : vector<16xi32> to vector<16xi32>
      %get3A_258 = arith.index_cast %add3A_252 : i32 to index
      %get3A_259 = tpu.vector_load %arg9[%get3A_258] {strides = array<i32>} : memref<2048xf32, #tpu.memory_space<vmem>>, vector<16xf32>,
      %get3A_260 = vector.shape_cast %get3A_259 : vector<16xf32> to vector<16xf32>
      %sub3A = vector.broadcast %mul3A_82 : i32 to vector<16xi32>
      %sub3A_261 = arith.subi %get3A_257, %sub3A : vector<16xi32>
      %sub3A_262 = arith.constant 0 : i32
      %sub3A_263 = vector.broadcast %sub3A_262 : i32 to vector<16xi32>
      %sub3A_264 = arith.subi %get3A_254, %sub3A_263 : vector<16xi32>
      %ge3A = vector.broadcast %mul3A_82 : i32 to vector<16xi32>
      %ge3A_265 = arith.cmpi sge, %get3A_257, %ge3A : vector<16xi32>
      %add3A_266 = arith.constant 1024 : i32
      %add3A_267 = arith.addi %mul3A_82, %add3A_266 : i32
      %lt3A = vector.broadcast %add3A_267 : i32 to vector<16xi32>
      %lt3A_268 = arith.cmpi slt, %get3A_257, %lt3A : vector<16xi32>
      %and3A = arith.andi %ge3A_265, %lt3A_268 : vector<16xi1>
      %ge3A_269 = arith.constant 0 : i32
      %ge3A_270 = vector.broadcast %ge3A_269 : i32 to vector<16xi32>
      %ge3A_271 = arith.cmpi sge, %get3A_254, %ge3A_270 : vector<16xi32>
      %and3A_272 = arith.andi %and3A, %ge3A_271 : vector<16xi1>
      %lt3A_273 = arith.constant 512 : i32
      %lt3A_274 = vector.broadcast %lt3A_273 : i32 to vector<16xi32>
      %lt3A_275 = arith.cmpi slt, %get3A_254, %lt3A_274 : vector<16xi32>
      %and3A_276 = arith.andi %and3A_272, %lt3A_275 : vector<16xi1>
      %iota3A = tpu.iota {dimensions = array<i32: 0>} : vector<16xi32>
      %add3A_277 = vector.broadcast %add3A_252 : i32 to vector<16xi32>
      %add3A_278 = arith.addi %iota3A, %add3A_277 : vector<16xi32>
      %mul3A_279 = arith.constant 512 : i32
      %mul3A_280 = vector.broadcast %mul3A_279 : i32 to vector<16xi32>
      %mul3A_281 = arith.muli %sub3A_261, %mul3A_280 : vector<16xi32>
      %add3A_282 = arith.addi %mul3A_281, %sub3A_264 : vector<16xi32>
      %select_n3A = arith.select %and3A_276, %add3A_282, %add3A_278 : vector<16xi1>, vector<16xi32>
      %swap3A = arith.index_cast %add3A_252 : i32 to index
      %swap3A_283 = tpu.vector_load %arg10[%swap3A] {strides = array<i32>} : memref<2048xi32, #tpu.memory_space<vmem>>, vector<16xi32>,
      %swap3A_284 = vector.shape_cast %swap3A_283 : vector<16xi32> to vector<16xi32>
      %swap3A_285 = vector.shape_cast %select_n3A : vector<16xi32> to vector<16xi32>
      tpu.vector_store %arg10[%swap3A], %swap3A_285 {strides = array<i32>} : memref<2048xi32, #tpu.memory_space<vmem>>, vector<16xi32>,
      %jit3A = arith.constant 0.000000e+00 : f32
      %broadcast_in_dim3A = vector.broadcast %jit3A : f32 to vector<16xf32>
      %select_n3A_286 = arith.select %and3A_276, %get3A_260, %broadcast_in_dim3A : vector<16xi1>, vector<16xf32>
      %swap3A_287 = arith.index_cast %add3A_252 : i32 to index
      %swap3A_288 = tpu.vector_load %arg14[%swap3A_287] {strides = array<i32>} : memref<2048xf32, #tpu.memory_space<vmem>>, vector<16xf32>,
      %swap3A_289 = vector.shape_cast %swap3A_288 : vector<16xf32> to vector<16xf32>
      %swap3A_290 = vector.shape_cast %select_n3A_286 : vector<16xf32> to vector<16xf32>
      tpu.vector_store %arg14[%swap3A_287], %swap3A_290 {strides = array<i32>} : memref<2048xf32, #tpu.memory_space<vmem>>, vector<16xf32>,
      %and3A_291 = arith.constant 1023 : i32
      %and3A_292 = vector.broadcast %and3A_291 : i32 to vector<16xi32>
      %and3A_293 = arith.andi %add3A_278, %and3A_292 : vector<16xi32>
      %select_n3A_294 = arith.select %and3A, %sub3A_261, %and3A_293 : vector<16xi1>, vector<16xi32>
      %swap3A_295 = arith.index_cast %add3A_252 : i32 to index
      %swap3A_296 = tpu.vector_load %arg18[%swap3A_295] {strides = array<i32>} : memref<2048xi32, #tpu.memory_space<vmem>>, vector<16xi32>,
      %swap3A_297 = vector.shape_cast %swap3A_296 : vector<16xi32> to vector<16xi32>
      %swap3A_298 = vector.shape_cast %select_n3A_294 : vector<16xi32> to vector<16xi32>
      tpu.vector_store %arg18[%swap3A_295], %swap3A_298 {strides = array<i32>} : memref<2048xi32, #tpu.memory_space<vmem>>, vector<16xi32>,
      %jit3A_299 = arith.constant 1.000000e+00 : f32
      %jit3A_300 = arith.constant 0.000000e+00 : f32
      %broadcast_in_dim3A_301 = vector.broadcast %jit3A_299 : f32 to vector<16xf32>
      %broadcast_in_dim3A_302 = vector.broadcast %jit3A_300 : f32 to vector<16xf32>
      %select_n3A_303 = arith.select %and3A, %broadcast_in_dim3A_301, %broadcast_in_dim3A_302 : vector<16xi1>, vector<16xf32>
      %swap3A_304 = arith.index_cast %add3A_252 : i32 to index
      %swap3A_305 = tpu.vector_load %arg19[%swap3A_304] {strides = array<i32>} : memref<2048xf32, #tpu.memory_space<vmem>>, vector<16xf32>,
      %swap3A_306 = vector.shape_cast %swap3A_305 : vector<16xf32> to vector<16xf32>
      %swap3A_307 = vector.shape_cast %select_n3A_303 : vector<16xf32> to vector<16xf32>
      tpu.vector_store %arg19[%swap3A_304], %swap3A_307 {strides = array<i32>} : memref<2048xf32, #tpu.memory_space<vmem>>, vector<16xf32>,
      %mul3A_308 = arith.constant 128 : i32
      %mul3A_309 = arith.muli %scan3A_248, %mul3A_308 : i32
      %add3A_310 = arith.constant 16 : i32
      %add3A_311 = arith.addi %mul3A_309, %add3A_310 : i32
      %get3A_312 = arith.index_cast %add3A_311 : i32 to index
      %get3A_313 = tpu.vector_load %arg7[%get3A_312] {strides = array<i32>} : memref<2048xi32, #tpu.memory_space<vmem>>, vector<16xi32>,
      %get3A_314 = vector.shape_cast %get3A_313 : vector<16xi32> to vector<16xi32>
      %get3A_315 = arith.index_cast %add3A_311 : i32 to index
      %get3A_316 = tpu.vector_load %arg8[%get3A_315] {strides = array<i32>} : memref<2048xi32, #tpu.memory_space<vmem>>, vector<16xi32>,
      %get3A_317 = vector.shape_cast %get3A_316 : vector<16xi32> to vector<16xi32>
      %get3A_318 = arith.index_cast %add3A_311 : i32 to index
      %get3A_319 = tpu.vector_load %arg9[%get3A_318] {strides = array<i32>} : memref<2048xf32, #tpu.memory_space<vmem>>, vector<16xf32>,
      %get3A_320 = vector.shape_cast %get3A_319 : vector<16xf32> to vector<16xf32>
      %sub3A_321 = vector.broadcast %mul3A_82 : i32 to vector<16xi32>
      %sub3A_322 = arith.subi %get3A_317, %sub3A_321 : vector<16xi32>
      %sub3A_323 = arith.constant 0 : i32
      %sub3A_324 = vector.broadcast %sub3A_323 : i32 to vector<16xi32>
      %sub3A_325 = arith.subi %get3A_314, %sub3A_324 : vector<16xi32>
      %ge3A_326 = vector.broadcast %mul3A_82 : i32 to vector<16xi32>
      %ge3A_327 = arith.cmpi sge, %get3A_317, %ge3A_326 : vector<16xi32>
      %add3A_328 = arith.constant 1024 : i32
      %add3A_329 = arith.addi %mul3A_82, %add3A_328 : i32
      %lt3A_330 = vector.broadcast %add3A_329 : i32 to vector<16xi32>
      %lt3A_331 = arith.cmpi slt, %get3A_317, %lt3A_330 : vector<16xi32>
      %and3A_332 = arith.andi %ge3A_327, %lt3A_331 : vector<16xi1>
      %ge3A_333 = arith.constant 0 : i32
      %ge3A_334 = vector.broadcast %ge3A_333 : i32 to vector<16xi32>
      %ge3A_335 = arith.cmpi sge, %get3A_314, %ge3A_334 : vector<16xi32>
      %and3A_336 = arith.andi %and3A_332, %ge3A_335 : vector<16xi1>
      %lt3A_337 = arith.constant 512 : i32
      %lt3A_338 = vector.broadcast %lt3A_337 : i32 to vector<16xi32>
      %lt3A_339 = arith.cmpi slt, %get3A_314, %lt3A_338 : vector<16xi32>
      %and3A_340 = arith.andi %and3A_336, %lt3A_339 : vector<16xi1>
      %iota3A_341 = tpu.iota {dimensions = array<i32: 0>} : vector<16xi32>
      %add3A_342 = vector.broadcast %add3A_311 : i32 to vector<16xi32>
      %add3A_343 = arith.addi %iota3A_341, %add3A_342 : vector<16xi32>
      %mul3A_344 = arith.constant 512 : i32
      %mul3A_345 = vector.broadcast %mul3A_344 : i32 to vector<16xi32>
      %mul3A_346 = arith.muli %sub3A_322, %mul3A_345 : vector<16xi32>
      %add3A_347 = arith.addi %mul3A_346, %sub3A_325 : vector<16xi32>
      %select_n3A_348 = arith.select %and3A_340, %add3A_347, %add3A_343 : vector<16xi1>, vector<16xi32>
      %swap3A_349 = arith.index_cast %add3A_311 : i32 to index
      %swap3A_350 = tpu.vector_load %arg10[%swap3A_349] {strides = array<i32>} : memref<2048xi32, #tpu.memory_space<vmem>>, vector<16xi32>,
      %swap3A_351 = vector.shape_cast %swap3A_350 : vector<16xi32> to vector<16xi32>
      %swap3A_352 = vector.shape_cast %select_n3A_348 : vector<16xi32> to vector<16xi32>
      tpu.vector_store %arg10[%swap3A_349], %swap3A_352 {strides = array<i32>} : memref<2048xi32, #tpu.memory_space<vmem>>, vector<16xi32>,
      %jit3A_353 = arith.constant 0.000000e+00 : f32
      %broadcast_in_dim3A_354 = vector.broadcast %jit3A_353 : f32 to vector<16xf32>
      %select_n3A_355 = arith.select %and3A_340, %get3A_320, %broadcast_in_dim3A_354 : vector<16xi1>, vector<16xf32>
      %swap3A_356 = arith.index_cast %add3A_311 : i32 to index
      %swap3A_357 = tpu.vector_load %arg14[%swap3A_356] {strides = array<i32>} : memref<2048xf32, #tpu.memory_space<vmem>>, vector<16xf32>,
      %swap3A_358 = vector.shape_cast %swap3A_357 : vector<16xf32> to vector<16xf32>
      %swap3A_359 = vector.shape_cast %select_n3A_355 : vector<16xf32> to vector<16xf32>
      tpu.vector_store %arg14[%swap3A_356], %swap3A_359 {strides = array<i32>} : memref<2048xf32, #tpu.memory_space<vmem>>, vector<16xf32>,
      %and3A_360 = arith.constant 1023 : i32
      %and3A_361 = vector.broadcast %and3A_360 : i32 to vector<16xi32>
      %and3A_362 = arith.andi %add3A_343, %and3A_361 : vector<16xi32>
      %select_n3A_363 = arith.select %and3A_332, %sub3A_322, %and3A_362 : vector<16xi1>, vector<16xi32>
      %swap3A_364 = arith.index_cast %add3A_311 : i32 to index
      %swap3A_365 = tpu.vector_load %arg18[%swap3A_364] {strides = array<i32>} : memref<2048xi32, #tpu.memory_space<vmem>>, vector<16xi32>,
      %swap3A_366 = vector.shape_cast %swap3A_365 : vector<16xi32> to vector<16xi32>
      %swap3A_367 = vector.shape_cast %select_n3A_363 : vector<16xi32> to vector<16xi32>
      tpu.vector_store %arg18[%swap3A_364], %swap3A_367 {strides = array<i32>} : memref<2048xi32, #tpu.memory_space<vmem>>, vector<16xi32>,
      %jit3A_368 = arith.constant 1.000000e+00 : f32
      %jit3A_369 = arith.constant 0.000000e+00 : f32
      %broadcast_in_dim3A_370 = vector.broadcast %jit3A_368 : f32 to vector<16xf32>
      %broadcast_in_dim3A_371 = vector.broadcast %jit3A_369 : f32 to vector<16xf32>
      %select_n3A_372 = arith.select %and3A_332, %broadcast_in_dim3A_370, %broadcast_in_dim3A_371 : vector<16xi1>, vector<16xf32>
      %swap3A_373 = arith.index_cast %add3A_311 : i32 to index
      %swap3A_374 = tpu.vector_load %arg19[%swap3A_373] {strides = array<i32>} : memref<2048xf32, #tpu.memory_space<vmem>>, vector<16xf32>,
      %swap3A_375 = vector.shape_cast %swap3A_374 : vector<16xf32> to vector<16xf32>
      %swap3A_376 = vector.shape_cast %select_n3A_372 : vector<16xf32> to vector<16xf32>
      tpu.vector_store %arg19[%swap3A_373], %swap3A_376 {strides = array<i32>} : memref<2048xf32, #tpu.memory_space<vmem>>, vector<16xf32>,
      %mul3A_377 = arith.constant 128 : i32
      %mul3A_378 = arith.muli %scan3A_248, %mul3A_377 : i32
      %add3A_379 = arith.constant 32 : i32
      %add3A_380 = arith.addi %mul3A_378, %add3A_379 : i32
      %get3A_381 = arith.index_cast %add3A_380 : i32 to index
      %get3A_382 = tpu.vector_load %arg7[%get3A_381] {strides = array<i32>} : memref<2048xi32, #tpu.memory_space<vmem>>, vector<16xi32>,
      %get3A_383 = vector.shape_cast %get3A_382 : vector<16xi32> to vector<16xi32>
      %get3A_384 = arith.index_cast %add3A_380 : i32 to index
      %get3A_385 = tpu.vector_load %arg8[%get3A_384] {strides = array<i32>} : memref<2048xi32, #tpu.memory_space<vmem>>, vector<16xi32>,
      %get3A_386 = vector.shape_cast %get3A_385 : vector<16xi32> to vector<16xi32>
      %get3A_387 = arith.index_cast %add3A_380 : i32 to index
      %get3A_388 = tpu.vector_load %arg9[%get3A_387] {strides = array<i32>} : memref<2048xf32, #tpu.memory_space<vmem>>, vector<16xf32>,
      %get3A_389 = vector.shape_cast %get3A_388 : vector<16xf32> to vector<16xf32>
      %sub3A_390 = vector.broadcast %mul3A_82 : i32 to vector<16xi32>
      %sub3A_391 = arith.subi %get3A_386, %sub3A_390 : vector<16xi32>
      %sub3A_392 = arith.constant 0 : i32
      %sub3A_393 = vector.broadcast %sub3A_392 : i32 to vector<16xi32>
      %sub3A_394 = arith.subi %get3A_383, %sub3A_393 : vector<16xi32>
      %ge3A_395 = vector.broadcast %mul3A_82 : i32 to vector<16xi32>
      %ge3A_396 = arith.cmpi sge, %get3A_386, %ge3A_395 : vector<16xi32>
      %add3A_397 = arith.constant 1024 : i32
      %add3A_398 = arith.addi %mul3A_82, %add3A_397 : i32
      %lt3A_399 = vector.broadcast %add3A_398 : i32 to vector<16xi32>
      %lt3A_400 = arith.cmpi slt, %get3A_386, %lt3A_399 : vector<16xi32>
      %and3A_401 = arith.andi %ge3A_396, %lt3A_400 : vector<16xi1>
      %ge3A_402 = arith.constant 0 : i32
      %ge3A_403 = vector.broadcast %ge3A_402 : i32 to vector<16xi32>
      %ge3A_404 = arith.cmpi sge, %get3A_383, %ge3A_403 : vector<16xi32>
      %and3A_405 = arith.andi %and3A_401, %ge3A_404 : vector<16xi1>
      %lt3A_406 = arith.constant 512 : i32
      %lt3A_407 = vector.broadcast %lt3A_406 : i32 to vector<16xi32>
      %lt3A_408 = arith.cmpi slt, %get3A_383, %lt3A_407 : vector<16xi32>
      %and3A_409 = arith.andi %and3A_405, %lt3A_408 : vector<16xi1>
      %iota3A_410 = tpu.iota {dimensions = array<i32: 0>} : vector<16xi32>
      %add3A_411 = vector.broadcast %add3A_380 : i32 to vector<16xi32>
      %add3A_412 = arith.addi %iota3A_410, %add3A_411 : vector<16xi32>
      %mul3A_413 = arith.constant 512 : i32
      %mul3A_414 = vector.broadcast %mul3A_413 : i32 to vector<16xi32>
      %mul3A_415 = arith.muli %sub3A_391, %mul3A_414 : vector<16xi32>
      %add3A_416 = arith.addi %mul3A_415, %sub3A_394 : vector<16xi32>
      %select_n3A_417 = arith.select %and3A_409, %add3A_416, %add3A_412 : vector<16xi1>, vector<16xi32>
      %swap3A_418 = arith.index_cast %add3A_380 : i32 to index
      %swap3A_419 = tpu.vector_load %arg10[%swap3A_418] {strides = array<i32>} : memref<2048xi32, #tpu.memory_space<vmem>>, vector<16xi32>,
      %swap3A_420 = vector.shape_cast %swap3A_419 : vector<16xi32> to vector<16xi32>
      %swap3A_421 = vector.shape_cast %select_n3A_417 : vector<16xi32> to vector<16xi32>
      tpu.vector_store %arg10[%swap3A_418], %swap3A_421 {strides = array<i32>} : memref<2048xi32, #tpu.memory_space<vmem>>, vector<16xi32>,
      %jit3A_422 = arith.constant 0.000000e+00 : f32
      %broadcast_in_dim3A_423 = vector.broadcast %jit3A_422 : f32 to vector<16xf32>
      %select_n3A_424 = arith.select %and3A_409, %get3A_389, %broadcast_in_dim3A_423 : vector<16xi1>, vector<16xf32>
      %swap3A_425 = arith.index_cast %add3A_380 : i32 to index
      %swap3A_426 = tpu.vector_load %arg14[%swap3A_425] {strides = array<i32>} : memref<2048xf32, #tpu.memory_space<vmem>>, vector<16xf32>,
      %swap3A_427 = vector.shape_cast %swap3A_426 : vector<16xf32> to vector<16xf32>
      %swap3A_428 = vector.shape_cast %select_n3A_424 : vector<16xf32> to vector<16xf32>
      tpu.vector_store %arg14[%swap3A_425], %swap3A_428 {strides = array<i32>} : memref<2048xf32, #tpu.memory_space<vmem>>, vector<16xf32>,
      %and3A_429 = arith.constant 1023 : i32
      %and3A_430 = vector.broadcast %and3A_429 : i32 to vector<16xi32>
      %and3A_431 = arith.andi %add3A_412, %and3A_430 : vector<16xi32>
      %select_n3A_432 = arith.select %and3A_401, %sub3A_391, %and3A_431 : vector<16xi1>, vector<16xi32>
      %swap3A_433 = arith.index_cast %add3A_380 : i32 to index
      %swap3A_434 = tpu.vector_load %arg18[%swap3A_433] {strides = array<i32>} : memref<2048xi32, #tpu.memory_space<vmem>>, vector<16xi32>,
      %swap3A_435 = vector.shape_cast %swap3A_434 : vector<16xi32> to vector<16xi32>
      %swap3A_436 = vector.shape_cast %select_n3A_432 : vector<16xi32> to vector<16xi32>
      tpu.vector_store %arg18[%swap3A_433], %swap3A_436 {strides = array<i32>} : memref<2048xi32, #tpu.memory_space<vmem>>, vector<16xi32>,
      %jit3A_437 = arith.constant 1.000000e+00 : f32
      %jit3A_438 = arith.constant 0.000000e+00 : f32
      %broadcast_in_dim3A_439 = vector.broadcast %jit3A_437 : f32 to vector<16xf32>
      %broadcast_in_dim3A_440 = vector.broadcast %jit3A_438 : f32 to vector<16xf32>
      %select_n3A_441 = arith.select %and3A_401, %broadcast_in_dim3A_439, %broadcast_in_dim3A_440 : vector<16xi1>, vector<16xf32>
      %swap3A_442 = arith.index_cast %add3A_380 : i32 to index
      %swap3A_443 = tpu.vector_load %arg19[%swap3A_442] {strides = array<i32>} : memref<2048xf32, #tpu.memory_space<vmem>>, vector<16xf32>,
      %swap3A_444 = vector.shape_cast %swap3A_443 : vector<16xf32> to vector<16xf32>
      %swap3A_445 = vector.shape_cast %select_n3A_441 : vector<16xf32> to vector<16xf32>
      tpu.vector_store %arg19[%swap3A_442], %swap3A_445 {strides = array<i32>} : memref<2048xf32, #tpu.memory_space<vmem>>, vector<16xf32>,
      %mul3A_446 = arith.constant 128 : i32
      %mul3A_447 = arith.muli %scan3A_248, %mul3A_446 : i32
      %add3A_448 = arith.constant 48 : i32
      %add3A_449 = arith.addi %mul3A_447, %add3A_448 : i32
      %get3A_450 = arith.index_cast %add3A_449 : i32 to index
      %get3A_451 = tpu.vector_load %arg7[%get3A_450] {strides = array<i32>} : memref<2048xi32, #tpu.memory_space<vmem>>, vector<16xi32>,
      %get3A_452 = vector.shape_cast %get3A_451 : vector<16xi32> to vector<16xi32>
      %get3A_453 = arith.index_cast %add3A_449 : i32 to index
      %get3A_454 = tpu.vector_load %arg8[%get3A_453] {strides = array<i32>} : memref<2048xi32, #tpu.memory_space<vmem>>, vector<16xi32>,
      %get3A_455 = vector.shape_cast %get3A_454 : vector<16xi32> to vector<16xi32>
      %get3A_456 = arith.index_cast %add3A_449 : i32 to index
      %get3A_457 = tpu.vector_load %arg9[%get3A_456] {strides = array<i32>} : memref<2048xf32, #tpu.memory_space<vmem>>, vector<16xf32>,
      %get3A_458 = vector.shape_cast %get3A_457 : vector<16xf32> to vector<16xf32>
      %sub3A_459 = vector.broadcast %mul3A_82 : i32 to vector<16xi32>
      %sub3A_460 = arith.subi %get3A_455, %sub3A_459 : vector<16xi32>
      %sub3A_461 = arith.constant 0 : i32
      %sub3A_462 = vector.broadcast %sub3A_461 : i32 to vector<16xi32>
      %sub3A_463 = arith.subi %get3A_452, %sub3A_462 : vector<16xi32>
      %ge3A_464 = vector.broadcast %mul3A_82 : i32 to vector<16xi32>
      %ge3A_465 = arith.cmpi sge, %get3A_455, %ge3A_464 : vector<16xi32>
      %add3A_466 = arith.constant 1024 : i32
      %add3A_467 = arith.addi %mul3A_82, %add3A_466 : i32
      %lt3A_468 = vector.broadcast %add3A_467 : i32 to vector<16xi32>
      %lt3A_469 = arith.cmpi slt, %get3A_455, %lt3A_468 : vector<16xi32>
      %and3A_470 = arith.andi %ge3A_465, %lt3A_469 : vector<16xi1>
      %ge3A_471 = arith.constant 0 : i32
      %ge3A_472 = vector.broadcast %ge3A_471 : i32 to vector<16xi32>
      %ge3A_473 = arith.cmpi sge, %get3A_452, %ge3A_472 : vector<16xi32>
      %and3A_474 = arith.andi %and3A_470, %ge3A_473 : vector<16xi1>
      %lt3A_475 = arith.constant 512 : i32
      %lt3A_476 = vector.broadcast %lt3A_475 : i32 to vector<16xi32>
      %lt3A_477 = arith.cmpi slt, %get3A_452, %lt3A_476 : vector<16xi32>
      %and3A_478 = arith.andi %and3A_474, %lt3A_477 : vector<16xi1>
      %iota3A_479 = tpu.iota {dimensions = array<i32: 0>} : vector<16xi32>
      %add3A_480 = vector.broadcast %add3A_449 : i32 to vector<16xi32>
      %add3A_481 = arith.addi %iota3A_479, %add3A_480 : vector<16xi32>
      %mul3A_482 = arith.constant 512 : i32
      %mul3A_483 = vector.broadcast %mul3A_482 : i32 to vector<16xi32>
      %mul3A_484 = arith.muli %sub3A_460, %mul3A_483 : vector<16xi32>
      %add3A_485 = arith.addi %mul3A_484, %sub3A_463 : vector<16xi32>
      %select_n3A_486 = arith.select %and3A_478, %add3A_485, %add3A_481 : vector<16xi1>, vector<16xi32>
      %swap3A_487 = arith.index_cast %add3A_449 : i32 to index
      %swap3A_488 = tpu.vector_load %arg10[%swap3A_487] {strides = array<i32>} : memref<2048xi32, #tpu.memory_space<vmem>>, vector<16xi32>,
      %swap3A_489 = vector.shape_cast %swap3A_488 : vector<16xi32> to vector<16xi32>
      %swap3A_490 = vector.shape_cast %select_n3A_486 : vector<16xi32> to vector<16xi32>
      tpu.vector_store %arg10[%swap3A_487], %swap3A_490 {strides = array<i32>} : memref<2048xi32, #tpu.memory_space<vmem>>, vector<16xi32>,
      %jit3A_491 = arith.constant 0.000000e+00 : f32
      %broadcast_in_dim3A_492 = vector.broadcast %jit3A_491 : f32 to vector<16xf32>
      %select_n3A_493 = arith.select %and3A_478, %get3A_458, %broadcast_in_dim3A_492 : vector<16xi1>, vector<16xf32>
      %swap3A_494 = arith.index_cast %add3A_449 : i32 to index
      %swap3A_495 = tpu.vector_load %arg14[%swap3A_494] {strides = array<i32>} : memref<2048xf32, #tpu.memory_space<vmem>>, vector<16xf32>,
      %swap3A_496 = vector.shape_cast %swap3A_495 : vector<16xf32> to vector<16xf32>
      %swap3A_497 = vector.shape_cast %select_n3A_493 : vector<16xf32> to vector<16xf32>
      tpu.vector_store %arg14[%swap3A_494], %swap3A_497 {strides = array<i32>} : memref<2048xf32, #tpu.memory_space<vmem>>, vector<16xf32>,
      %and3A_498 = arith.constant 1023 : i32
      %and3A_499 = vector.broadcast %and3A_498 : i32 to vector<16xi32>
      %and3A_500 = arith.andi %add3A_481, %and3A_499 : vector<16xi32>
      %select_n3A_501 = arith.select %and3A_470, %sub3A_460, %and3A_500 : vector<16xi1>, vector<16xi32>
      %swap3A_502 = arith.index_cast %add3A_449 : i32 to index
      %swap3A_503 = tpu.vector_load %arg18[%swap3A_502] {strides = array<i32>} : memref<2048xi32, #tpu.memory_space<vmem>>, vector<16xi32>,
      %swap3A_504 = vector.shape_cast %swap3A_503 : vector<16xi32> to vector<16xi32>
      %swap3A_505 = vector.shape_cast %select_n3A_501 : vector<16xi32> to vector<16xi32>
      tpu.vector_store %arg18[%swap3A_502], %swap3A_505 {strides = array<i32>} : memref<2048xi32, #tpu.memory_space<vmem>>, vector<16xi32>,
      %jit3A_506 = arith.constant 1.000000e+00 : f32
      %jit3A_507 = arith.constant 0.000000e+00 : f32
      %broadcast_in_dim3A_508 = vector.broadcast %jit3A_506 : f32 to vector<16xf32>
      %broadcast_in_dim3A_509 = vector.broadcast %jit3A_507 : f32 to vector<16xf32>
      %select_n3A_510 = arith.select %and3A_470, %broadcast_in_dim3A_508, %broadcast_in_dim3A_509 : vector<16xi1>, vector<16xf32>
      %swap3A_511 = arith.index_cast %add3A_449 : i32 to index
      %swap3A_512 = tpu.vector_load %arg19[%swap3A_511] {strides = array<i32>} : memref<2048xf32, #tpu.memory_space<vmem>>, vector<16xf32>,
      %swap3A_513 = vector.shape_cast %swap3A_512 : vector<16xf32> to vector<16xf32>
      %swap3A_514 = vector.shape_cast %select_n3A_510 : vector<16xf32> to vector<16xf32>
      tpu.vector_store %arg19[%swap3A_511], %swap3A_514 {strides = array<i32>} : memref<2048xf32, #tpu.memory_space<vmem>>, vector<16xf32>,
      %mul3A_515 = arith.constant 128 : i32
      %mul3A_516 = arith.muli %scan3A_248, %mul3A_515 : i32
      %add3A_517 = arith.constant 64 : i32
      %add3A_518 = arith.addi %mul3A_516, %add3A_517 : i32
      %get3A_519 = arith.index_cast %add3A_518 : i32 to index
      %get3A_520 = tpu.vector_load %arg7[%get3A_519] {strides = array<i32>} : memref<2048xi32, #tpu.memory_space<vmem>>, vector<16xi32>,
      %get3A_521 = vector.shape_cast %get3A_520 : vector<16xi32> to vector<16xi32>
      %get3A_522 = arith.index_cast %add3A_518 : i32 to index
      %get3A_523 = tpu.vector_load %arg8[%get3A_522] {strides = array<i32>} : memref<2048xi32, #tpu.memory_space<vmem>>, vector<16xi32>,
      %get3A_524 = vector.shape_cast %get3A_523 : vector<16xi32> to vector<16xi32>
      %get3A_525 = arith.index_cast %add3A_518 : i32 to index
      %get3A_526 = tpu.vector_load %arg9[%get3A_525] {strides = array<i32>} : memref<2048xf32, #tpu.memory_space<vmem>>, vector<16xf32>,
      %get3A_527 = vector.shape_cast %get3A_526 : vector<16xf32> to vector<16xf32>
      %sub3A_528 = vector.broadcast %mul3A_82 : i32 to vector<16xi32>
      %sub3A_529 = arith.subi %get3A_524, %sub3A_528 : vector<16xi32>
      %sub3A_530 = arith.constant 0 : i32
      %sub3A_531 = vector.broadcast %sub3A_530 : i32 to vector<16xi32>
      %sub3A_532 = arith.subi %get3A_521, %sub3A_531 : vector<16xi32>
      %ge3A_533 = vector.broadcast %mul3A_82 : i32 to vector<16xi32>
      %ge3A_534 = arith.cmpi sge, %get3A_524, %ge3A_533 : vector<16xi32>
      %add3A_535 = arith.constant 1024 : i32
      %add3A_536 = arith.addi %mul3A_82, %add3A_535 : i32
      %lt3A_537 = vector.broadcast %add3A_536 : i32 to vector<16xi32>
      %lt3A_538 = arith.cmpi slt, %get3A_524, %lt3A_537 : vector<16xi32>
      %and3A_539 = arith.andi %ge3A_534, %lt3A_538 : vector<16xi1>
      %ge3A_540 = arith.constant 0 : i32
      %ge3A_541 = vector.broadcast %ge3A_540 : i32 to vector<16xi32>
      %ge3A_542 = arith.cmpi sge, %get3A_521, %ge3A_541 : vector<16xi32>
      %and3A_543 = arith.andi %and3A_539, %ge3A_542 : vector<16xi1>
      %lt3A_544 = arith.constant 512 : i32
      %lt3A_545 = vector.broadcast %lt3A_544 : i32 to vector<16xi32>
      %lt3A_546 = arith.cmpi slt, %get3A_521, %lt3A_545 : vector<16xi32>
      %and3A_547 = arith.andi %and3A_543, %lt3A_546 : vector<16xi1>
      %iota3A_548 = tpu.iota {dimensions = array<i32: 0>} : vector<16xi32>
      %add3A_549 = vector.broadcast %add3A_518 : i32 to vector<16xi32>
      %add3A_550 = arith.addi %iota3A_548, %add3A_549 : vector<16xi32>
      %mul3A_551 = arith.constant 512 : i32
      %mul3A_552 = vector.broadcast %mul3A_551 : i32 to vector<16xi32>
      %mul3A_553 = arith.muli %sub3A_529, %mul3A_552 : vector<16xi32>
      %add3A_554 = arith.addi %mul3A_553, %sub3A_532 : vector<16xi32>
      %select_n3A_555 = arith.select %and3A_547, %add3A_554, %add3A_550 : vector<16xi1>, vector<16xi32>
      %swap3A_556 = arith.index_cast %add3A_518 : i32 to index
      %swap3A_557 = tpu.vector_load %arg10[%swap3A_556] {strides = array<i32>} : memref<2048xi32, #tpu.memory_space<vmem>>, vector<16xi32>,
      %swap3A_558 = vector.shape_cast %swap3A_557 : vector<16xi32> to vector<16xi32>
      %swap3A_559 = vector.shape_cast %select_n3A_555 : vector<16xi32> to vector<16xi32>
      tpu.vector_store %arg10[%swap3A_556], %swap3A_559 {strides = array<i32>} : memref<2048xi32, #tpu.memory_space<vmem>>, vector<16xi32>,
      %jit3A_560 = arith.constant 0.000000e+00 : f32
      %broadcast_in_dim3A_561 = vector.broadcast %jit3A_560 : f32 to vector<16xf32>
      %select_n3A_562 = arith.select %and3A_547, %get3A_527, %broadcast_in_dim3A_561 : vector<16xi1>, vector<16xf32>
      %swap3A_563 = arith.index_cast %add3A_518 : i32 to index
      %swap3A_564 = tpu.vector_load %arg14[%swap3A_563] {strides = array<i32>} : memref<2048xf32, #tpu.memory_space<vmem>>, vector<16xf32>,
      %swap3A_565 = vector.shape_cast %swap3A_564 : vector<16xf32> to vector<16xf32>
      %swap3A_566 = vector.shape_cast %select_n3A_562 : vector<16xf32> to vector<16xf32>
      tpu.vector_store %arg14[%swap3A_563], %swap3A_566 {strides = array<i32>} : memref<2048xf32, #tpu.memory_space<vmem>>, vector<16xf32>,
      %and3A_567 = arith.constant 1023 : i32
      %and3A_568 = vector.broadcast %and3A_567 : i32 to vector<16xi32>
      %and3A_569 = arith.andi %add3A_550, %and3A_568 : vector<16xi32>
      %select_n3A_570 = arith.select %and3A_539, %sub3A_529, %and3A_569 : vector<16xi1>, vector<16xi32>
      %swap3A_571 = arith.index_cast %add3A_518 : i32 to index
      %swap3A_572 = tpu.vector_load %arg18[%swap3A_571] {strides = array<i32>} : memref<2048xi32, #tpu.memory_space<vmem>>, vector<16xi32>,
      %swap3A_573 = vector.shape_cast %swap3A_572 : vector<16xi32> to vector<16xi32>
      %swap3A_574 = vector.shape_cast %select_n3A_570 : vector<16xi32> to vector<16xi32>
      tpu.vector_store %arg18[%swap3A_571], %swap3A_574 {strides = array<i32>} : memref<2048xi32, #tpu.memory_space<vmem>>, vector<16xi32>,
      %jit3A_575 = arith.constant 1.000000e+00 : f32
      %jit3A_576 = arith.constant 0.000000e+00 : f32
      %broadcast_in_dim3A_577 = vector.broadcast %jit3A_575 : f32 to vector<16xf32>
      %broadcast_in_dim3A_578 = vector.broadcast %jit3A_576 : f32 to vector<16xf32>
      %select_n3A_579 = arith.select %and3A_539, %broadcast_in_dim3A_577, %broadcast_in_dim3A_578 : vector<16xi1>, vector<16xf32>
      %swap3A_580 = arith.index_cast %add3A_518 : i32 to index
      %swap3A_581 = tpu.vector_load %arg19[%swap3A_580] {strides = array<i32>} : memref<2048xf32, #tpu.memory_space<vmem>>, vector<16xf32>,
      %swap3A_582 = vector.shape_cast %swap3A_581 : vector<16xf32> to vector<16xf32>
      %swap3A_583 = vector.shape_cast %select_n3A_579 : vector<16xf32> to vector<16xf32>
      tpu.vector_store %arg19[%swap3A_580], %swap3A_583 {strides = array<i32>} : memref<2048xf32, #tpu.memory_space<vmem>>, vector<16xf32>,
      %mul3A_584 = arith.constant 128 : i32
      %mul3A_585 = arith.muli %scan3A_248, %mul3A_584 : i32
      %add3A_586 = arith.constant 80 : i32
      %add3A_587 = arith.addi %mul3A_585, %add3A_586 : i32
      %get3A_588 = arith.index_cast %add3A_587 : i32 to index
      %get3A_589 = tpu.vector_load %arg7[%get3A_588] {strides = array<i32>} : memref<2048xi32, #tpu.memory_space<vmem>>, vector<16xi32>,
      %get3A_590 = vector.shape_cast %get3A_589 : vector<16xi32> to vector<16xi32>
      %get3A_591 = arith.index_cast %add3A_587 : i32 to index
      %get3A_592 = tpu.vector_load %arg8[%get3A_591] {strides = array<i32>} : memref<2048xi32, #tpu.memory_space<vmem>>, vector<16xi32>,
      %get3A_593 = vector.shape_cast %get3A_592 : vector<16xi32> to vector<16xi32>
      %get3A_594 = arith.index_cast %add3A_587 : i32 to index
      %get3A_595 = tpu.vector_load %arg9[%get3A_594] {strides = array<i32>} : memref<2048xf32, #tpu.memory_space<vmem>>, vector<16xf32>,
      %get3A_596 = vector.shape_cast %get3A_595 : vector<16xf32> to vector<16xf32>
      %sub3A_597 = vector.broadcast %mul3A_82 : i32 to vector<16xi32>
      %sub3A_598 = arith.subi %get3A_593, %sub3A_597 : vector<16xi32>
      %sub3A_599 = arith.constant 0 : i32
      %sub3A_600 = vector.broadcast %sub3A_599 : i32 to vector<16xi32>
      %sub3A_601 = arith.subi %get3A_590, %sub3A_600 : vector<16xi32>
      %ge3A_602 = vector.broadcast %mul3A_82 : i32 to vector<16xi32>
      %ge3A_603 = arith.cmpi sge, %get3A_593, %ge3A_602 : vector<16xi32>
      %add3A_604 = arith.constant 1024 : i32
      %add3A_605 = arith.addi %mul3A_82, %add3A_604 : i32
      %lt3A_606 = vector.broadcast %add3A_605 : i32 to vector<16xi32>
      %lt3A_607 = arith.cmpi slt, %get3A_593, %lt3A_606 : vector<16xi32>
      %and3A_608 = arith.andi %ge3A_603, %lt3A_607 : vector<16xi1>
      %ge3A_609 = arith.constant 0 : i32
      %ge3A_610 = vector.broadcast %ge3A_609 : i32 to vector<16xi32>
      %ge3A_611 = arith.cmpi sge, %get3A_590, %ge3A_610 : vector<16xi32>
      %and3A_612 = arith.andi %and3A_608, %ge3A_611 : vector<16xi1>
      %lt3A_613 = arith.constant 512 : i32
      %lt3A_614 = vector.broadcast %lt3A_613 : i32 to vector<16xi32>
      %lt3A_615 = arith.cmpi slt, %get3A_590, %lt3A_614 : vector<16xi32>
      %and3A_616 = arith.andi %and3A_612, %lt3A_615 : vector<16xi1>
      %iota3A_617 = tpu.iota {dimensions = array<i32: 0>} : vector<16xi32>
      %add3A_618 = vector.broadcast %add3A_587 : i32 to vector<16xi32>
      %add3A_619 = arith.addi %iota3A_617, %add3A_618 : vector<16xi32>
      %mul3A_620 = arith.constant 512 : i32
      %mul3A_621 = vector.broadcast %mul3A_620 : i32 to vector<16xi32>
      %mul3A_622 = arith.muli %sub3A_598, %mul3A_621 : vector<16xi32>
      %add3A_623 = arith.addi %mul3A_622, %sub3A_601 : vector<16xi32>
      %select_n3A_624 = arith.select %and3A_616, %add3A_623, %add3A_619 : vector<16xi1>, vector<16xi32>
      %swap3A_625 = arith.index_cast %add3A_587 : i32 to index
      %swap3A_626 = tpu.vector_load %arg10[%swap3A_625] {strides = array<i32>} : memref<2048xi32, #tpu.memory_space<vmem>>, vector<16xi32>,
      %swap3A_627 = vector.shape_cast %swap3A_626 : vector<16xi32> to vector<16xi32>
      %swap3A_628 = vector.shape_cast %select_n3A_624 : vector<16xi32> to vector<16xi32>
      tpu.vector_store %arg10[%swap3A_625], %swap3A_628 {strides = array<i32>} : memref<2048xi32, #tpu.memory_space<vmem>>, vector<16xi32>,
      %jit3A_629 = arith.constant 0.000000e+00 : f32
      %broadcast_in_dim3A_630 = vector.broadcast %jit3A_629 : f32 to vector<16xf32>
      %select_n3A_631 = arith.select %and3A_616, %get3A_596, %broadcast_in_dim3A_630 : vector<16xi1>, vector<16xf32>
      %swap3A_632 = arith.index_cast %add3A_587 : i32 to index
      %swap3A_633 = tpu.vector_load %arg14[%swap3A_632] {strides = array<i32>} : memref<2048xf32, #tpu.memory_space<vmem>>, vector<16xf32>,
      %swap3A_634 = vector.shape_cast %swap3A_633 : vector<16xf32> to vector<16xf32>
      %swap3A_635 = vector.shape_cast %select_n3A_631 : vector<16xf32> to vector<16xf32>
      tpu.vector_store %arg14[%swap3A_632], %swap3A_635 {strides = array<i32>} : memref<2048xf32, #tpu.memory_space<vmem>>, vector<16xf32>,
      %and3A_636 = arith.constant 1023 : i32
      %and3A_637 = vector.broadcast %and3A_636 : i32 to vector<16xi32>
      %and3A_638 = arith.andi %add3A_619, %and3A_637 : vector<16xi32>
      %select_n3A_639 = arith.select %and3A_608, %sub3A_598, %and3A_638 : vector<16xi1>, vector<16xi32>
      %swap3A_640 = arith.index_cast %add3A_587 : i32 to index
      %swap3A_641 = tpu.vector_load %arg18[%swap3A_640] {strides = array<i32>} : memref<2048xi32, #tpu.memory_space<vmem>>, vector<16xi32>,
      %swap3A_642 = vector.shape_cast %swap3A_641 : vector<16xi32> to vector<16xi32>
      %swap3A_643 = vector.shape_cast %select_n3A_639 : vector<16xi32> to vector<16xi32>
      tpu.vector_store %arg18[%swap3A_640], %swap3A_643 {strides = array<i32>} : memref<2048xi32, #tpu.memory_space<vmem>>, vector<16xi32>,
      %jit3A_644 = arith.constant 1.000000e+00 : f32
      %jit3A_645 = arith.constant 0.000000e+00 : f32
      %broadcast_in_dim3A_646 = vector.broadcast %jit3A_644 : f32 to vector<16xf32>
      %broadcast_in_dim3A_647 = vector.broadcast %jit3A_645 : f32 to vector<16xf32>
      %select_n3A_648 = arith.select %and3A_608, %broadcast_in_dim3A_646, %broadcast_in_dim3A_647 : vector<16xi1>, vector<16xf32>
      %swap3A_649 = arith.index_cast %add3A_587 : i32 to index
      %swap3A_650 = tpu.vector_load %arg19[%swap3A_649] {strides = array<i32>} : memref<2048xf32, #tpu.memory_space<vmem>>, vector<16xf32>,
      %swap3A_651 = vector.shape_cast %swap3A_650 : vector<16xf32> to vector<16xf32>
      %swap3A_652 = vector.shape_cast %select_n3A_648 : vector<16xf32> to vector<16xf32>
      tpu.vector_store %arg19[%swap3A_649], %swap3A_652 {strides = array<i32>} : memref<2048xf32, #tpu.memory_space<vmem>>, vector<16xf32>,
      %mul3A_653 = arith.constant 128 : i32
      %mul3A_654 = arith.muli %scan3A_248, %mul3A_653 : i32
      %add3A_655 = arith.constant 96 : i32
      %add3A_656 = arith.addi %mul3A_654, %add3A_655 : i32
      %get3A_657 = arith.index_cast %add3A_656 : i32 to index
      %get3A_658 = tpu.vector_load %arg7[%get3A_657] {strides = array<i32>} : memref<2048xi32, #tpu.memory_space<vmem>>, vector<16xi32>,
      %get3A_659 = vector.shape_cast %get3A_658 : vector<16xi32> to vector<16xi32>
      %get3A_660 = arith.index_cast %add3A_656 : i32 to index
      %get3A_661 = tpu.vector_load %arg8[%get3A_660] {strides = array<i32>} : memref<2048xi32, #tpu.memory_space<vmem>>, vector<16xi32>,
      %get3A_662 = vector.shape_cast %get3A_661 : vector<16xi32> to vector<16xi32>
      %get3A_663 = arith.index_cast %add3A_656 : i32 to index
      %get3A_664 = tpu.vector_load %arg9[%get3A_663] {strides = array<i32>} : memref<2048xf32, #tpu.memory_space<vmem>>, vector<16xf32>,
      %get3A_665 = vector.shape_cast %get3A_664 : vector<16xf32> to vector<16xf32>
      %sub3A_666 = vector.broadcast %mul3A_82 : i32 to vector<16xi32>
      %sub3A_667 = arith.subi %get3A_662, %sub3A_666 : vector<16xi32>
      %sub3A_668 = arith.constant 0 : i32
      %sub3A_669 = vector.broadcast %sub3A_668 : i32 to vector<16xi32>
      %sub3A_670 = arith.subi %get3A_659, %sub3A_669 : vector<16xi32>
      %ge3A_671 = vector.broadcast %mul3A_82 : i32 to vector<16xi32>
      %ge3A_672 = arith.cmpi sge, %get3A_662, %ge3A_671 : vector<16xi32>
      %add3A_673 = arith.constant 1024 : i32
      %add3A_674 = arith.addi %mul3A_82, %add3A_673 : i32
      %lt3A_675 = vector.broadcast %add3A_674 : i32 to vector<16xi32>
      %lt3A_676 = arith.cmpi slt, %get3A_662, %lt3A_675 : vector<16xi32>
      %and3A_677 = arith.andi %ge3A_672, %lt3A_676 : vector<16xi1>
      %ge3A_678 = arith.constant 0 : i32
      %ge3A_679 = vector.broadcast %ge3A_678 : i32 to vector<16xi32>
      %ge3A_680 = arith.cmpi sge, %get3A_659, %ge3A_679 : vector<16xi32>
      %and3A_681 = arith.andi %and3A_677, %ge3A_680 : vector<16xi1>
      %lt3A_682 = arith.constant 512 : i32
      %lt3A_683 = vector.broadcast %lt3A_682 : i32 to vector<16xi32>
      %lt3A_684 = arith.cmpi slt, %get3A_659, %lt3A_683 : vector<16xi32>
      %and3A_685 = arith.andi %and3A_681, %lt3A_684 : vector<16xi1>
      %iota3A_686 = tpu.iota {dimensions = array<i32: 0>} : vector<16xi32>
      %add3A_687 = vector.broadcast %add3A_656 : i32 to vector<16xi32>
      %add3A_688 = arith.addi %iota3A_686, %add3A_687 : vector<16xi32>
      %mul3A_689 = arith.constant 512 : i32
      %mul3A_690 = vector.broadcast %mul3A_689 : i32 to vector<16xi32>
      %mul3A_691 = arith.muli %sub3A_667, %mul3A_690 : vector<16xi32>
      %add3A_692 = arith.addi %mul3A_691, %sub3A_670 : vector<16xi32>
      %select_n3A_693 = arith.select %and3A_685, %add3A_692, %add3A_688 : vector<16xi1>, vector<16xi32>
      %swap3A_694 = arith.index_cast %add3A_656 : i32 to index
      %swap3A_695 = tpu.vector_load %arg10[%swap3A_694] {strides = array<i32>} : memref<2048xi32, #tpu.memory_space<vmem>>, vector<16xi32>,
      %swap3A_696 = vector.shape_cast %swap3A_695 : vector<16xi32> to vector<16xi32>
      %swap3A_697 = vector.shape_cast %select_n3A_693 : vector<16xi32> to vector<16xi32>
      tpu.vector_store %arg10[%swap3A_694], %swap3A_697 {strides = array<i32>} : memref<2048xi32, #tpu.memory_space<vmem>>, vector<16xi32>,
      %jit3A_698 = arith.constant 0.000000e+00 : f32
      %broadcast_in_dim3A_699 = vector.broadcast %jit3A_698 : f32 to vector<16xf32>
      %select_n3A_700 = arith.select %and3A_685, %get3A_665, %broadcast_in_dim3A_699 : vector<16xi1>, vector<16xf32>
      %swap3A_701 = arith.index_cast %add3A_656 : i32 to index
      %swap3A_702 = tpu.vector_load %arg14[%swap3A_701] {strides = array<i32>} : memref<2048xf32, #tpu.memory_space<vmem>>, vector<16xf32>,
      %swap3A_703 = vector.shape_cast %swap3A_702 : vector<16xf32> to vector<16xf32>
      %swap3A_704 = vector.shape_cast %select_n3A_700 : vector<16xf32> to vector<16xf32>
      tpu.vector_store %arg14[%swap3A_701], %swap3A_704 {strides = array<i32>} : memref<2048xf32, #tpu.memory_space<vmem>>, vector<16xf32>,
      %and3A_705 = arith.constant 1023 : i32
      %and3A_706 = vector.broadcast %and3A_705 : i32 to vector<16xi32>
      %and3A_707 = arith.andi %add3A_688, %and3A_706 : vector<16xi32>
      %select_n3A_708 = arith.select %and3A_677, %sub3A_667, %and3A_707 : vector<16xi1>, vector<16xi32>
      %swap3A_709 = arith.index_cast %add3A_656 : i32 to index
      %swap3A_710 = tpu.vector_load %arg18[%swap3A_709] {strides = array<i32>} : memref<2048xi32, #tpu.memory_space<vmem>>, vector<16xi32>,
      %swap3A_711 = vector.shape_cast %swap3A_710 : vector<16xi32> to vector<16xi32>
      %swap3A_712 = vector.shape_cast %select_n3A_708 : vector<16xi32> to vector<16xi32>
      tpu.vector_store %arg18[%swap3A_709], %swap3A_712 {strides = array<i32>} : memref<2048xi32, #tpu.memory_space<vmem>>, vector<16xi32>,
      %jit3A_713 = arith.constant 1.000000e+00 : f32
      %jit3A_714 = arith.constant 0.000000e+00 : f32
      %broadcast_in_dim3A_715 = vector.broadcast %jit3A_713 : f32 to vector<16xf32>
      %broadcast_in_dim3A_716 = vector.broadcast %jit3A_714 : f32 to vector<16xf32>
      %select_n3A_717 = arith.select %and3A_677, %broadcast_in_dim3A_715, %broadcast_in_dim3A_716 : vector<16xi1>, vector<16xf32>
      %swap3A_718 = arith.index_cast %add3A_656 : i32 to index
      %swap3A_719 = tpu.vector_load %arg19[%swap3A_718] {strides = array<i32>} : memref<2048xf32, #tpu.memory_space<vmem>>, vector<16xf32>,
      %swap3A_720 = vector.shape_cast %swap3A_719 : vector<16xf32> to vector<16xf32>
      %swap3A_721 = vector.shape_cast %select_n3A_717 : vector<16xf32> to vector<16xf32>
      tpu.vector_store %arg19[%swap3A_718], %swap3A_721 {strides = array<i32>} : memref<2048xf32, #tpu.memory_space<vmem>>, vector<16xf32>,
      %mul3A_722 = arith.constant 128 : i32
      %mul3A_723 = arith.muli %scan3A_248, %mul3A_722 : i32
      %add3A_724 = arith.constant 112 : i32
      %add3A_725 = arith.addi %mul3A_723, %add3A_724 : i32
      %get3A_726 = arith.index_cast %add3A_725 : i32 to index
      %get3A_727 = tpu.vector_load %arg7[%get3A_726] {strides = array<i32>} : memref<2048xi32, #tpu.memory_space<vmem>>, vector<16xi32>,
      %get3A_728 = vector.shape_cast %get3A_727 : vector<16xi32> to vector<16xi32>
      %get3A_729 = arith.index_cast %add3A_725 : i32 to index
      %get3A_730 = tpu.vector_load %arg8[%get3A_729] {strides = array<i32>} : memref<2048xi32, #tpu.memory_space<vmem>>, vector<16xi32>,
      %get3A_731 = vector.shape_cast %get3A_730 : vector<16xi32> to vector<16xi32>
      %get3A_732 = arith.index_cast %add3A_725 : i32 to index
      %get3A_733 = tpu.vector_load %arg9[%get3A_732] {strides = array<i32>} : memref<2048xf32, #tpu.memory_space<vmem>>, vector<16xf32>,
      %get3A_734 = vector.shape_cast %get3A_733 : vector<16xf32> to vector<16xf32>
      %sub3A_735 = vector.broadcast %mul3A_82 : i32 to vector<16xi32>
      %sub3A_736 = arith.subi %get3A_731, %sub3A_735 : vector<16xi32>
      %sub3A_737 = arith.constant 0 : i32
      %sub3A_738 = vector.broadcast %sub3A_737 : i32 to vector<16xi32>
      %sub3A_739 = arith.subi %get3A_728, %sub3A_738 : vector<16xi32>
      %ge3A_740 = vector.broadcast %mul3A_82 : i32 to vector<16xi32>
      %ge3A_741 = arith.cmpi sge, %get3A_731, %ge3A_740 : vector<16xi32>
      %add3A_742 = arith.constant 1024 : i32
      %add3A_743 = arith.addi %mul3A_82, %add3A_742 : i32
      %lt3A_744 = vector.broadcast %add3A_743 : i32 to vector<16xi32>
      %lt3A_745 = arith.cmpi slt, %get3A_731, %lt3A_744 : vector<16xi32>
      %and3A_746 = arith.andi %ge3A_741, %lt3A_745 : vector<16xi1>
      %ge3A_747 = arith.constant 0 : i32
      %ge3A_748 = vector.broadcast %ge3A_747 : i32 to vector<16xi32>
      %ge3A_749 = arith.cmpi sge, %get3A_728, %ge3A_748 : vector<16xi32>
      %and3A_750 = arith.andi %and3A_746, %ge3A_749 : vector<16xi1>
      %lt3A_751 = arith.constant 512 : i32
      %lt3A_752 = vector.broadcast %lt3A_751 : i32 to vector<16xi32>
      %lt3A_753 = arith.cmpi slt, %get3A_728, %lt3A_752 : vector<16xi32>
      %and3A_754 = arith.andi %and3A_750, %lt3A_753 : vector<16xi1>
      %iota3A_755 = tpu.iota {dimensions = array<i32: 0>} : vector<16xi32>
      %add3A_756 = vector.broadcast %add3A_725 : i32 to vector<16xi32>
      %add3A_757 = arith.addi %iota3A_755, %add3A_756 : vector<16xi32>
      %mul3A_758 = arith.constant 512 : i32
      %mul3A_759 = vector.broadcast %mul3A_758 : i32 to vector<16xi32>
      %mul3A_760 = arith.muli %sub3A_736, %mul3A_759 : vector<16xi32>
      %add3A_761 = arith.addi %mul3A_760, %sub3A_739 : vector<16xi32>
      %select_n3A_762 = arith.select %and3A_754, %add3A_761, %add3A_757 : vector<16xi1>, vector<16xi32>
      %swap3A_763 = arith.index_cast %add3A_725 : i32 to index
      %swap3A_764 = tpu.vector_load %arg10[%swap3A_763] {strides = array<i32>} : memref<2048xi32, #tpu.memory_space<vmem>>, vector<16xi32>,
      %swap3A_765 = vector.shape_cast %swap3A_764 : vector<16xi32> to vector<16xi32>
      %swap3A_766 = vector.shape_cast %select_n3A_762 : vector<16xi32> to vector<16xi32>
      tpu.vector_store %arg10[%swap3A_763], %swap3A_766 {strides = array<i32>} : memref<2048xi32, #tpu.memory_space<vmem>>, vector<16xi32>,
      %jit3A_767 = arith.constant 0.000000e+00 : f32
      %broadcast_in_dim3A_768 = vector.broadcast %jit3A_767 : f32 to vector<16xf32>
      %select_n3A_769 = arith.select %and3A_754, %get3A_734, %broadcast_in_dim3A_768 : vector<16xi1>, vector<16xf32>
      %swap3A_770 = arith.index_cast %add3A_725 : i32 to index
      %swap3A_771 = tpu.vector_load %arg14[%swap3A_770] {strides = array<i32>} : memref<2048xf32, #tpu.memory_space<vmem>>, vector<16xf32>,
      %swap3A_772 = vector.shape_cast %swap3A_771 : vector<16xf32> to vector<16xf32>
      %swap3A_773 = vector.shape_cast %select_n3A_769 : vector<16xf32> to vector<16xf32>
      tpu.vector_store %arg14[%swap3A_770], %swap3A_773 {strides = array<i32>} : memref<2048xf32, #tpu.memory_space<vmem>>, vector<16xf32>,
      %and3A_774 = arith.constant 1023 : i32
      %and3A_775 = vector.broadcast %and3A_774 : i32 to vector<16xi32>
      %and3A_776 = arith.andi %add3A_757, %and3A_775 : vector<16xi32>
      %select_n3A_777 = arith.select %and3A_746, %sub3A_736, %and3A_776 : vector<16xi1>, vector<16xi32>
      %swap3A_778 = arith.index_cast %add3A_725 : i32 to index
      %swap3A_779 = tpu.vector_load %arg18[%swap3A_778] {strides = array<i32>} : memref<2048xi32, #tpu.memory_space<vmem>>, vector<16xi32>,
      %swap3A_780 = vector.shape_cast %swap3A_779 : vector<16xi32> to vector<16xi32>
      %swap3A_781 = vector.shape_cast %select_n3A_777 : vector<16xi32> to vector<16xi32>
      tpu.vector_store %arg18[%swap3A_778], %swap3A_781 {strides = array<i32>} : memref<2048xi32, #tpu.memory_space<vmem>>, vector<16xi32>,
      %jit3A_782 = arith.constant 1.000000e+00 : f32
      %jit3A_783 = arith.constant 0.000000e+00 : f32
      %broadcast_in_dim3A_784 = vector.broadcast %jit3A_782 : f32 to vector<16xf32>
      %broadcast_in_dim3A_785 = vector.broadcast %jit3A_783 : f32 to vector<16xf32>
      %select_n3A_786 = arith.select %and3A_746, %broadcast_in_dim3A_784, %broadcast_in_dim3A_785 : vector<16xi1>, vector<16xf32>
      %swap3A_787 = arith.index_cast %add3A_725 : i32 to index
      %swap3A_788 = tpu.vector_load %arg19[%swap3A_787] {strides = array<i32>} : memref<2048xf32, #tpu.memory_space<vmem>>, vector<16xf32>,
      %swap3A_789 = vector.shape_cast %swap3A_788 : vector<16xf32> to vector<16xf32>
      %swap3A_790 = vector.shape_cast %select_n3A_786 : vector<16xf32> to vector<16xf32>
      tpu.vector_store %arg19[%swap3A_787], %swap3A_790 {strides = array<i32>} : memref<2048xf32, #tpu.memory_space<vmem>>, vector<16xf32>,
    }
    %scan3A_88 = arith.constant 16 : i32
    %dma_start3A_89 = arith.constant 0 : i32
    %dma_start3A_90 = tpu.memref_slice %arg22[%dma_start3A_89] : memref<524288xf32, #tpu.memory_space<vmem_shared>> -> memref<524288xf32, #tpu.memory_space<vmem_shared>>
    tpu.enqueue_indirect_dma source(%arg14 : memref<2048xf32, #tpu.memory_space<vmem>>) target(%dma_start3A_90 : memref<524288xf32, #tpu.memory_space<vmem_shared>>) offsets(%arg10 : memref<2048xi32, #tpu.memory_space<vmem>>) semaphore(%arg25 : memref<!tpu.dma_semaphore, #tpu.memory_space<semaphore_mem>>) {add = true}
    %dma_start3A_91 = arith.constant 0 : i32
    %dma_start3A_92 = tpu.memref_slice %arg24[%dma_start3A_91] : memref<1024xf32, #tpu.memory_space<vmem_shared>> -> memref<1024xf32, #tpu.memory_space<vmem_shared>>
    tpu.enqueue_indirect_dma source(%arg19 : memref<2048xf32, #tpu.memory_space<vmem>>) target(%dma_start3A_92 : memref<1024xf32, #tpu.memory_space<vmem_shared>>) offsets(%arg18 : memref<2048xi32, #tpu.memory_space<vmem>>) semaphore(%arg25 : memref<!tpu.dma_semaphore, #tpu.memory_space<semaphore_mem>>) {add = true}
    %dma_wait3A_93 = arith.constant 0 : i32
    %dma_wait3A_94 = tpu.memref_slice %arg22[%dma_wait3A_93] : memref<524288xf32, #tpu.memory_space<vmem_shared>> -> memref<524288xf32, #tpu.memory_space<vmem_shared>>
    tpu.wait_indirect_dma semaphore(%arg25 : memref<!tpu.dma_semaphore, #tpu.memory_space<semaphore_mem>>) src(%arg14 : memref<2048xf32, #tpu.memory_space<vmem>>) dst(%dma_wait3A_94 : memref<524288xf32, #tpu.memory_space<vmem_shared>>)
    %dma_wait3A_95 = arith.constant 0 : i32
    %dma_wait3A_96 = tpu.memref_slice %arg24[%dma_wait3A_95] : memref<1024xf32, #tpu.memory_space<vmem_shared>> -> memref<1024xf32, #tpu.memory_space<vmem_shared>>
    tpu.wait_indirect_dma semaphore(%arg25 : memref<!tpu.dma_semaphore, #tpu.memory_space<semaphore_mem>>) src(%arg19 : memref<2048xf32, #tpu.memory_space<vmem>>) dst(%dma_wait3A_96 : memref<1024xf32, #tpu.memory_space<vmem_shared>>)
    %barrier3A_97 = arith.constant 0 : index
    tpu.barrier barrier_id(%barrier3A_97)
    %barrier3A_98 = arith.constant 0 : index
    tpu.barrier barrier_id(%barrier3A_98)
    %scan3A_99 = arith.constant 0 : i32
    %scan3A_100 = arith.constant 0 : i32
    %scan3A_101 = arith.constant 16 : i32
    %scan3A_102 = arith.addi %scan3A_100, %scan3A_101 : i32
    %scan3A_103 = arith.constant 1 : i32
    scf.for %scan3A_248 = %scan3A_100 to %scan3A_102 step %scan3A_103  : i32 {
      %mul3A_249 = arith.constant 128 : i32
      %mul3A_250 = arith.muli %scan3A_248, %mul3A_249 : i32
      %add3A_251 = arith.constant 0 : i32
      %add3A_252 = arith.addi %mul3A_250, %add3A_251 : i32
      %get3A = arith.index_cast %add3A_252 : i32 to index
      %get3A_253 = tpu.vector_load %arg7[%get3A] {strides = array<i32>} : memref<2048xi32, #tpu.memory_space<vmem>>, vector<16xi32>,
      %get3A_254 = vector.shape_cast %get3A_253 : vector<16xi32> to vector<16xi32>
      %get3A_255 = arith.index_cast %add3A_252 : i32 to index
      %get3A_256 = tpu.vector_load %arg8[%get3A_255] {strides = array<i32>} : memref<2048xi32, #tpu.memory_space<vmem>>, vector<16xi32>,
      %get3A_257 = vector.shape_cast %get3A_256 : vector<16xi32> to vector<16xi32>
      %get3A_258 = arith.index_cast %add3A_252 : i32 to index
      %get3A_259 = tpu.vector_load %arg9[%get3A_258] {strides = array<i32>} : memref<2048xf32, #tpu.memory_space<vmem>>, vector<16xf32>,
      %get3A_260 = vector.shape_cast %get3A_259 : vector<16xf32> to vector<16xf32>
      %sub3A = vector.broadcast %mul3A_82 : i32 to vector<16xi32>
      %sub3A_261 = arith.subi %get3A_257, %sub3A : vector<16xi32>
      %sub3A_262 = arith.constant 512 : i32
      %sub3A_263 = vector.broadcast %sub3A_262 : i32 to vector<16xi32>
      %sub3A_264 = arith.subi %get3A_254, %sub3A_263 : vector<16xi32>
      %ge3A = vector.broadcast %mul3A_82 : i32 to vector<16xi32>
      %ge3A_265 = arith.cmpi sge, %get3A_257, %ge3A : vector<16xi32>
      %add3A_266 = arith.constant 1024 : i32
      %add3A_267 = arith.addi %mul3A_82, %add3A_266 : i32
      %lt3A = vector.broadcast %add3A_267 : i32 to vector<16xi32>
      %lt3A_268 = arith.cmpi slt, %get3A_257, %lt3A : vector<16xi32>
      %and3A = arith.andi %ge3A_265, %lt3A_268 : vector<16xi1>
      %ge3A_269 = arith.constant 512 : i32
      %ge3A_270 = vector.broadcast %ge3A_269 : i32 to vector<16xi32>
      %ge3A_271 = arith.cmpi sge, %get3A_254, %ge3A_270 : vector<16xi32>
      %and3A_272 = arith.andi %and3A, %ge3A_271 : vector<16xi1>
      %lt3A_273 = arith.constant 1024 : i32
      %lt3A_274 = vector.broadcast %lt3A_273 : i32 to vector<16xi32>
      %lt3A_275 = arith.cmpi slt, %get3A_254, %lt3A_274 : vector<16xi32>
      %and3A_276 = arith.andi %and3A_272, %lt3A_275 : vector<16xi1>
      %iota3A = tpu.iota {dimensions = array<i32: 0>} : vector<16xi32>
      %add3A_277 = vector.broadcast %add3A_252 : i32 to vector<16xi32>
      %add3A_278 = arith.addi %iota3A, %add3A_277 : vector<16xi32>
      %mul3A_279 = arith.constant 512 : i32
      %mul3A_280 = vector.broadcast %mul3A_279 : i32 to vector<16xi32>
      %mul3A_281 = arith.muli %sub3A_261, %mul3A_280 : vector<16xi32>
      %add3A_282 = arith.addi %mul3A_281, %sub3A_264 : vector<16xi32>
      %select_n3A = arith.select %and3A_276, %add3A_282, %add3A_278 : vector<16xi1>, vector<16xi32>
      %swap3A = arith.index_cast %add3A_252 : i32 to index
      %swap3A_283 = tpu.vector_load %arg11[%swap3A] {strides = array<i32>} : memref<2048xi32, #tpu.memory_space<vmem>>, vector<16xi32>,
      %swap3A_284 = vector.shape_cast %swap3A_283 : vector<16xi32> to vector<16xi32>
      %swap3A_285 = vector.shape_cast %select_n3A : vector<16xi32> to vector<16xi32>
      tpu.vector_store %arg11[%swap3A], %swap3A_285 {strides = array<i32>} : memref<2048xi32, #tpu.memory_space<vmem>>, vector<16xi32>,
      %jit3A = arith.constant 0.000000e+00 : f32
      %broadcast_in_dim3A = vector.broadcast %jit3A : f32 to vector<16xf32>
      %select_n3A_286 = arith.select %and3A_276, %get3A_260, %broadcast_in_dim3A : vector<16xi1>, vector<16xf32>
      %swap3A_287 = arith.index_cast %add3A_252 : i32 to index
      %swap3A_288 = tpu.vector_load %arg15[%swap3A_287] {strides = array<i32>} : memref<2048xf32, #tpu.memory_space<vmem>>, vector<16xf32>,
      %swap3A_289 = vector.shape_cast %swap3A_288 : vector<16xf32> to vector<16xf32>
      %swap3A_290 = vector.shape_cast %select_n3A_286 : vector<16xf32> to vector<16xf32>
      tpu.vector_store %arg15[%swap3A_287], %swap3A_290 {strides = array<i32>} : memref<2048xf32, #tpu.memory_space<vmem>>, vector<16xf32>,
      %mul3A_291 = arith.constant 128 : i32
      %mul3A_292 = arith.muli %scan3A_248, %mul3A_291 : i32
      %add3A_293 = arith.constant 16 : i32
      %add3A_294 = arith.addi %mul3A_292, %add3A_293 : i32
      %get3A_295 = arith.index_cast %add3A_294 : i32 to index
      %get3A_296 = tpu.vector_load %arg7[%get3A_295] {strides = array<i32>} : memref<2048xi32, #tpu.memory_space<vmem>>, vector<16xi32>,
      %get3A_297 = vector.shape_cast %get3A_296 : vector<16xi32> to vector<16xi32>
      %get3A_298 = arith.index_cast %add3A_294 : i32 to index
      %get3A_299 = tpu.vector_load %arg8[%get3A_298] {strides = array<i32>} : memref<2048xi32, #tpu.memory_space<vmem>>, vector<16xi32>,
      %get3A_300 = vector.shape_cast %get3A_299 : vector<16xi32> to vector<16xi32>
      %get3A_301 = arith.index_cast %add3A_294 : i32 to index
      %get3A_302 = tpu.vector_load %arg9[%get3A_301] {strides = array<i32>} : memref<2048xf32, #tpu.memory_space<vmem>>, vector<16xf32>,
      %get3A_303 = vector.shape_cast %get3A_302 : vector<16xf32> to vector<16xf32>
      %sub3A_304 = vector.broadcast %mul3A_82 : i32 to vector<16xi32>
      %sub3A_305 = arith.subi %get3A_300, %sub3A_304 : vector<16xi32>
      %sub3A_306 = arith.constant 512 : i32
      %sub3A_307 = vector.broadcast %sub3A_306 : i32 to vector<16xi32>
      %sub3A_308 = arith.subi %get3A_297, %sub3A_307 : vector<16xi32>
      %ge3A_309 = vector.broadcast %mul3A_82 : i32 to vector<16xi32>
      %ge3A_310 = arith.cmpi sge, %get3A_300, %ge3A_309 : vector<16xi32>
      %add3A_311 = arith.constant 1024 : i32
      %add3A_312 = arith.addi %mul3A_82, %add3A_311 : i32
      %lt3A_313 = vector.broadcast %add3A_312 : i32 to vector<16xi32>
      %lt3A_314 = arith.cmpi slt, %get3A_300, %lt3A_313 : vector<16xi32>
      %and3A_315 = arith.andi %ge3A_310, %lt3A_314 : vector<16xi1>
      %ge3A_316 = arith.constant 512 : i32
      %ge3A_317 = vector.broadcast %ge3A_316 : i32 to vector<16xi32>
      %ge3A_318 = arith.cmpi sge, %get3A_297, %ge3A_317 : vector<16xi32>
      %and3A_319 = arith.andi %and3A_315, %ge3A_318 : vector<16xi1>
      %lt3A_320 = arith.constant 1024 : i32
      %lt3A_321 = vector.broadcast %lt3A_320 : i32 to vector<16xi32>
      %lt3A_322 = arith.cmpi slt, %get3A_297, %lt3A_321 : vector<16xi32>
      %and3A_323 = arith.andi %and3A_319, %lt3A_322 : vector<16xi1>
      %iota3A_324 = tpu.iota {dimensions = array<i32: 0>} : vector<16xi32>
      %add3A_325 = vector.broadcast %add3A_294 : i32 to vector<16xi32>
      %add3A_326 = arith.addi %iota3A_324, %add3A_325 : vector<16xi32>
      %mul3A_327 = arith.constant 512 : i32
      %mul3A_328 = vector.broadcast %mul3A_327 : i32 to vector<16xi32>
      %mul3A_329 = arith.muli %sub3A_305, %mul3A_328 : vector<16xi32>
      %add3A_330 = arith.addi %mul3A_329, %sub3A_308 : vector<16xi32>
      %select_n3A_331 = arith.select %and3A_323, %add3A_330, %add3A_326 : vector<16xi1>, vector<16xi32>
      %swap3A_332 = arith.index_cast %add3A_294 : i32 to index
      %swap3A_333 = tpu.vector_load %arg11[%swap3A_332] {strides = array<i32>} : memref<2048xi32, #tpu.memory_space<vmem>>, vector<16xi32>,
      %swap3A_334 = vector.shape_cast %swap3A_333 : vector<16xi32> to vector<16xi32>
      %swap3A_335 = vector.shape_cast %select_n3A_331 : vector<16xi32> to vector<16xi32>
      tpu.vector_store %arg11[%swap3A_332], %swap3A_335 {strides = array<i32>} : memref<2048xi32, #tpu.memory_space<vmem>>, vector<16xi32>,
      %jit3A_336 = arith.constant 0.000000e+00 : f32
      %broadcast_in_dim3A_337 = vector.broadcast %jit3A_336 : f32 to vector<16xf32>
      %select_n3A_338 = arith.select %and3A_323, %get3A_303, %broadcast_in_dim3A_337 : vector<16xi1>, vector<16xf32>
      %swap3A_339 = arith.index_cast %add3A_294 : i32 to index
      %swap3A_340 = tpu.vector_load %arg15[%swap3A_339] {strides = array<i32>} : memref<2048xf32, #tpu.memory_space<vmem>>, vector<16xf32>,
      %swap3A_341 = vector.shape_cast %swap3A_340 : vector<16xf32> to vector<16xf32>
      %swap3A_342 = vector.shape_cast %select_n3A_338 : vector<16xf32> to vector<16xf32>
      tpu.vector_store %arg15[%swap3A_339], %swap3A_342 {strides = array<i32>} : memref<2048xf32, #tpu.memory_space<vmem>>, vector<16xf32>,
      %mul3A_343 = arith.constant 128 : i32
      %mul3A_344 = arith.muli %scan3A_248, %mul3A_343 : i32
      %add3A_345 = arith.constant 32 : i32
      %add3A_346 = arith.addi %mul3A_344, %add3A_345 : i32
      %get3A_347 = arith.index_cast %add3A_346 : i32 to index
      %get3A_348 = tpu.vector_load %arg7[%get3A_347] {strides = array<i32>} : memref<2048xi32, #tpu.memory_space<vmem>>, vector<16xi32>,
      %get3A_349 = vector.shape_cast %get3A_348 : vector<16xi32> to vector<16xi32>
      %get3A_350 = arith.index_cast %add3A_346 : i32 to index
      %get3A_351 = tpu.vector_load %arg8[%get3A_350] {strides = array<i32>} : memref<2048xi32, #tpu.memory_space<vmem>>, vector<16xi32>,
      %get3A_352 = vector.shape_cast %get3A_351 : vector<16xi32> to vector<16xi32>
      %get3A_353 = arith.index_cast %add3A_346 : i32 to index
      %get3A_354 = tpu.vector_load %arg9[%get3A_353] {strides = array<i32>} : memref<2048xf32, #tpu.memory_space<vmem>>, vector<16xf32>,
      %get3A_355 = vector.shape_cast %get3A_354 : vector<16xf32> to vector<16xf32>
      %sub3A_356 = vector.broadcast %mul3A_82 : i32 to vector<16xi32>
      %sub3A_357 = arith.subi %get3A_352, %sub3A_356 : vector<16xi32>
      %sub3A_358 = arith.constant 512 : i32
      %sub3A_359 = vector.broadcast %sub3A_358 : i32 to vector<16xi32>
      %sub3A_360 = arith.subi %get3A_349, %sub3A_359 : vector<16xi32>
      %ge3A_361 = vector.broadcast %mul3A_82 : i32 to vector<16xi32>
      %ge3A_362 = arith.cmpi sge, %get3A_352, %ge3A_361 : vector<16xi32>
      %add3A_363 = arith.constant 1024 : i32
      %add3A_364 = arith.addi %mul3A_82, %add3A_363 : i32
      %lt3A_365 = vector.broadcast %add3A_364 : i32 to vector<16xi32>
      %lt3A_366 = arith.cmpi slt, %get3A_352, %lt3A_365 : vector<16xi32>
      %and3A_367 = arith.andi %ge3A_362, %lt3A_366 : vector<16xi1>
      %ge3A_368 = arith.constant 512 : i32
      %ge3A_369 = vector.broadcast %ge3A_368 : i32 to vector<16xi32>
      %ge3A_370 = arith.cmpi sge, %get3A_349, %ge3A_369 : vector<16xi32>
      %and3A_371 = arith.andi %and3A_367, %ge3A_370 : vector<16xi1>
      %lt3A_372 = arith.constant 1024 : i32
      %lt3A_373 = vector.broadcast %lt3A_372 : i32 to vector<16xi32>
      %lt3A_374 = arith.cmpi slt, %get3A_349, %lt3A_373 : vector<16xi32>
      %and3A_375 = arith.andi %and3A_371, %lt3A_374 : vector<16xi1>
      %iota3A_376 = tpu.iota {dimensions = array<i32: 0>} : vector<16xi32>
      %add3A_377 = vector.broadcast %add3A_346 : i32 to vector<16xi32>
      %add3A_378 = arith.addi %iota3A_376, %add3A_377 : vector<16xi32>
      %mul3A_379 = arith.constant 512 : i32
      %mul3A_380 = vector.broadcast %mul3A_379 : i32 to vector<16xi32>
      %mul3A_381 = arith.muli %sub3A_357, %mul3A_380 : vector<16xi32>
      %add3A_382 = arith.addi %mul3A_381, %sub3A_360 : vector<16xi32>
      %select_n3A_383 = arith.select %and3A_375, %add3A_382, %add3A_378 : vector<16xi1>, vector<16xi32>
      %swap3A_384 = arith.index_cast %add3A_346 : i32 to index
      %swap3A_385 = tpu.vector_load %arg11[%swap3A_384] {strides = array<i32>} : memref<2048xi32, #tpu.memory_space<vmem>>, vector<16xi32>,
      %swap3A_386 = vector.shape_cast %swap3A_385 : vector<16xi32> to vector<16xi32>
      %swap3A_387 = vector.shape_cast %select_n3A_383 : vector<16xi32> to vector<16xi32>
      tpu.vector_store %arg11[%swap3A_384], %swap3A_387 {strides = array<i32>} : memref<2048xi32, #tpu.memory_space<vmem>>, vector<16xi32>,
      %jit3A_388 = arith.constant 0.000000e+00 : f32
      %broadcast_in_dim3A_389 = vector.broadcast %jit3A_388 : f32 to vector<16xf32>
      %select_n3A_390 = arith.select %and3A_375, %get3A_355, %broadcast_in_dim3A_389 : vector<16xi1>, vector<16xf32>
      %swap3A_391 = arith.index_cast %add3A_346 : i32 to index
      %swap3A_392 = tpu.vector_load %arg15[%swap3A_391] {strides = array<i32>} : memref<2048xf32, #tpu.memory_space<vmem>>, vector<16xf32>,
      %swap3A_393 = vector.shape_cast %swap3A_392 : vector<16xf32> to vector<16xf32>
      %swap3A_394 = vector.shape_cast %select_n3A_390 : vector<16xf32> to vector<16xf32>
      tpu.vector_store %arg15[%swap3A_391], %swap3A_394 {strides = array<i32>} : memref<2048xf32, #tpu.memory_space<vmem>>, vector<16xf32>,
      %mul3A_395 = arith.constant 128 : i32
      %mul3A_396 = arith.muli %scan3A_248, %mul3A_395 : i32
      %add3A_397 = arith.constant 48 : i32
      %add3A_398 = arith.addi %mul3A_396, %add3A_397 : i32
      %get3A_399 = arith.index_cast %add3A_398 : i32 to index
      %get3A_400 = tpu.vector_load %arg7[%get3A_399] {strides = array<i32>} : memref<2048xi32, #tpu.memory_space<vmem>>, vector<16xi32>,
      %get3A_401 = vector.shape_cast %get3A_400 : vector<16xi32> to vector<16xi32>
      %get3A_402 = arith.index_cast %add3A_398 : i32 to index
      %get3A_403 = tpu.vector_load %arg8[%get3A_402] {strides = array<i32>} : memref<2048xi32, #tpu.memory_space<vmem>>, vector<16xi32>,
      %get3A_404 = vector.shape_cast %get3A_403 : vector<16xi32> to vector<16xi32>
      %get3A_405 = arith.index_cast %add3A_398 : i32 to index
      %get3A_406 = tpu.vector_load %arg9[%get3A_405] {strides = array<i32>} : memref<2048xf32, #tpu.memory_space<vmem>>, vector<16xf32>,
      %get3A_407 = vector.shape_cast %get3A_406 : vector<16xf32> to vector<16xf32>
      %sub3A_408 = vector.broadcast %mul3A_82 : i32 to vector<16xi32>
      %sub3A_409 = arith.subi %get3A_404, %sub3A_408 : vector<16xi32>
      %sub3A_410 = arith.constant 512 : i32
      %sub3A_411 = vector.broadcast %sub3A_410 : i32 to vector<16xi32>
      %sub3A_412 = arith.subi %get3A_401, %sub3A_411 : vector<16xi32>
      %ge3A_413 = vector.broadcast %mul3A_82 : i32 to vector<16xi32>
      %ge3A_414 = arith.cmpi sge, %get3A_404, %ge3A_413 : vector<16xi32>
      %add3A_415 = arith.constant 1024 : i32
      %add3A_416 = arith.addi %mul3A_82, %add3A_415 : i32
      %lt3A_417 = vector.broadcast %add3A_416 : i32 to vector<16xi32>
      %lt3A_418 = arith.cmpi slt, %get3A_404, %lt3A_417 : vector<16xi32>
      %and3A_419 = arith.andi %ge3A_414, %lt3A_418 : vector<16xi1>
      %ge3A_420 = arith.constant 512 : i32
      %ge3A_421 = vector.broadcast %ge3A_420 : i32 to vector<16xi32>
      %ge3A_422 = arith.cmpi sge, %get3A_401, %ge3A_421 : vector<16xi32>
      %and3A_423 = arith.andi %and3A_419, %ge3A_422 : vector<16xi1>
      %lt3A_424 = arith.constant 1024 : i32
      %lt3A_425 = vector.broadcast %lt3A_424 : i32 to vector<16xi32>
      %lt3A_426 = arith.cmpi slt, %get3A_401, %lt3A_425 : vector<16xi32>
      %and3A_427 = arith.andi %and3A_423, %lt3A_426 : vector<16xi1>
      %iota3A_428 = tpu.iota {dimensions = array<i32: 0>} : vector<16xi32>
      %add3A_429 = vector.broadcast %add3A_398 : i32 to vector<16xi32>
      %add3A_430 = arith.addi %iota3A_428, %add3A_429 : vector<16xi32>
      %mul3A_431 = arith.constant 512 : i32
      %mul3A_432 = vector.broadcast %mul3A_431 : i32 to vector<16xi32>
      %mul3A_433 = arith.muli %sub3A_409, %mul3A_432 : vector<16xi32>
      %add3A_434 = arith.addi %mul3A_433, %sub3A_412 : vector<16xi32>
      %select_n3A_435 = arith.select %and3A_427, %add3A_434, %add3A_430 : vector<16xi1>, vector<16xi32>
      %swap3A_436 = arith.index_cast %add3A_398 : i32 to index
      %swap3A_437 = tpu.vector_load %arg11[%swap3A_436] {strides = array<i32>} : memref<2048xi32, #tpu.memory_space<vmem>>, vector<16xi32>,
      %swap3A_438 = vector.shape_cast %swap3A_437 : vector<16xi32> to vector<16xi32>
      %swap3A_439 = vector.shape_cast %select_n3A_435 : vector<16xi32> to vector<16xi32>
      tpu.vector_store %arg11[%swap3A_436], %swap3A_439 {strides = array<i32>} : memref<2048xi32, #tpu.memory_space<vmem>>, vector<16xi32>,
      %jit3A_440 = arith.constant 0.000000e+00 : f32
      %broadcast_in_dim3A_441 = vector.broadcast %jit3A_440 : f32 to vector<16xf32>
      %select_n3A_442 = arith.select %and3A_427, %get3A_407, %broadcast_in_dim3A_441 : vector<16xi1>, vector<16xf32>
      %swap3A_443 = arith.index_cast %add3A_398 : i32 to index
      %swap3A_444 = tpu.vector_load %arg15[%swap3A_443] {strides = array<i32>} : memref<2048xf32, #tpu.memory_space<vmem>>, vector<16xf32>,
      %swap3A_445 = vector.shape_cast %swap3A_444 : vector<16xf32> to vector<16xf32>
      %swap3A_446 = vector.shape_cast %select_n3A_442 : vector<16xf32> to vector<16xf32>
      tpu.vector_store %arg15[%swap3A_443], %swap3A_446 {strides = array<i32>} : memref<2048xf32, #tpu.memory_space<vmem>>, vector<16xf32>,
      %mul3A_447 = arith.constant 128 : i32
      %mul3A_448 = arith.muli %scan3A_248, %mul3A_447 : i32
      %add3A_449 = arith.constant 64 : i32
      %add3A_450 = arith.addi %mul3A_448, %add3A_449 : i32
      %get3A_451 = arith.index_cast %add3A_450 : i32 to index
      %get3A_452 = tpu.vector_load %arg7[%get3A_451] {strides = array<i32>} : memref<2048xi32, #tpu.memory_space<vmem>>, vector<16xi32>,
      %get3A_453 = vector.shape_cast %get3A_452 : vector<16xi32> to vector<16xi32>
      %get3A_454 = arith.index_cast %add3A_450 : i32 to index
      %get3A_455 = tpu.vector_load %arg8[%get3A_454] {strides = array<i32>} : memref<2048xi32, #tpu.memory_space<vmem>>, vector<16xi32>,
      %get3A_456 = vector.shape_cast %get3A_455 : vector<16xi32> to vector<16xi32>
      %get3A_457 = arith.index_cast %add3A_450 : i32 to index
      %get3A_458 = tpu.vector_load %arg9[%get3A_457] {strides = array<i32>} : memref<2048xf32, #tpu.memory_space<vmem>>, vector<16xf32>,
      %get3A_459 = vector.shape_cast %get3A_458 : vector<16xf32> to vector<16xf32>
      %sub3A_460 = vector.broadcast %mul3A_82 : i32 to vector<16xi32>
      %sub3A_461 = arith.subi %get3A_456, %sub3A_460 : vector<16xi32>
      %sub3A_462 = arith.constant 512 : i32
      %sub3A_463 = vector.broadcast %sub3A_462 : i32 to vector<16xi32>
      %sub3A_464 = arith.subi %get3A_453, %sub3A_463 : vector<16xi32>
      %ge3A_465 = vector.broadcast %mul3A_82 : i32 to vector<16xi32>
      %ge3A_466 = arith.cmpi sge, %get3A_456, %ge3A_465 : vector<16xi32>
      %add3A_467 = arith.constant 1024 : i32
      %add3A_468 = arith.addi %mul3A_82, %add3A_467 : i32
      %lt3A_469 = vector.broadcast %add3A_468 : i32 to vector<16xi32>
      %lt3A_470 = arith.cmpi slt, %get3A_456, %lt3A_469 : vector<16xi32>
      %and3A_471 = arith.andi %ge3A_466, %lt3A_470 : vector<16xi1>
      %ge3A_472 = arith.constant 512 : i32
      %ge3A_473 = vector.broadcast %ge3A_472 : i32 to vector<16xi32>
      %ge3A_474 = arith.cmpi sge, %get3A_453, %ge3A_473 : vector<16xi32>
      %and3A_475 = arith.andi %and3A_471, %ge3A_474 : vector<16xi1>
      %lt3A_476 = arith.constant 1024 : i32
      %lt3A_477 = vector.broadcast %lt3A_476 : i32 to vector<16xi32>
      %lt3A_478 = arith.cmpi slt, %get3A_453, %lt3A_477 : vector<16xi32>
      %and3A_479 = arith.andi %and3A_475, %lt3A_478 : vector<16xi1>
      %iota3A_480 = tpu.iota {dimensions = array<i32: 0>} : vector<16xi32>
      %add3A_481 = vector.broadcast %add3A_450 : i32 to vector<16xi32>
      %add3A_482 = arith.addi %iota3A_480, %add3A_481 : vector<16xi32>
      %mul3A_483 = arith.constant 512 : i32
      %mul3A_484 = vector.broadcast %mul3A_483 : i32 to vector<16xi32>
      %mul3A_485 = arith.muli %sub3A_461, %mul3A_484 : vector<16xi32>
      %add3A_486 = arith.addi %mul3A_485, %sub3A_464 : vector<16xi32>
      %select_n3A_487 = arith.select %and3A_479, %add3A_486, %add3A_482 : vector<16xi1>, vector<16xi32>
      %swap3A_488 = arith.index_cast %add3A_450 : i32 to index
      %swap3A_489 = tpu.vector_load %arg11[%swap3A_488] {strides = array<i32>} : memref<2048xi32, #tpu.memory_space<vmem>>, vector<16xi32>,
      %swap3A_490 = vector.shape_cast %swap3A_489 : vector<16xi32> to vector<16xi32>
      %swap3A_491 = vector.shape_cast %select_n3A_487 : vector<16xi32> to vector<16xi32>
      tpu.vector_store %arg11[%swap3A_488], %swap3A_491 {strides = array<i32>} : memref<2048xi32, #tpu.memory_space<vmem>>, vector<16xi32>,
      %jit3A_492 = arith.constant 0.000000e+00 : f32
      %broadcast_in_dim3A_493 = vector.broadcast %jit3A_492 : f32 to vector<16xf32>
      %select_n3A_494 = arith.select %and3A_479, %get3A_459, %broadcast_in_dim3A_493 : vector<16xi1>, vector<16xf32>
      %swap3A_495 = arith.index_cast %add3A_450 : i32 to index
      %swap3A_496 = tpu.vector_load %arg15[%swap3A_495] {strides = array<i32>} : memref<2048xf32, #tpu.memory_space<vmem>>, vector<16xf32>,
      %swap3A_497 = vector.shape_cast %swap3A_496 : vector<16xf32> to vector<16xf32>
      %swap3A_498 = vector.shape_cast %select_n3A_494 : vector<16xf32> to vector<16xf32>
      tpu.vector_store %arg15[%swap3A_495], %swap3A_498 {strides = array<i32>} : memref<2048xf32, #tpu.memory_space<vmem>>, vector<16xf32>,
      %mul3A_499 = arith.constant 128 : i32
      %mul3A_500 = arith.muli %scan3A_248, %mul3A_499 : i32
      %add3A_501 = arith.constant 80 : i32
      %add3A_502 = arith.addi %mul3A_500, %add3A_501 : i32
      %get3A_503 = arith.index_cast %add3A_502 : i32 to index
      %get3A_504 = tpu.vector_load %arg7[%get3A_503] {strides = array<i32>} : memref<2048xi32, #tpu.memory_space<vmem>>, vector<16xi32>,
      %get3A_505 = vector.shape_cast %get3A_504 : vector<16xi32> to vector<16xi32>
      %get3A_506 = arith.index_cast %add3A_502 : i32 to index
      %get3A_507 = tpu.vector_load %arg8[%get3A_506] {strides = array<i32>} : memref<2048xi32, #tpu.memory_space<vmem>>, vector<16xi32>,
      %get3A_508 = vector.shape_cast %get3A_507 : vector<16xi32> to vector<16xi32>
      %get3A_509 = arith.index_cast %add3A_502 : i32 to index
      %get3A_510 = tpu.vector_load %arg9[%get3A_509] {strides = array<i32>} : memref<2048xf32, #tpu.memory_space<vmem>>, vector<16xf32>,
      %get3A_511 = vector.shape_cast %get3A_510 : vector<16xf32> to vector<16xf32>
      %sub3A_512 = vector.broadcast %mul3A_82 : i32 to vector<16xi32>
      %sub3A_513 = arith.subi %get3A_508, %sub3A_512 : vector<16xi32>
      %sub3A_514 = arith.constant 512 : i32
      %sub3A_515 = vector.broadcast %sub3A_514 : i32 to vector<16xi32>
      %sub3A_516 = arith.subi %get3A_505, %sub3A_515 : vector<16xi32>
      %ge3A_517 = vector.broadcast %mul3A_82 : i32 to vector<16xi32>
      %ge3A_518 = arith.cmpi sge, %get3A_508, %ge3A_517 : vector<16xi32>
      %add3A_519 = arith.constant 1024 : i32
      %add3A_520 = arith.addi %mul3A_82, %add3A_519 : i32
      %lt3A_521 = vector.broadcast %add3A_520 : i32 to vector<16xi32>
      %lt3A_522 = arith.cmpi slt, %get3A_508, %lt3A_521 : vector<16xi32>
      %and3A_523 = arith.andi %ge3A_518, %lt3A_522 : vector<16xi1>
      %ge3A_524 = arith.constant 512 : i32
      %ge3A_525 = vector.broadcast %ge3A_524 : i32 to vector<16xi32>
      %ge3A_526 = arith.cmpi sge, %get3A_505, %ge3A_525 : vector<16xi32>
      %and3A_527 = arith.andi %and3A_523, %ge3A_526 : vector<16xi1>
      %lt3A_528 = arith.constant 1024 : i32
      %lt3A_529 = vector.broadcast %lt3A_528 : i32 to vector<16xi32>
      %lt3A_530 = arith.cmpi slt, %get3A_505, %lt3A_529 : vector<16xi32>
      %and3A_531 = arith.andi %and3A_527, %lt3A_530 : vector<16xi1>
      %iota3A_532 = tpu.iota {dimensions = array<i32: 0>} : vector<16xi32>
      %add3A_533 = vector.broadcast %add3A_502 : i32 to vector<16xi32>
      %add3A_534 = arith.addi %iota3A_532, %add3A_533 : vector<16xi32>
      %mul3A_535 = arith.constant 512 : i32
      %mul3A_536 = vector.broadcast %mul3A_535 : i32 to vector<16xi32>
      %mul3A_537 = arith.muli %sub3A_513, %mul3A_536 : vector<16xi32>
      %add3A_538 = arith.addi %mul3A_537, %sub3A_516 : vector<16xi32>
      %select_n3A_539 = arith.select %and3A_531, %add3A_538, %add3A_534 : vector<16xi1>, vector<16xi32>
      %swap3A_540 = arith.index_cast %add3A_502 : i32 to index
      %swap3A_541 = tpu.vector_load %arg11[%swap3A_540] {strides = array<i32>} : memref<2048xi32, #tpu.memory_space<vmem>>, vector<16xi32>,
      %swap3A_542 = vector.shape_cast %swap3A_541 : vector<16xi32> to vector<16xi32>
      %swap3A_543 = vector.shape_cast %select_n3A_539 : vector<16xi32> to vector<16xi32>
      tpu.vector_store %arg11[%swap3A_540], %swap3A_543 {strides = array<i32>} : memref<2048xi32, #tpu.memory_space<vmem>>, vector<16xi32>,
      %jit3A_544 = arith.constant 0.000000e+00 : f32
      %broadcast_in_dim3A_545 = vector.broadcast %jit3A_544 : f32 to vector<16xf32>
      %select_n3A_546 = arith.select %and3A_531, %get3A_511, %broadcast_in_dim3A_545 : vector<16xi1>, vector<16xf32>
      %swap3A_547 = arith.index_cast %add3A_502 : i32 to index
      %swap3A_548 = tpu.vector_load %arg15[%swap3A_547] {strides = array<i32>} : memref<2048xf32, #tpu.memory_space<vmem>>, vector<16xf32>,
      %swap3A_549 = vector.shape_cast %swap3A_548 : vector<16xf32> to vector<16xf32>
      %swap3A_550 = vector.shape_cast %select_n3A_546 : vector<16xf32> to vector<16xf32>
      tpu.vector_store %arg15[%swap3A_547], %swap3A_550 {strides = array<i32>} : memref<2048xf32, #tpu.memory_space<vmem>>, vector<16xf32>,
      %mul3A_551 = arith.constant 128 : i32
      %mul3A_552 = arith.muli %scan3A_248, %mul3A_551 : i32
      %add3A_553 = arith.constant 96 : i32
      %add3A_554 = arith.addi %mul3A_552, %add3A_553 : i32
      %get3A_555 = arith.index_cast %add3A_554 : i32 to index
      %get3A_556 = tpu.vector_load %arg7[%get3A_555] {strides = array<i32>} : memref<2048xi32, #tpu.memory_space<vmem>>, vector<16xi32>,
      %get3A_557 = vector.shape_cast %get3A_556 : vector<16xi32> to vector<16xi32>
      %get3A_558 = arith.index_cast %add3A_554 : i32 to index
      %get3A_559 = tpu.vector_load %arg8[%get3A_558] {strides = array<i32>} : memref<2048xi32, #tpu.memory_space<vmem>>, vector<16xi32>,
      %get3A_560 = vector.shape_cast %get3A_559 : vector<16xi32> to vector<16xi32>
      %get3A_561 = arith.index_cast %add3A_554 : i32 to index
      %get3A_562 = tpu.vector_load %arg9[%get3A_561] {strides = array<i32>} : memref<2048xf32, #tpu.memory_space<vmem>>, vector<16xf32>,
      %get3A_563 = vector.shape_cast %get3A_562 : vector<16xf32> to vector<16xf32>
      %sub3A_564 = vector.broadcast %mul3A_82 : i32 to vector<16xi32>
      %sub3A_565 = arith.subi %get3A_560, %sub3A_564 : vector<16xi32>
      %sub3A_566 = arith.constant 512 : i32
      %sub3A_567 = vector.broadcast %sub3A_566 : i32 to vector<16xi32>
      %sub3A_568 = arith.subi %get3A_557, %sub3A_567 : vector<16xi32>
      %ge3A_569 = vector.broadcast %mul3A_82 : i32 to vector<16xi32>
      %ge3A_570 = arith.cmpi sge, %get3A_560, %ge3A_569 : vector<16xi32>
      %add3A_571 = arith.constant 1024 : i32
      %add3A_572 = arith.addi %mul3A_82, %add3A_571 : i32
      %lt3A_573 = vector.broadcast %add3A_572 : i32 to vector<16xi32>
      %lt3A_574 = arith.cmpi slt, %get3A_560, %lt3A_573 : vector<16xi32>
      %and3A_575 = arith.andi %ge3A_570, %lt3A_574 : vector<16xi1>
      %ge3A_576 = arith.constant 512 : i32
      %ge3A_577 = vector.broadcast %ge3A_576 : i32 to vector<16xi32>
      %ge3A_578 = arith.cmpi sge, %get3A_557, %ge3A_577 : vector<16xi32>
      %and3A_579 = arith.andi %and3A_575, %ge3A_578 : vector<16xi1>
      %lt3A_580 = arith.constant 1024 : i32
      %lt3A_581 = vector.broadcast %lt3A_580 : i32 to vector<16xi32>
      %lt3A_582 = arith.cmpi slt, %get3A_557, %lt3A_581 : vector<16xi32>
      %and3A_583 = arith.andi %and3A_579, %lt3A_582 : vector<16xi1>
      %iota3A_584 = tpu.iota {dimensions = array<i32: 0>} : vector<16xi32>
      %add3A_585 = vector.broadcast %add3A_554 : i32 to vector<16xi32>
      %add3A_586 = arith.addi %iota3A_584, %add3A_585 : vector<16xi32>
      %mul3A_587 = arith.constant 512 : i32
      %mul3A_588 = vector.broadcast %mul3A_587 : i32 to vector<16xi32>
      %mul3A_589 = arith.muli %sub3A_565, %mul3A_588 : vector<16xi32>
      %add3A_590 = arith.addi %mul3A_589, %sub3A_568 : vector<16xi32>
      %select_n3A_591 = arith.select %and3A_583, %add3A_590, %add3A_586 : vector<16xi1>, vector<16xi32>
      %swap3A_592 = arith.index_cast %add3A_554 : i32 to index
      %swap3A_593 = tpu.vector_load %arg11[%swap3A_592] {strides = array<i32>} : memref<2048xi32, #tpu.memory_space<vmem>>, vector<16xi32>,
      %swap3A_594 = vector.shape_cast %swap3A_593 : vector<16xi32> to vector<16xi32>
      %swap3A_595 = vector.shape_cast %select_n3A_591 : vector<16xi32> to vector<16xi32>
      tpu.vector_store %arg11[%swap3A_592], %swap3A_595 {strides = array<i32>} : memref<2048xi32, #tpu.memory_space<vmem>>, vector<16xi32>,
      %jit3A_596 = arith.constant 0.000000e+00 : f32
      %broadcast_in_dim3A_597 = vector.broadcast %jit3A_596 : f32 to vector<16xf32>
      %select_n3A_598 = arith.select %and3A_583, %get3A_563, %broadcast_in_dim3A_597 : vector<16xi1>, vector<16xf32>
      %swap3A_599 = arith.index_cast %add3A_554 : i32 to index
      %swap3A_600 = tpu.vector_load %arg15[%swap3A_599] {strides = array<i32>} : memref<2048xf32, #tpu.memory_space<vmem>>, vector<16xf32>,
      %swap3A_601 = vector.shape_cast %swap3A_600 : vector<16xf32> to vector<16xf32>
      %swap3A_602 = vector.shape_cast %select_n3A_598 : vector<16xf32> to vector<16xf32>
      tpu.vector_store %arg15[%swap3A_599], %swap3A_602 {strides = array<i32>} : memref<2048xf32, #tpu.memory_space<vmem>>, vector<16xf32>,
      %mul3A_603 = arith.constant 128 : i32
      %mul3A_604 = arith.muli %scan3A_248, %mul3A_603 : i32
      %add3A_605 = arith.constant 112 : i32
      %add3A_606 = arith.addi %mul3A_604, %add3A_605 : i32
      %get3A_607 = arith.index_cast %add3A_606 : i32 to index
      %get3A_608 = tpu.vector_load %arg7[%get3A_607] {strides = array<i32>} : memref<2048xi32, #tpu.memory_space<vmem>>, vector<16xi32>,
      %get3A_609 = vector.shape_cast %get3A_608 : vector<16xi32> to vector<16xi32>
      %get3A_610 = arith.index_cast %add3A_606 : i32 to index
      %get3A_611 = tpu.vector_load %arg8[%get3A_610] {strides = array<i32>} : memref<2048xi32, #tpu.memory_space<vmem>>, vector<16xi32>,
      %get3A_612 = vector.shape_cast %get3A_611 : vector<16xi32> to vector<16xi32>
      %get3A_613 = arith.index_cast %add3A_606 : i32 to index
      %get3A_614 = tpu.vector_load %arg9[%get3A_613] {strides = array<i32>} : memref<2048xf32, #tpu.memory_space<vmem>>, vector<16xf32>,
      %get3A_615 = vector.shape_cast %get3A_614 : vector<16xf32> to vector<16xf32>
      %sub3A_616 = vector.broadcast %mul3A_82 : i32 to vector<16xi32>
      %sub3A_617 = arith.subi %get3A_612, %sub3A_616 : vector<16xi32>
      %sub3A_618 = arith.constant 512 : i32
      %sub3A_619 = vector.broadcast %sub3A_618 : i32 to vector<16xi32>
      %sub3A_620 = arith.subi %get3A_609, %sub3A_619 : vector<16xi32>
      %ge3A_621 = vector.broadcast %mul3A_82 : i32 to vector<16xi32>
      %ge3A_622 = arith.cmpi sge, %get3A_612, %ge3A_621 : vector<16xi32>
      %add3A_623 = arith.constant 1024 : i32
      %add3A_624 = arith.addi %mul3A_82, %add3A_623 : i32
      %lt3A_625 = vector.broadcast %add3A_624 : i32 to vector<16xi32>
      %lt3A_626 = arith.cmpi slt, %get3A_612, %lt3A_625 : vector<16xi32>
      %and3A_627 = arith.andi %ge3A_622, %lt3A_626 : vector<16xi1>
      %ge3A_628 = arith.constant 512 : i32
      %ge3A_629 = vector.broadcast %ge3A_628 : i32 to vector<16xi32>
      %ge3A_630 = arith.cmpi sge, %get3A_609, %ge3A_629 : vector<16xi32>
      %and3A_631 = arith.andi %and3A_627, %ge3A_630 : vector<16xi1>
      %lt3A_632 = arith.constant 1024 : i32
      %lt3A_633 = vector.broadcast %lt3A_632 : i32 to vector<16xi32>
      %lt3A_634 = arith.cmpi slt, %get3A_609, %lt3A_633 : vector<16xi32>
      %and3A_635 = arith.andi %and3A_631, %lt3A_634 : vector<16xi1>
      %iota3A_636 = tpu.iota {dimensions = array<i32: 0>} : vector<16xi32>
      %add3A_637 = vector.broadcast %add3A_606 : i32 to vector<16xi32>
      %add3A_638 = arith.addi %iota3A_636, %add3A_637 : vector<16xi32>
      %mul3A_639 = arith.constant 512 : i32
      %mul3A_640 = vector.broadcast %mul3A_639 : i32 to vector<16xi32>
      %mul3A_641 = arith.muli %sub3A_617, %mul3A_640 : vector<16xi32>
      %add3A_642 = arith.addi %mul3A_641, %sub3A_620 : vector<16xi32>
      %select_n3A_643 = arith.select %and3A_635, %add3A_642, %add3A_638 : vector<16xi1>, vector<16xi32>
      %swap3A_644 = arith.index_cast %add3A_606 : i32 to index
      %swap3A_645 = tpu.vector_load %arg11[%swap3A_644] {strides = array<i32>} : memref<2048xi32, #tpu.memory_space<vmem>>, vector<16xi32>,
      %swap3A_646 = vector.shape_cast %swap3A_645 : vector<16xi32> to vector<16xi32>
      %swap3A_647 = vector.shape_cast %select_n3A_643 : vector<16xi32> to vector<16xi32>
      tpu.vector_store %arg11[%swap3A_644], %swap3A_647 {strides = array<i32>} : memref<2048xi32, #tpu.memory_space<vmem>>, vector<16xi32>,
      %jit3A_648 = arith.constant 0.000000e+00 : f32
      %broadcast_in_dim3A_649 = vector.broadcast %jit3A_648 : f32 to vector<16xf32>
      %select_n3A_650 = arith.select %and3A_635, %get3A_615, %broadcast_in_dim3A_649 : vector<16xi1>, vector<16xf32>
      %swap3A_651 = arith.index_cast %add3A_606 : i32 to index
      %swap3A_652 = tpu.vector_load %arg15[%swap3A_651] {strides = array<i32>} : memref<2048xf32, #tpu.memory_space<vmem>>, vector<16xf32>,
      %swap3A_653 = vector.shape_cast %swap3A_652 : vector<16xf32> to vector<16xf32>
      %swap3A_654 = vector.shape_cast %select_n3A_650 : vector<16xf32> to vector<16xf32>
      tpu.vector_store %arg15[%swap3A_651], %swap3A_654 {strides = array<i32>} : memref<2048xf32, #tpu.memory_space<vmem>>, vector<16xf32>,
    }
    %scan3A_104 = arith.constant 16 : i32
    %dma_start3A_105 = arith.constant 0 : i32
    %dma_start3A_106 = tpu.memref_slice %arg23[%dma_start3A_105] : memref<524288xf32, #tpu.memory_space<vmem_shared>> -> memref<524288xf32, #tpu.memory_space<vmem_shared>>
    tpu.enqueue_indirect_dma source(%arg15 : memref<2048xf32, #tpu.memory_space<vmem>>) target(%dma_start3A_106 : memref<524288xf32, #tpu.memory_space<vmem_shared>>) offsets(%arg11 : memref<2048xi32, #tpu.memory_space<vmem>>) semaphore(%arg25 : memref<!tpu.dma_semaphore, #tpu.memory_space<semaphore_mem>>) {add = true}
    %dma_wait3A_107 = arith.constant 0 : i32
    %dma_wait3A_108 = tpu.memref_slice %arg23[%dma_wait3A_107] : memref<524288xf32, #tpu.memory_space<vmem_shared>> -> memref<524288xf32, #tpu.memory_space<vmem_shared>>
    tpu.wait_indirect_dma semaphore(%arg25 : memref<!tpu.dma_semaphore, #tpu.memory_space<semaphore_mem>>) src(%arg15 : memref<2048xf32, #tpu.memory_space<vmem>>) dst(%dma_wait3A_108 : memref<524288xf32, #tpu.memory_space<vmem_shared>>)
    %barrier3A_109 = arith.constant 0 : index
    tpu.barrier barrier_id(%barrier3A_109)
    %mul3A_110 = arith.constant 4 : i32
    %mul3A_111 = arith.muli %arg0, %mul3A_110 : i32
    %add3A_112 = arith.constant 0 : i32
    %add3A_113 = arith.addi %mul3A_111, %add3A_112 : i32
    %mul3A_114 = arith.constant 524288 : i32
    %mul3A_115 = arith.muli %add3A_113, %mul3A_114 : i32
    %mul3A_116 = arith.constant 32768 : i32
    %mul3A_117 = arith.muli %arg1, %mul3A_116 : i32
    %add3A_118 = arith.addi %mul3A_115, %mul3A_117 : i32
    %mul3A_119 = arith.constant 32768 : i32
    %mul3A_120 = arith.muli %arg1, %mul3A_119 : i32
    "tpu.region"() ({
      %run_scoped3A = tpu.sem_alloc : memref<!tpu.dma_semaphore, #tpu.memory_space<semaphore_mem>>
      %dma_start3A_248 = tpu.memref_slice %arg5[%add3A_118] : memref<4194304xf32, #tpu.memory_space<hbm>> -> memref<32768xf32, #tpu.memory_space<hbm>>
      %dma_start3A_249 = tpu.memref_slice %arg22[%mul3A_120] : memref<524288xf32, #tpu.memory_space<vmem_shared>> -> memref<32768xf32, #tpu.memory_space<vmem_shared>>
      tpu.enqueue_dma source(%dma_start3A_249 : memref<32768xf32, #tpu.memory_space<vmem_shared>>) target(%dma_start3A_248 : memref<32768xf32, #tpu.memory_space<hbm>>) target_semaphore(%run_scoped3A : memref<!tpu.dma_semaphore, #tpu.memory_space<semaphore_mem>>)
      %dma_wait3A_250 = tpu.memref_slice %arg5[%add3A_118] : memref<4194304xf32, #tpu.memory_space<hbm>> -> memref<32768xf32, #tpu.memory_space<hbm>>
      %dma_wait3A_251 = tpu.memref_slice %arg22[%mul3A_120] : memref<524288xf32, #tpu.memory_space<vmem_shared>> -> memref<32768xf32, #tpu.memory_space<vmem_shared>>
      tpu.wait_dma2 semaphore(%run_scoped3A : memref<!tpu.dma_semaphore, #tpu.memory_space<semaphore_mem>>) src(%dma_wait3A_251 : memref<32768xf32, #tpu.memory_space<vmem_shared>>) dst(%dma_wait3A_250 : memref<32768xf32, #tpu.memory_space<hbm>>)
      tpu.yield
    }) : () -> ()
    %mul3A_121 = arith.constant 32768 : i32
    %mul3A_122 = arith.muli %arg1, %mul3A_121 : i32
    %add3A_123 = arith.constant 0 : i32
    %add3A_124 = arith.addi %mul3A_122, %add3A_123 : i32
    %dma_start3A_125 = tpu.memref_slice %arg22[%add3A_124] : memref<524288xf32, #tpu.memory_space<vmem_shared>> -> memref<8192xf32, #tpu.memory_space<vmem_shared>>
    %dma_start3A_126 = tpu.memref_slice %arg22[%add3A_124] : memref<524288xf32, #tpu.memory_space<vmem_shared>> -> memref<8192xf32, #tpu.memory_space<vmem_shared>>
    tpu.enqueue_dma source(%arg20 : memref<8192xf32, #tpu.memory_space<vmem>>) target(%dma_start3A_126 : memref<8192xf32, #tpu.memory_space<vmem_shared>>) target_semaphore(%arg25 : memref<!tpu.dma_semaphore, #tpu.memory_space<semaphore_mem>>)
    %mul3A_127 = arith.constant 32768 : i32
    %mul3A_128 = arith.muli %arg1, %mul3A_127 : i32
    %add3A_129 = arith.constant 8192 : i32
    %add3A_130 = arith.addi %mul3A_128, %add3A_129 : i32
    %dma_start3A_131 = tpu.memref_slice %arg22[%add3A_130] : memref<524288xf32, #tpu.memory_space<vmem_shared>> -> memref<8192xf32, #tpu.memory_space<vmem_shared>>
    %dma_start3A_132 = tpu.memref_slice %arg22[%add3A_130] : memref<524288xf32, #tpu.memory_space<vmem_shared>> -> memref<8192xf32, #tpu.memory_space<vmem_shared>>
    tpu.enqueue_dma source(%arg20 : memref<8192xf32, #tpu.memory_space<vmem>>) target(%dma_start3A_132 : memref<8192xf32, #tpu.memory_space<vmem_shared>>) target_semaphore(%arg25 : memref<!tpu.dma_semaphore, #tpu.memory_space<semaphore_mem>>)
    %mul3A_133 = arith.constant 32768 : i32
    %mul3A_134 = arith.muli %arg1, %mul3A_133 : i32
    %add3A_135 = arith.constant 16384 : i32
    %add3A_136 = arith.addi %mul3A_134, %add3A_135 : i32
    %dma_start3A_137 = tpu.memref_slice %arg22[%add3A_136] : memref<524288xf32, #tpu.memory_space<vmem_shared>> -> memref<8192xf32, #tpu.memory_space<vmem_shared>>
    %dma_start3A_138 = tpu.memref_slice %arg22[%add3A_136] : memref<524288xf32, #tpu.memory_space<vmem_shared>> -> memref<8192xf32, #tpu.memory_space<vmem_shared>>
    tpu.enqueue_dma source(%arg20 : memref<8192xf32, #tpu.memory_space<vmem>>) target(%dma_start3A_138 : memref<8192xf32, #tpu.memory_space<vmem_shared>>) target_semaphore(%arg25 : memref<!tpu.dma_semaphore, #tpu.memory_space<semaphore_mem>>)
    %mul3A_139 = arith.constant 32768 : i32
    %mul3A_140 = arith.muli %arg1, %mul3A_139 : i32
    %add3A_141 = arith.constant 24576 : i32
    %add3A_142 = arith.addi %mul3A_140, %add3A_141 : i32
    %dma_start3A_143 = tpu.memref_slice %arg22[%add3A_142] : memref<524288xf32, #tpu.memory_space<vmem_shared>> -> memref<8192xf32, #tpu.memory_space<vmem_shared>>
    %dma_start3A_144 = tpu.memref_slice %arg22[%add3A_142] : memref<524288xf32, #tpu.memory_space<vmem_shared>> -> memref<8192xf32, #tpu.memory_space<vmem_shared>>
    tpu.enqueue_dma source(%arg20 : memref<8192xf32, #tpu.memory_space<vmem>>) target(%dma_start3A_144 : memref<8192xf32, #tpu.memory_space<vmem_shared>>) target_semaphore(%arg25 : memref<!tpu.dma_semaphore, #tpu.memory_space<semaphore_mem>>)
    %dma_wait3A_145 = tpu.memref_slice %arg22[%add3A_124] : memref<524288xf32, #tpu.memory_space<vmem_shared>> -> memref<8192xf32, #tpu.memory_space<vmem_shared>>
    %dma_wait3A_146 = tpu.memref_slice %arg22[%add3A_124] : memref<524288xf32, #tpu.memory_space<vmem_shared>> -> memref<8192xf32, #tpu.memory_space<vmem_shared>>
    tpu.wait_dma2 semaphore(%arg25 : memref<!tpu.dma_semaphore, #tpu.memory_space<semaphore_mem>>) src(%arg20 : memref<8192xf32, #tpu.memory_space<vmem>>) dst(%dma_wait3A_146 : memref<8192xf32, #tpu.memory_space<vmem_shared>>)
    %dma_wait3A_147 = tpu.memref_slice %arg22[%add3A_130] : memref<524288xf32, #tpu.memory_space<vmem_shared>> -> memref<8192xf32, #tpu.memory_space<vmem_shared>>
    %dma_wait3A_148 = tpu.memref_slice %arg22[%add3A_130] : memref<524288xf32, #tpu.memory_space<vmem_shared>> -> memref<8192xf32, #tpu.memory_space<vmem_shared>>
    tpu.wait_dma2 semaphore(%arg25 : memref<!tpu.dma_semaphore, #tpu.memory_space<semaphore_mem>>) src(%arg20 : memref<8192xf32, #tpu.memory_space<vmem>>) dst(%dma_wait3A_148 : memref<8192xf32, #tpu.memory_space<vmem_shared>>)
    %dma_wait3A_149 = tpu.memref_slice %arg22[%add3A_136] : memref<524288xf32, #tpu.memory_space<vmem_shared>> -> memref<8192xf32, #tpu.memory_space<vmem_shared>>
    %dma_wait3A_150 = tpu.memref_slice %arg22[%add3A_136] : memref<524288xf32, #tpu.memory_space<vmem_shared>> -> memref<8192xf32, #tpu.memory_space<vmem_shared>>
    tpu.wait_dma2 semaphore(%arg25 : memref<!tpu.dma_semaphore, #tpu.memory_space<semaphore_mem>>) src(%arg20 : memref<8192xf32, #tpu.memory_space<vmem>>) dst(%dma_wait3A_150 : memref<8192xf32, #tpu.memory_space<vmem_shared>>)
    %dma_wait3A_151 = tpu.memref_slice %arg22[%add3A_142] : memref<524288xf32, #tpu.memory_space<vmem_shared>> -> memref<8192xf32, #tpu.memory_space<vmem_shared>>
    %dma_wait3A_152 = tpu.memref_slice %arg22[%add3A_142] : memref<524288xf32, #tpu.memory_space<vmem_shared>> -> memref<8192xf32, #tpu.memory_space<vmem_shared>>
    tpu.wait_dma2 semaphore(%arg25 : memref<!tpu.dma_semaphore, #tpu.memory_space<semaphore_mem>>) src(%arg20 : memref<8192xf32, #tpu.memory_space<vmem>>) dst(%dma_wait3A_152 : memref<8192xf32, #tpu.memory_space<vmem_shared>>)
    %barrier3A_153 = arith.constant 0 : index
    tpu.barrier barrier_id(%barrier3A_153)
    %scan3A_154 = arith.constant 0 : i32
    %scan3A_155 = arith.constant 0 : i32
    %scan3A_156 = arith.constant 16 : i32
    %scan3A_157 = arith.addi %scan3A_155, %scan3A_156 : i32
    %scan3A_158 = arith.constant 1 : i32
    scf.for %scan3A_248 = %scan3A_155 to %scan3A_157 step %scan3A_158  : i32 {
      %mul3A_249 = arith.constant 128 : i32
      %mul3A_250 = arith.muli %scan3A_248, %mul3A_249 : i32
      %add3A_251 = arith.constant 0 : i32
      %add3A_252 = arith.addi %mul3A_250, %add3A_251 : i32
      %get3A = arith.index_cast %add3A_252 : i32 to index
      %get3A_253 = tpu.vector_load %arg7[%get3A] {strides = array<i32>} : memref<2048xi32, #tpu.memory_space<vmem>>, vector<16xi32>,
      %get3A_254 = vector.shape_cast %get3A_253 : vector<16xi32> to vector<16xi32>
      %get3A_255 = arith.index_cast %add3A_252 : i32 to index
      %get3A_256 = tpu.vector_load %arg8[%get3A_255] {strides = array<i32>} : memref<2048xi32, #tpu.memory_space<vmem>>, vector<16xi32>,
      %get3A_257 = vector.shape_cast %get3A_256 : vector<16xi32> to vector<16xi32>
      %get3A_258 = arith.index_cast %add3A_252 : i32 to index
      %get3A_259 = tpu.vector_load %arg9[%get3A_258] {strides = array<i32>} : memref<2048xf32, #tpu.memory_space<vmem>>, vector<16xf32>,
      %get3A_260 = vector.shape_cast %get3A_259 : vector<16xf32> to vector<16xf32>
      %sub3A = vector.broadcast %mul3A_82 : i32 to vector<16xi32>
      %sub3A_261 = arith.subi %get3A_257, %sub3A : vector<16xi32>
      %sub3A_262 = arith.constant 1024 : i32
      %sub3A_263 = vector.broadcast %sub3A_262 : i32 to vector<16xi32>
      %sub3A_264 = arith.subi %get3A_254, %sub3A_263 : vector<16xi32>
      %ge3A = vector.broadcast %mul3A_82 : i32 to vector<16xi32>
      %ge3A_265 = arith.cmpi sge, %get3A_257, %ge3A : vector<16xi32>
      %add3A_266 = arith.constant 1024 : i32
      %add3A_267 = arith.addi %mul3A_82, %add3A_266 : i32
      %lt3A = vector.broadcast %add3A_267 : i32 to vector<16xi32>
      %lt3A_268 = arith.cmpi slt, %get3A_257, %lt3A : vector<16xi32>
      %and3A = arith.andi %ge3A_265, %lt3A_268 : vector<16xi1>
      %ge3A_269 = arith.constant 1024 : i32
      %ge3A_270 = vector.broadcast %ge3A_269 : i32 to vector<16xi32>
      %ge3A_271 = arith.cmpi sge, %get3A_254, %ge3A_270 : vector<16xi32>
      %and3A_272 = arith.andi %and3A, %ge3A_271 : vector<16xi1>
      %lt3A_273 = arith.constant 1536 : i32
      %lt3A_274 = vector.broadcast %lt3A_273 : i32 to vector<16xi32>
      %lt3A_275 = arith.cmpi slt, %get3A_254, %lt3A_274 : vector<16xi32>
      %and3A_276 = arith.andi %and3A_272, %lt3A_275 : vector<16xi1>
      %iota3A = tpu.iota {dimensions = array<i32: 0>} : vector<16xi32>
      %add3A_277 = vector.broadcast %add3A_252 : i32 to vector<16xi32>
      %add3A_278 = arith.addi %iota3A, %add3A_277 : vector<16xi32>
      %mul3A_279 = arith.constant 512 : i32
      %mul3A_280 = vector.broadcast %mul3A_279 : i32 to vector<16xi32>
      %mul3A_281 = arith.muli %sub3A_261, %mul3A_280 : vector<16xi32>
      %add3A_282 = arith.addi %mul3A_281, %sub3A_264 : vector<16xi32>
      %select_n3A = arith.select %and3A_276, %add3A_282, %add3A_278 : vector<16xi1>, vector<16xi32>
      %swap3A = arith.index_cast %add3A_252 : i32 to index
      %swap3A_283 = tpu.vector_load %arg12[%swap3A] {strides = array<i32>} : memref<2048xi32, #tpu.memory_space<vmem>>, vector<16xi32>,
      %swap3A_284 = vector.shape_cast %swap3A_283 : vector<16xi32> to vector<16xi32>
      %swap3A_285 = vector.shape_cast %select_n3A : vector<16xi32> to vector<16xi32>
      tpu.vector_store %arg12[%swap3A], %swap3A_285 {strides = array<i32>} : memref<2048xi32, #tpu.memory_space<vmem>>, vector<16xi32>,
      %jit3A = arith.constant 0.000000e+00 : f32
      %broadcast_in_dim3A = vector.broadcast %jit3A : f32 to vector<16xf32>
      %select_n3A_286 = arith.select %and3A_276, %get3A_260, %broadcast_in_dim3A : vector<16xi1>, vector<16xf32>
      %swap3A_287 = arith.index_cast %add3A_252 : i32 to index
      %swap3A_288 = tpu.vector_load %arg16[%swap3A_287] {strides = array<i32>} : memref<2048xf32, #tpu.memory_space<vmem>>, vector<16xf32>,
      %swap3A_289 = vector.shape_cast %swap3A_288 : vector<16xf32> to vector<16xf32>
      %swap3A_290 = vector.shape_cast %select_n3A_286 : vector<16xf32> to vector<16xf32>
      tpu.vector_store %arg16[%swap3A_287], %swap3A_290 {strides = array<i32>} : memref<2048xf32, #tpu.memory_space<vmem>>, vector<16xf32>,
      %mul3A_291 = arith.constant 128 : i32
      %mul3A_292 = arith.muli %scan3A_248, %mul3A_291 : i32
      %add3A_293 = arith.constant 16 : i32
      %add3A_294 = arith.addi %mul3A_292, %add3A_293 : i32
      %get3A_295 = arith.index_cast %add3A_294 : i32 to index
      %get3A_296 = tpu.vector_load %arg7[%get3A_295] {strides = array<i32>} : memref<2048xi32, #tpu.memory_space<vmem>>, vector<16xi32>,
      %get3A_297 = vector.shape_cast %get3A_296 : vector<16xi32> to vector<16xi32>
      %get3A_298 = arith.index_cast %add3A_294 : i32 to index
      %get3A_299 = tpu.vector_load %arg8[%get3A_298] {strides = array<i32>} : memref<2048xi32, #tpu.memory_space<vmem>>, vector<16xi32>,
      %get3A_300 = vector.shape_cast %get3A_299 : vector<16xi32> to vector<16xi32>
      %get3A_301 = arith.index_cast %add3A_294 : i32 to index
      %get3A_302 = tpu.vector_load %arg9[%get3A_301] {strides = array<i32>} : memref<2048xf32, #tpu.memory_space<vmem>>, vector<16xf32>,
      %get3A_303 = vector.shape_cast %get3A_302 : vector<16xf32> to vector<16xf32>
      %sub3A_304 = vector.broadcast %mul3A_82 : i32 to vector<16xi32>
      %sub3A_305 = arith.subi %get3A_300, %sub3A_304 : vector<16xi32>
      %sub3A_306 = arith.constant 1024 : i32
      %sub3A_307 = vector.broadcast %sub3A_306 : i32 to vector<16xi32>
      %sub3A_308 = arith.subi %get3A_297, %sub3A_307 : vector<16xi32>
      %ge3A_309 = vector.broadcast %mul3A_82 : i32 to vector<16xi32>
      %ge3A_310 = arith.cmpi sge, %get3A_300, %ge3A_309 : vector<16xi32>
      %add3A_311 = arith.constant 1024 : i32
      %add3A_312 = arith.addi %mul3A_82, %add3A_311 : i32
      %lt3A_313 = vector.broadcast %add3A_312 : i32 to vector<16xi32>
      %lt3A_314 = arith.cmpi slt, %get3A_300, %lt3A_313 : vector<16xi32>
      %and3A_315 = arith.andi %ge3A_310, %lt3A_314 : vector<16xi1>
      %ge3A_316 = arith.constant 1024 : i32
      %ge3A_317 = vector.broadcast %ge3A_316 : i32 to vector<16xi32>
      %ge3A_318 = arith.cmpi sge, %get3A_297, %ge3A_317 : vector<16xi32>
      %and3A_319 = arith.andi %and3A_315, %ge3A_318 : vector<16xi1>
      %lt3A_320 = arith.constant 1536 : i32
      %lt3A_321 = vector.broadcast %lt3A_320 : i32 to vector<16xi32>
      %lt3A_322 = arith.cmpi slt, %get3A_297, %lt3A_321 : vector<16xi32>
      %and3A_323 = arith.andi %and3A_319, %lt3A_322 : vector<16xi1>
      %iota3A_324 = tpu.iota {dimensions = array<i32: 0>} : vector<16xi32>
      %add3A_325 = vector.broadcast %add3A_294 : i32 to vector<16xi32>
      %add3A_326 = arith.addi %iota3A_324, %add3A_325 : vector<16xi32>
      %mul3A_327 = arith.constant 512 : i32
      %mul3A_328 = vector.broadcast %mul3A_327 : i32 to vector<16xi32>
      %mul3A_329 = arith.muli %sub3A_305, %mul3A_328 : vector<16xi32>
      %add3A_330 = arith.addi %mul3A_329, %sub3A_308 : vector<16xi32>
      %select_n3A_331 = arith.select %and3A_323, %add3A_330, %add3A_326 : vector<16xi1>, vector<16xi32>
      %swap3A_332 = arith.index_cast %add3A_294 : i32 to index
      %swap3A_333 = tpu.vector_load %arg12[%swap3A_332] {strides = array<i32>} : memref<2048xi32, #tpu.memory_space<vmem>>, vector<16xi32>,
      %swap3A_334 = vector.shape_cast %swap3A_333 : vector<16xi32> to vector<16xi32>
      %swap3A_335 = vector.shape_cast %select_n3A_331 : vector<16xi32> to vector<16xi32>
      tpu.vector_store %arg12[%swap3A_332], %swap3A_335 {strides = array<i32>} : memref<2048xi32, #tpu.memory_space<vmem>>, vector<16xi32>,
      %jit3A_336 = arith.constant 0.000000e+00 : f32
      %broadcast_in_dim3A_337 = vector.broadcast %jit3A_336 : f32 to vector<16xf32>
      %select_n3A_338 = arith.select %and3A_323, %get3A_303, %broadcast_in_dim3A_337 : vector<16xi1>, vector<16xf32>
      %swap3A_339 = arith.index_cast %add3A_294 : i32 to index
      %swap3A_340 = tpu.vector_load %arg16[%swap3A_339] {strides = array<i32>} : memref<2048xf32, #tpu.memory_space<vmem>>, vector<16xf32>,
      %swap3A_341 = vector.shape_cast %swap3A_340 : vector<16xf32> to vector<16xf32>
      %swap3A_342 = vector.shape_cast %select_n3A_338 : vector<16xf32> to vector<16xf32>
      tpu.vector_store %arg16[%swap3A_339], %swap3A_342 {strides = array<i32>} : memref<2048xf32, #tpu.memory_space<vmem>>, vector<16xf32>,
      %mul3A_343 = arith.constant 128 : i32
      %mul3A_344 = arith.muli %scan3A_248, %mul3A_343 : i32
      %add3A_345 = arith.constant 32 : i32
      %add3A_346 = arith.addi %mul3A_344, %add3A_345 : i32
      %get3A_347 = arith.index_cast %add3A_346 : i32 to index
      %get3A_348 = tpu.vector_load %arg7[%get3A_347] {strides = array<i32>} : memref<2048xi32, #tpu.memory_space<vmem>>, vector<16xi32>,
      %get3A_349 = vector.shape_cast %get3A_348 : vector<16xi32> to vector<16xi32>
      %get3A_350 = arith.index_cast %add3A_346 : i32 to index
      %get3A_351 = tpu.vector_load %arg8[%get3A_350] {strides = array<i32>} : memref<2048xi32, #tpu.memory_space<vmem>>, vector<16xi32>,
      %get3A_352 = vector.shape_cast %get3A_351 : vector<16xi32> to vector<16xi32>
      %get3A_353 = arith.index_cast %add3A_346 : i32 to index
      %get3A_354 = tpu.vector_load %arg9[%get3A_353] {strides = array<i32>} : memref<2048xf32, #tpu.memory_space<vmem>>, vector<16xf32>,
      %get3A_355 = vector.shape_cast %get3A_354 : vector<16xf32> to vector<16xf32>
      %sub3A_356 = vector.broadcast %mul3A_82 : i32 to vector<16xi32>
      %sub3A_357 = arith.subi %get3A_352, %sub3A_356 : vector<16xi32>
      %sub3A_358 = arith.constant 1024 : i32
      %sub3A_359 = vector.broadcast %sub3A_358 : i32 to vector<16xi32>
      %sub3A_360 = arith.subi %get3A_349, %sub3A_359 : vector<16xi32>
      %ge3A_361 = vector.broadcast %mul3A_82 : i32 to vector<16xi32>
      %ge3A_362 = arith.cmpi sge, %get3A_352, %ge3A_361 : vector<16xi32>
      %add3A_363 = arith.constant 1024 : i32
      %add3A_364 = arith.addi %mul3A_82, %add3A_363 : i32
      %lt3A_365 = vector.broadcast %add3A_364 : i32 to vector<16xi32>
      %lt3A_366 = arith.cmpi slt, %get3A_352, %lt3A_365 : vector<16xi32>
      %and3A_367 = arith.andi %ge3A_362, %lt3A_366 : vector<16xi1>
      %ge3A_368 = arith.constant 1024 : i32
      %ge3A_369 = vector.broadcast %ge3A_368 : i32 to vector<16xi32>
      %ge3A_370 = arith.cmpi sge, %get3A_349, %ge3A_369 : vector<16xi32>
      %and3A_371 = arith.andi %and3A_367, %ge3A_370 : vector<16xi1>
      %lt3A_372 = arith.constant 1536 : i32
      %lt3A_373 = vector.broadcast %lt3A_372 : i32 to vector<16xi32>
      %lt3A_374 = arith.cmpi slt, %get3A_349, %lt3A_373 : vector<16xi32>
      %and3A_375 = arith.andi %and3A_371, %lt3A_374 : vector<16xi1>
      %iota3A_376 = tpu.iota {dimensions = array<i32: 0>} : vector<16xi32>
      %add3A_377 = vector.broadcast %add3A_346 : i32 to vector<16xi32>
      %add3A_378 = arith.addi %iota3A_376, %add3A_377 : vector<16xi32>
      %mul3A_379 = arith.constant 512 : i32
      %mul3A_380 = vector.broadcast %mul3A_379 : i32 to vector<16xi32>
      %mul3A_381 = arith.muli %sub3A_357, %mul3A_380 : vector<16xi32>
      %add3A_382 = arith.addi %mul3A_381, %sub3A_360 : vector<16xi32>
      %select_n3A_383 = arith.select %and3A_375, %add3A_382, %add3A_378 : vector<16xi1>, vector<16xi32>
      %swap3A_384 = arith.index_cast %add3A_346 : i32 to index
      %swap3A_385 = tpu.vector_load %arg12[%swap3A_384] {strides = array<i32>} : memref<2048xi32, #tpu.memory_space<vmem>>, vector<16xi32>,
      %swap3A_386 = vector.shape_cast %swap3A_385 : vector<16xi32> to vector<16xi32>
      %swap3A_387 = vector.shape_cast %select_n3A_383 : vector<16xi32> to vector<16xi32>
      tpu.vector_store %arg12[%swap3A_384], %swap3A_387 {strides = array<i32>} : memref<2048xi32, #tpu.memory_space<vmem>>, vector<16xi32>,
      %jit3A_388 = arith.constant 0.000000e+00 : f32
      %broadcast_in_dim3A_389 = vector.broadcast %jit3A_388 : f32 to vector<16xf32>
      %select_n3A_390 = arith.select %and3A_375, %get3A_355, %broadcast_in_dim3A_389 : vector<16xi1>, vector<16xf32>
      %swap3A_391 = arith.index_cast %add3A_346 : i32 to index
      %swap3A_392 = tpu.vector_load %arg16[%swap3A_391] {strides = array<i32>} : memref<2048xf32, #tpu.memory_space<vmem>>, vector<16xf32>,
      %swap3A_393 = vector.shape_cast %swap3A_392 : vector<16xf32> to vector<16xf32>
      %swap3A_394 = vector.shape_cast %select_n3A_390 : vector<16xf32> to vector<16xf32>
      tpu.vector_store %arg16[%swap3A_391], %swap3A_394 {strides = array<i32>} : memref<2048xf32, #tpu.memory_space<vmem>>, vector<16xf32>,
      %mul3A_395 = arith.constant 128 : i32
      %mul3A_396 = arith.muli %scan3A_248, %mul3A_395 : i32
      %add3A_397 = arith.constant 48 : i32
      %add3A_398 = arith.addi %mul3A_396, %add3A_397 : i32
      %get3A_399 = arith.index_cast %add3A_398 : i32 to index
      %get3A_400 = tpu.vector_load %arg7[%get3A_399] {strides = array<i32>} : memref<2048xi32, #tpu.memory_space<vmem>>, vector<16xi32>,
      %get3A_401 = vector.shape_cast %get3A_400 : vector<16xi32> to vector<16xi32>
      %get3A_402 = arith.index_cast %add3A_398 : i32 to index
      %get3A_403 = tpu.vector_load %arg8[%get3A_402] {strides = array<i32>} : memref<2048xi32, #tpu.memory_space<vmem>>, vector<16xi32>,
      %get3A_404 = vector.shape_cast %get3A_403 : vector<16xi32> to vector<16xi32>
      %get3A_405 = arith.index_cast %add3A_398 : i32 to index
      %get3A_406 = tpu.vector_load %arg9[%get3A_405] {strides = array<i32>} : memref<2048xf32, #tpu.memory_space<vmem>>, vector<16xf32>,
      %get3A_407 = vector.shape_cast %get3A_406 : vector<16xf32> to vector<16xf32>
      %sub3A_408 = vector.broadcast %mul3A_82 : i32 to vector<16xi32>
      %sub3A_409 = arith.subi %get3A_404, %sub3A_408 : vector<16xi32>
      %sub3A_410 = arith.constant 1024 : i32
      %sub3A_411 = vector.broadcast %sub3A_410 : i32 to vector<16xi32>
      %sub3A_412 = arith.subi %get3A_401, %sub3A_411 : vector<16xi32>
      %ge3A_413 = vector.broadcast %mul3A_82 : i32 to vector<16xi32>
      %ge3A_414 = arith.cmpi sge, %get3A_404, %ge3A_413 : vector<16xi32>
      %add3A_415 = arith.constant 1024 : i32
      %add3A_416 = arith.addi %mul3A_82, %add3A_415 : i32
      %lt3A_417 = vector.broadcast %add3A_416 : i32 to vector<16xi32>
      %lt3A_418 = arith.cmpi slt, %get3A_404, %lt3A_417 : vector<16xi32>
      %and3A_419 = arith.andi %ge3A_414, %lt3A_418 : vector<16xi1>
      %ge3A_420 = arith.constant 1024 : i32
      %ge3A_421 = vector.broadcast %ge3A_420 : i32 to vector<16xi32>
      %ge3A_422 = arith.cmpi sge, %get3A_401, %ge3A_421 : vector<16xi32>
      %and3A_423 = arith.andi %and3A_419, %ge3A_422 : vector<16xi1>
      %lt3A_424 = arith.constant 1536 : i32
      %lt3A_425 = vector.broadcast %lt3A_424 : i32 to vector<16xi32>
      %lt3A_426 = arith.cmpi slt, %get3A_401, %lt3A_425 : vector<16xi32>
      %and3A_427 = arith.andi %and3A_423, %lt3A_426 : vector<16xi1>
      %iota3A_428 = tpu.iota {dimensions = array<i32: 0>} : vector<16xi32>
      %add3A_429 = vector.broadcast %add3A_398 : i32 to vector<16xi32>
      %add3A_430 = arith.addi %iota3A_428, %add3A_429 : vector<16xi32>
      %mul3A_431 = arith.constant 512 : i32
      %mul3A_432 = vector.broadcast %mul3A_431 : i32 to vector<16xi32>
      %mul3A_433 = arith.muli %sub3A_409, %mul3A_432 : vector<16xi32>
      %add3A_434 = arith.addi %mul3A_433, %sub3A_412 : vector<16xi32>
      %select_n3A_435 = arith.select %and3A_427, %add3A_434, %add3A_430 : vector<16xi1>, vector<16xi32>
      %swap3A_436 = arith.index_cast %add3A_398 : i32 to index
      %swap3A_437 = tpu.vector_load %arg12[%swap3A_436] {strides = array<i32>} : memref<2048xi32, #tpu.memory_space<vmem>>, vector<16xi32>,
      %swap3A_438 = vector.shape_cast %swap3A_437 : vector<16xi32> to vector<16xi32>
      %swap3A_439 = vector.shape_cast %select_n3A_435 : vector<16xi32> to vector<16xi32>
      tpu.vector_store %arg12[%swap3A_436], %swap3A_439 {strides = array<i32>} : memref<2048xi32, #tpu.memory_space<vmem>>, vector<16xi32>,
      %jit3A_440 = arith.constant 0.000000e+00 : f32
      %broadcast_in_dim3A_441 = vector.broadcast %jit3A_440 : f32 to vector<16xf32>
      %select_n3A_442 = arith.select %and3A_427, %get3A_407, %broadcast_in_dim3A_441 : vector<16xi1>, vector<16xf32>
      %swap3A_443 = arith.index_cast %add3A_398 : i32 to index
      %swap3A_444 = tpu.vector_load %arg16[%swap3A_443] {strides = array<i32>} : memref<2048xf32, #tpu.memory_space<vmem>>, vector<16xf32>,
      %swap3A_445 = vector.shape_cast %swap3A_444 : vector<16xf32> to vector<16xf32>
      %swap3A_446 = vector.shape_cast %select_n3A_442 : vector<16xf32> to vector<16xf32>
      tpu.vector_store %arg16[%swap3A_443], %swap3A_446 {strides = array<i32>} : memref<2048xf32, #tpu.memory_space<vmem>>, vector<16xf32>,
      %mul3A_447 = arith.constant 128 : i32
      %mul3A_448 = arith.muli %scan3A_248, %mul3A_447 : i32
      %add3A_449 = arith.constant 64 : i32
      %add3A_450 = arith.addi %mul3A_448, %add3A_449 : i32
      %get3A_451 = arith.index_cast %add3A_450 : i32 to index
      %get3A_452 = tpu.vector_load %arg7[%get3A_451] {strides = array<i32>} : memref<2048xi32, #tpu.memory_space<vmem>>, vector<16xi32>,
      %get3A_453 = vector.shape_cast %get3A_452 : vector<16xi32> to vector<16xi32>
      %get3A_454 = arith.index_cast %add3A_450 : i32 to index
      %get3A_455 = tpu.vector_load %arg8[%get3A_454] {strides = array<i32>} : memref<2048xi32, #tpu.memory_space<vmem>>, vector<16xi32>,
      %get3A_456 = vector.shape_cast %get3A_455 : vector<16xi32> to vector<16xi32>
      %get3A_457 = arith.index_cast %add3A_450 : i32 to index
      %get3A_458 = tpu.vector_load %arg9[%get3A_457] {strides = array<i32>} : memref<2048xf32, #tpu.memory_space<vmem>>, vector<16xf32>,
      %get3A_459 = vector.shape_cast %get3A_458 : vector<16xf32> to vector<16xf32>
      %sub3A_460 = vector.broadcast %mul3A_82 : i32 to vector<16xi32>
      %sub3A_461 = arith.subi %get3A_456, %sub3A_460 : vector<16xi32>
      %sub3A_462 = arith.constant 1024 : i32
      %sub3A_463 = vector.broadcast %sub3A_462 : i32 to vector<16xi32>
      %sub3A_464 = arith.subi %get3A_453, %sub3A_463 : vector<16xi32>
      %ge3A_465 = vector.broadcast %mul3A_82 : i32 to vector<16xi32>
      %ge3A_466 = arith.cmpi sge, %get3A_456, %ge3A_465 : vector<16xi32>
      %add3A_467 = arith.constant 1024 : i32
      %add3A_468 = arith.addi %mul3A_82, %add3A_467 : i32
      %lt3A_469 = vector.broadcast %add3A_468 : i32 to vector<16xi32>
      %lt3A_470 = arith.cmpi slt, %get3A_456, %lt3A_469 : vector<16xi32>
      %and3A_471 = arith.andi %ge3A_466, %lt3A_470 : vector<16xi1>
      %ge3A_472 = arith.constant 1024 : i32
      %ge3A_473 = vector.broadcast %ge3A_472 : i32 to vector<16xi32>
      %ge3A_474 = arith.cmpi sge, %get3A_453, %ge3A_473 : vector<16xi32>
      %and3A_475 = arith.andi %and3A_471, %ge3A_474 : vector<16xi1>
      %lt3A_476 = arith.constant 1536 : i32
      %lt3A_477 = vector.broadcast %lt3A_476 : i32 to vector<16xi32>
      %lt3A_478 = arith.cmpi slt, %get3A_453, %lt3A_477 : vector<16xi32>
      %and3A_479 = arith.andi %and3A_475, %lt3A_478 : vector<16xi1>
      %iota3A_480 = tpu.iota {dimensions = array<i32: 0>} : vector<16xi32>
      %add3A_481 = vector.broadcast %add3A_450 : i32 to vector<16xi32>
      %add3A_482 = arith.addi %iota3A_480, %add3A_481 : vector<16xi32>
      %mul3A_483 = arith.constant 512 : i32
      %mul3A_484 = vector.broadcast %mul3A_483 : i32 to vector<16xi32>
      %mul3A_485 = arith.muli %sub3A_461, %mul3A_484 : vector<16xi32>
      %add3A_486 = arith.addi %mul3A_485, %sub3A_464 : vector<16xi32>
      %select_n3A_487 = arith.select %and3A_479, %add3A_486, %add3A_482 : vector<16xi1>, vector<16xi32>
      %swap3A_488 = arith.index_cast %add3A_450 : i32 to index
      %swap3A_489 = tpu.vector_load %arg12[%swap3A_488] {strides = array<i32>} : memref<2048xi32, #tpu.memory_space<vmem>>, vector<16xi32>,
      %swap3A_490 = vector.shape_cast %swap3A_489 : vector<16xi32> to vector<16xi32>
      %swap3A_491 = vector.shape_cast %select_n3A_487 : vector<16xi32> to vector<16xi32>
      tpu.vector_store %arg12[%swap3A_488], %swap3A_491 {strides = array<i32>} : memref<2048xi32, #tpu.memory_space<vmem>>, vector<16xi32>,
      %jit3A_492 = arith.constant 0.000000e+00 : f32
      %broadcast_in_dim3A_493 = vector.broadcast %jit3A_492 : f32 to vector<16xf32>
      %select_n3A_494 = arith.select %and3A_479, %get3A_459, %broadcast_in_dim3A_493 : vector<16xi1>, vector<16xf32>
      %swap3A_495 = arith.index_cast %add3A_450 : i32 to index
      %swap3A_496 = tpu.vector_load %arg16[%swap3A_495] {strides = array<i32>} : memref<2048xf32, #tpu.memory_space<vmem>>, vector<16xf32>,
      %swap3A_497 = vector.shape_cast %swap3A_496 : vector<16xf32> to vector<16xf32>
      %swap3A_498 = vector.shape_cast %select_n3A_494 : vector<16xf32> to vector<16xf32>
      tpu.vector_store %arg16[%swap3A_495], %swap3A_498 {strides = array<i32>} : memref<2048xf32, #tpu.memory_space<vmem>>, vector<16xf32>,
      %mul3A_499 = arith.constant 128 : i32
      %mul3A_500 = arith.muli %scan3A_248, %mul3A_499 : i32
      %add3A_501 = arith.constant 80 : i32
      %add3A_502 = arith.addi %mul3A_500, %add3A_501 : i32
      %get3A_503 = arith.index_cast %add3A_502 : i32 to index
      %get3A_504 = tpu.vector_load %arg7[%get3A_503] {strides = array<i32>} : memref<2048xi32, #tpu.memory_space<vmem>>, vector<16xi32>,
      %get3A_505 = vector.shape_cast %get3A_504 : vector<16xi32> to vector<16xi32>
      %get3A_506 = arith.index_cast %add3A_502 : i32 to index
      %get3A_507 = tpu.vector_load %arg8[%get3A_506] {strides = array<i32>} : memref<2048xi32, #tpu.memory_space<vmem>>, vector<16xi32>,
      %get3A_508 = vector.shape_cast %get3A_507 : vector<16xi32> to vector<16xi32>
      %get3A_509 = arith.index_cast %add3A_502 : i32 to index
      %get3A_510 = tpu.vector_load %arg9[%get3A_509] {strides = array<i32>} : memref<2048xf32, #tpu.memory_space<vmem>>, vector<16xf32>,
      %get3A_511 = vector.shape_cast %get3A_510 : vector<16xf32> to vector<16xf32>
      %sub3A_512 = vector.broadcast %mul3A_82 : i32 to vector<16xi32>
      %sub3A_513 = arith.subi %get3A_508, %sub3A_512 : vector<16xi32>
      %sub3A_514 = arith.constant 1024 : i32
      %sub3A_515 = vector.broadcast %sub3A_514 : i32 to vector<16xi32>
      %sub3A_516 = arith.subi %get3A_505, %sub3A_515 : vector<16xi32>
      %ge3A_517 = vector.broadcast %mul3A_82 : i32 to vector<16xi32>
      %ge3A_518 = arith.cmpi sge, %get3A_508, %ge3A_517 : vector<16xi32>
      %add3A_519 = arith.constant 1024 : i32
      %add3A_520 = arith.addi %mul3A_82, %add3A_519 : i32
      %lt3A_521 = vector.broadcast %add3A_520 : i32 to vector<16xi32>
      %lt3A_522 = arith.cmpi slt, %get3A_508, %lt3A_521 : vector<16xi32>
      %and3A_523 = arith.andi %ge3A_518, %lt3A_522 : vector<16xi1>
      %ge3A_524 = arith.constant 1024 : i32
      %ge3A_525 = vector.broadcast %ge3A_524 : i32 to vector<16xi32>
      %ge3A_526 = arith.cmpi sge, %get3A_505, %ge3A_525 : vector<16xi32>
      %and3A_527 = arith.andi %and3A_523, %ge3A_526 : vector<16xi1>
      %lt3A_528 = arith.constant 1536 : i32
      %lt3A_529 = vector.broadcast %lt3A_528 : i32 to vector<16xi32>
      %lt3A_530 = arith.cmpi slt, %get3A_505, %lt3A_529 : vector<16xi32>
      %and3A_531 = arith.andi %and3A_527, %lt3A_530 : vector<16xi1>
      %iota3A_532 = tpu.iota {dimensions = array<i32: 0>} : vector<16xi32>
      %add3A_533 = vector.broadcast %add3A_502 : i32 to vector<16xi32>
      %add3A_534 = arith.addi %iota3A_532, %add3A_533 : vector<16xi32>
      %mul3A_535 = arith.constant 512 : i32
      %mul3A_536 = vector.broadcast %mul3A_535 : i32 to vector<16xi32>
      %mul3A_537 = arith.muli %sub3A_513, %mul3A_536 : vector<16xi32>
      %add3A_538 = arith.addi %mul3A_537, %sub3A_516 : vector<16xi32>
      %select_n3A_539 = arith.select %and3A_531, %add3A_538, %add3A_534 : vector<16xi1>, vector<16xi32>
      %swap3A_540 = arith.index_cast %add3A_502 : i32 to index
      %swap3A_541 = tpu.vector_load %arg12[%swap3A_540] {strides = array<i32>} : memref<2048xi32, #tpu.memory_space<vmem>>, vector<16xi32>,
      %swap3A_542 = vector.shape_cast %swap3A_541 : vector<16xi32> to vector<16xi32>
      %swap3A_543 = vector.shape_cast %select_n3A_539 : vector<16xi32> to vector<16xi32>
      tpu.vector_store %arg12[%swap3A_540], %swap3A_543 {strides = array<i32>} : memref<2048xi32, #tpu.memory_space<vmem>>, vector<16xi32>,
      %jit3A_544 = arith.constant 0.000000e+00 : f32
      %broadcast_in_dim3A_545 = vector.broadcast %jit3A_544 : f32 to vector<16xf32>
      %select_n3A_546 = arith.select %and3A_531, %get3A_511, %broadcast_in_dim3A_545 : vector<16xi1>, vector<16xf32>
      %swap3A_547 = arith.index_cast %add3A_502 : i32 to index
      %swap3A_548 = tpu.vector_load %arg16[%swap3A_547] {strides = array<i32>} : memref<2048xf32, #tpu.memory_space<vmem>>, vector<16xf32>,
      %swap3A_549 = vector.shape_cast %swap3A_548 : vector<16xf32> to vector<16xf32>
      %swap3A_550 = vector.shape_cast %select_n3A_546 : vector<16xf32> to vector<16xf32>
      tpu.vector_store %arg16[%swap3A_547], %swap3A_550 {strides = array<i32>} : memref<2048xf32, #tpu.memory_space<vmem>>, vector<16xf32>,
      %mul3A_551 = arith.constant 128 : i32
      %mul3A_552 = arith.muli %scan3A_248, %mul3A_551 : i32
      %add3A_553 = arith.constant 96 : i32
      %add3A_554 = arith.addi %mul3A_552, %add3A_553 : i32
      %get3A_555 = arith.index_cast %add3A_554 : i32 to index
      %get3A_556 = tpu.vector_load %arg7[%get3A_555] {strides = array<i32>} : memref<2048xi32, #tpu.memory_space<vmem>>, vector<16xi32>,
      %get3A_557 = vector.shape_cast %get3A_556 : vector<16xi32> to vector<16xi32>
      %get3A_558 = arith.index_cast %add3A_554 : i32 to index
      %get3A_559 = tpu.vector_load %arg8[%get3A_558] {strides = array<i32>} : memref<2048xi32, #tpu.memory_space<vmem>>, vector<16xi32>,
      %get3A_560 = vector.shape_cast %get3A_559 : vector<16xi32> to vector<16xi32>
      %get3A_561 = arith.index_cast %add3A_554 : i32 to index
      %get3A_562 = tpu.vector_load %arg9[%get3A_561] {strides = array<i32>} : memref<2048xf32, #tpu.memory_space<vmem>>, vector<16xf32>,
      %get3A_563 = vector.shape_cast %get3A_562 : vector<16xf32> to vector<16xf32>
      %sub3A_564 = vector.broadcast %mul3A_82 : i32 to vector<16xi32>
      %sub3A_565 = arith.subi %get3A_560, %sub3A_564 : vector<16xi32>
      %sub3A_566 = arith.constant 1024 : i32
      %sub3A_567 = vector.broadcast %sub3A_566 : i32 to vector<16xi32>
      %sub3A_568 = arith.subi %get3A_557, %sub3A_567 : vector<16xi32>
      %ge3A_569 = vector.broadcast %mul3A_82 : i32 to vector<16xi32>
      %ge3A_570 = arith.cmpi sge, %get3A_560, %ge3A_569 : vector<16xi32>
      %add3A_571 = arith.constant 1024 : i32
      %add3A_572 = arith.addi %mul3A_82, %add3A_571 : i32
      %lt3A_573 = vector.broadcast %add3A_572 : i32 to vector<16xi32>
      %lt3A_574 = arith.cmpi slt, %get3A_560, %lt3A_573 : vector<16xi32>
      %and3A_575 = arith.andi %ge3A_570, %lt3A_574 : vector<16xi1>
      %ge3A_576 = arith.constant 1024 : i32
      %ge3A_577 = vector.broadcast %ge3A_576 : i32 to vector<16xi32>
      %ge3A_578 = arith.cmpi sge, %get3A_557, %ge3A_577 : vector<16xi32>
      %and3A_579 = arith.andi %and3A_575, %ge3A_578 : vector<16xi1>
      %lt3A_580 = arith.constant 1536 : i32
      %lt3A_581 = vector.broadcast %lt3A_580 : i32 to vector<16xi32>
      %lt3A_582 = arith.cmpi slt, %get3A_557, %lt3A_581 : vector<16xi32>
      %and3A_583 = arith.andi %and3A_579, %lt3A_582 : vector<16xi1>
      %iota3A_584 = tpu.iota {dimensions = array<i32: 0>} : vector<16xi32>
      %add3A_585 = vector.broadcast %add3A_554 : i32 to vector<16xi32>
      %add3A_586 = arith.addi %iota3A_584, %add3A_585 : vector<16xi32>
      %mul3A_587 = arith.constant 512 : i32
      %mul3A_588 = vector.broadcast %mul3A_587 : i32 to vector<16xi32>
      %mul3A_589 = arith.muli %sub3A_565, %mul3A_588 : vector<16xi32>
      %add3A_590 = arith.addi %mul3A_589, %sub3A_568 : vector<16xi32>
      %select_n3A_591 = arith.select %and3A_583, %add3A_590, %add3A_586 : vector<16xi1>, vector<16xi32>
      %swap3A_592 = arith.index_cast %add3A_554 : i32 to index
      %swap3A_593 = tpu.vector_load %arg12[%swap3A_592] {strides = array<i32>} : memref<2048xi32, #tpu.memory_space<vmem>>, vector<16xi32>,
      %swap3A_594 = vector.shape_cast %swap3A_593 : vector<16xi32> to vector<16xi32>
      %swap3A_595 = vector.shape_cast %select_n3A_591 : vector<16xi32> to vector<16xi32>
      tpu.vector_store %arg12[%swap3A_592], %swap3A_595 {strides = array<i32>} : memref<2048xi32, #tpu.memory_space<vmem>>, vector<16xi32>,
      %jit3A_596 = arith.constant 0.000000e+00 : f32
      %broadcast_in_dim3A_597 = vector.broadcast %jit3A_596 : f32 to vector<16xf32>
      %select_n3A_598 = arith.select %and3A_583, %get3A_563, %broadcast_in_dim3A_597 : vector<16xi1>, vector<16xf32>
      %swap3A_599 = arith.index_cast %add3A_554 : i32 to index
      %swap3A_600 = tpu.vector_load %arg16[%swap3A_599] {strides = array<i32>} : memref<2048xf32, #tpu.memory_space<vmem>>, vector<16xf32>,
      %swap3A_601 = vector.shape_cast %swap3A_600 : vector<16xf32> to vector<16xf32>
      %swap3A_602 = vector.shape_cast %select_n3A_598 : vector<16xf32> to vector<16xf32>
      tpu.vector_store %arg16[%swap3A_599], %swap3A_602 {strides = array<i32>} : memref<2048xf32, #tpu.memory_space<vmem>>, vector<16xf32>,
      %mul3A_603 = arith.constant 128 : i32
      %mul3A_604 = arith.muli %scan3A_248, %mul3A_603 : i32
      %add3A_605 = arith.constant 112 : i32
      %add3A_606 = arith.addi %mul3A_604, %add3A_605 : i32
      %get3A_607 = arith.index_cast %add3A_606 : i32 to index
      %get3A_608 = tpu.vector_load %arg7[%get3A_607] {strides = array<i32>} : memref<2048xi32, #tpu.memory_space<vmem>>, vector<16xi32>,
      %get3A_609 = vector.shape_cast %get3A_608 : vector<16xi32> to vector<16xi32>
      %get3A_610 = arith.index_cast %add3A_606 : i32 to index
      %get3A_611 = tpu.vector_load %arg8[%get3A_610] {strides = array<i32>} : memref<2048xi32, #tpu.memory_space<vmem>>, vector<16xi32>,
      %get3A_612 = vector.shape_cast %get3A_611 : vector<16xi32> to vector<16xi32>
      %get3A_613 = arith.index_cast %add3A_606 : i32 to index
      %get3A_614 = tpu.vector_load %arg9[%get3A_613] {strides = array<i32>} : memref<2048xf32, #tpu.memory_space<vmem>>, vector<16xf32>,
      %get3A_615 = vector.shape_cast %get3A_614 : vector<16xf32> to vector<16xf32>
      %sub3A_616 = vector.broadcast %mul3A_82 : i32 to vector<16xi32>
      %sub3A_617 = arith.subi %get3A_612, %sub3A_616 : vector<16xi32>
      %sub3A_618 = arith.constant 1024 : i32
      %sub3A_619 = vector.broadcast %sub3A_618 : i32 to vector<16xi32>
      %sub3A_620 = arith.subi %get3A_609, %sub3A_619 : vector<16xi32>
      %ge3A_621 = vector.broadcast %mul3A_82 : i32 to vector<16xi32>
      %ge3A_622 = arith.cmpi sge, %get3A_612, %ge3A_621 : vector<16xi32>
      %add3A_623 = arith.constant 1024 : i32
      %add3A_624 = arith.addi %mul3A_82, %add3A_623 : i32
      %lt3A_625 = vector.broadcast %add3A_624 : i32 to vector<16xi32>
      %lt3A_626 = arith.cmpi slt, %get3A_612, %lt3A_625 : vector<16xi32>
      %and3A_627 = arith.andi %ge3A_622, %lt3A_626 : vector<16xi1>
      %ge3A_628 = arith.constant 1024 : i32
      %ge3A_629 = vector.broadcast %ge3A_628 : i32 to vector<16xi32>
      %ge3A_630 = arith.cmpi sge, %get3A_609, %ge3A_629 : vector<16xi32>
      %and3A_631 = arith.andi %and3A_627, %ge3A_630 : vector<16xi1>
      %lt3A_632 = arith.constant 1536 : i32
      %lt3A_633 = vector.broadcast %lt3A_632 : i32 to vector<16xi32>
      %lt3A_634 = arith.cmpi slt, %get3A_609, %lt3A_633 : vector<16xi32>
      %and3A_635 = arith.andi %and3A_631, %lt3A_634 : vector<16xi1>
      %iota3A_636 = tpu.iota {dimensions = array<i32: 0>} : vector<16xi32>
      %add3A_637 = vector.broadcast %add3A_606 : i32 to vector<16xi32>
      %add3A_638 = arith.addi %iota3A_636, %add3A_637 : vector<16xi32>
      %mul3A_639 = arith.constant 512 : i32
      %mul3A_640 = vector.broadcast %mul3A_639 : i32 to vector<16xi32>
      %mul3A_641 = arith.muli %sub3A_617, %mul3A_640 : vector<16xi32>
      %add3A_642 = arith.addi %mul3A_641, %sub3A_620 : vector<16xi32>
      %select_n3A_643 = arith.select %and3A_635, %add3A_642, %add3A_638 : vector<16xi1>, vector<16xi32>
      %swap3A_644 = arith.index_cast %add3A_606 : i32 to index
      %swap3A_645 = tpu.vector_load %arg12[%swap3A_644] {strides = array<i32>} : memref<2048xi32, #tpu.memory_space<vmem>>, vector<16xi32>,
      %swap3A_646 = vector.shape_cast %swap3A_645 : vector<16xi32> to vector<16xi32>
      %swap3A_647 = vector.shape_cast %select_n3A_643 : vector<16xi32> to vector<16xi32>
      tpu.vector_store %arg12[%swap3A_644], %swap3A_647 {strides = array<i32>} : memref<2048xi32, #tpu.memory_space<vmem>>, vector<16xi32>,
      %jit3A_648 = arith.constant 0.000000e+00 : f32
      %broadcast_in_dim3A_649 = vector.broadcast %jit3A_648 : f32 to vector<16xf32>
      %select_n3A_650 = arith.select %and3A_635, %get3A_615, %broadcast_in_dim3A_649 : vector<16xi1>, vector<16xf32>
      %swap3A_651 = arith.index_cast %add3A_606 : i32 to index
      %swap3A_652 = tpu.vector_load %arg16[%swap3A_651] {strides = array<i32>} : memref<2048xf32, #tpu.memory_space<vmem>>, vector<16xf32>,
      %swap3A_653 = vector.shape_cast %swap3A_652 : vector<16xf32> to vector<16xf32>
      %swap3A_654 = vector.shape_cast %select_n3A_650 : vector<16xf32> to vector<16xf32>
      tpu.vector_store %arg16[%swap3A_651], %swap3A_654 {strides = array<i32>} : memref<2048xf32, #tpu.memory_space<vmem>>, vector<16xf32>,
    }
    %scan3A_159 = arith.constant 16 : i32
    %dma_start3A_160 = arith.constant 0 : i32
    %dma_start3A_161 = tpu.memref_slice %arg22[%dma_start3A_160] : memref<524288xf32, #tpu.memory_space<vmem_shared>> -> memref<524288xf32, #tpu.memory_space<vmem_shared>>
    tpu.enqueue_indirect_dma source(%arg16 : memref<2048xf32, #tpu.memory_space<vmem>>) target(%dma_start3A_161 : memref<524288xf32, #tpu.memory_space<vmem_shared>>) offsets(%arg12 : memref<2048xi32, #tpu.memory_space<vmem>>) semaphore(%arg25 : memref<!tpu.dma_semaphore, #tpu.memory_space<semaphore_mem>>) {add = true}
    %dma_wait3A_162 = arith.constant 0 : i32
    %dma_wait3A_163 = tpu.memref_slice %arg22[%dma_wait3A_162] : memref<524288xf32, #tpu.memory_space<vmem_shared>> -> memref<524288xf32, #tpu.memory_space<vmem_shared>>
    tpu.wait_indirect_dma semaphore(%arg25 : memref<!tpu.dma_semaphore, #tpu.memory_space<semaphore_mem>>) src(%arg16 : memref<2048xf32, #tpu.memory_space<vmem>>) dst(%dma_wait3A_163 : memref<524288xf32, #tpu.memory_space<vmem_shared>>)
    %barrier3A_164 = arith.constant 0 : index
    tpu.barrier barrier_id(%barrier3A_164)
    %mul3A_165 = arith.constant 4 : i32
    %mul3A_166 = arith.muli %arg0, %mul3A_165 : i32
    %add3A_167 = arith.constant 1 : i32
    %add3A_168 = arith.addi %mul3A_166, %add3A_167 : i32
    %mul3A_169 = arith.constant 524288 : i32
    %mul3A_170 = arith.muli %add3A_168, %mul3A_169 : i32
    %mul3A_171 = arith.constant 32768 : i32
    %mul3A_172 = arith.muli %arg1, %mul3A_171 : i32
    %add3A_173 = arith.addi %mul3A_170, %mul3A_172 : i32
    %mul3A_174 = arith.constant 32768 : i32
    %mul3A_175 = arith.muli %arg1, %mul3A_174 : i32
    "tpu.region"() ({
      %run_scoped3A = tpu.sem_alloc : memref<!tpu.dma_semaphore, #tpu.memory_space<semaphore_mem>>
      %dma_start3A_248 = tpu.memref_slice %arg5[%add3A_173] : memref<4194304xf32, #tpu.memory_space<hbm>> -> memref<32768xf32, #tpu.memory_space<hbm>>
      %dma_start3A_249 = tpu.memref_slice %arg23[%mul3A_175] : memref<524288xf32, #tpu.memory_space<vmem_shared>> -> memref<32768xf32, #tpu.memory_space<vmem_shared>>
      tpu.enqueue_dma source(%dma_start3A_249 : memref<32768xf32, #tpu.memory_space<vmem_shared>>) target(%dma_start3A_248 : memref<32768xf32, #tpu.memory_space<hbm>>) target_semaphore(%run_scoped3A : memref<!tpu.dma_semaphore, #tpu.memory_space<semaphore_mem>>)
      %dma_wait3A_250 = tpu.memref_slice %arg5[%add3A_173] : memref<4194304xf32, #tpu.memory_space<hbm>> -> memref<32768xf32, #tpu.memory_space<hbm>>
      %dma_wait3A_251 = tpu.memref_slice %arg23[%mul3A_175] : memref<524288xf32, #tpu.memory_space<vmem_shared>> -> memref<32768xf32, #tpu.memory_space<vmem_shared>>
      tpu.wait_dma2 semaphore(%run_scoped3A : memref<!tpu.dma_semaphore, #tpu.memory_space<semaphore_mem>>) src(%dma_wait3A_251 : memref<32768xf32, #tpu.memory_space<vmem_shared>>) dst(%dma_wait3A_250 : memref<32768xf32, #tpu.memory_space<hbm>>)
      tpu.yield
    }) : () -> ()
    %mul3A_176 = arith.constant 32768 : i32
    %mul3A_177 = arith.muli %arg1, %mul3A_176 : i32
    %add3A_178 = arith.constant 0 : i32
    %add3A_179 = arith.addi %mul3A_177, %add3A_178 : i32
    %dma_start3A_180 = tpu.memref_slice %arg23[%add3A_179] : memref<524288xf32, #tpu.memory_space<vmem_shared>> -> memref<8192xf32, #tpu.memory_space<vmem_shared>>
    %dma_start3A_181 = tpu.memref_slice %arg23[%add3A_179] : memref<524288xf32, #tpu.memory_space<vmem_shared>> -> memref<8192xf32, #tpu.memory_space<vmem_shared>>
    tpu.enqueue_dma source(%arg20 : memref<8192xf32, #tpu.memory_space<vmem>>) target(%dma_start3A_181 : memref<8192xf32, #tpu.memory_space<vmem_shared>>) target_semaphore(%arg25 : memref<!tpu.dma_semaphore, #tpu.memory_space<semaphore_mem>>)
    %mul3A_182 = arith.constant 32768 : i32
    %mul3A_183 = arith.muli %arg1, %mul3A_182 : i32
    %add3A_184 = arith.constant 8192 : i32
    %add3A_185 = arith.addi %mul3A_183, %add3A_184 : i32
    %dma_start3A_186 = tpu.memref_slice %arg23[%add3A_185] : memref<524288xf32, #tpu.memory_space<vmem_shared>> -> memref<8192xf32, #tpu.memory_space<vmem_shared>>
    %dma_start3A_187 = tpu.memref_slice %arg23[%add3A_185] : memref<524288xf32, #tpu.memory_space<vmem_shared>> -> memref<8192xf32, #tpu.memory_space<vmem_shared>>
    tpu.enqueue_dma source(%arg20 : memref<8192xf32, #tpu.memory_space<vmem>>) target(%dma_start3A_187 : memref<8192xf32, #tpu.memory_space<vmem_shared>>) target_semaphore(%arg25 : memref<!tpu.dma_semaphore, #tpu.memory_space<semaphore_mem>>)
    %mul3A_188 = arith.constant 32768 : i32
    %mul3A_189 = arith.muli %arg1, %mul3A_188 : i32
    %add3A_190 = arith.constant 16384 : i32
    %add3A_191 = arith.addi %mul3A_189, %add3A_190 : i32
    %dma_start3A_192 = tpu.memref_slice %arg23[%add3A_191] : memref<524288xf32, #tpu.memory_space<vmem_shared>> -> memref<8192xf32, #tpu.memory_space<vmem_shared>>
    %dma_start3A_193 = tpu.memref_slice %arg23[%add3A_191] : memref<524288xf32, #tpu.memory_space<vmem_shared>> -> memref<8192xf32, #tpu.memory_space<vmem_shared>>
    tpu.enqueue_dma source(%arg20 : memref<8192xf32, #tpu.memory_space<vmem>>) target(%dma_start3A_193 : memref<8192xf32, #tpu.memory_space<vmem_shared>>) target_semaphore(%arg25 : memref<!tpu.dma_semaphore, #tpu.memory_space<semaphore_mem>>)
    %mul3A_194 = arith.constant 32768 : i32
    %mul3A_195 = arith.muli %arg1, %mul3A_194 : i32
    %add3A_196 = arith.constant 24576 : i32
    %add3A_197 = arith.addi %mul3A_195, %add3A_196 : i32
    %dma_start3A_198 = tpu.memref_slice %arg23[%add3A_197] : memref<524288xf32, #tpu.memory_space<vmem_shared>> -> memref<8192xf32, #tpu.memory_space<vmem_shared>>
    %dma_start3A_199 = tpu.memref_slice %arg23[%add3A_197] : memref<524288xf32, #tpu.memory_space<vmem_shared>> -> memref<8192xf32, #tpu.memory_space<vmem_shared>>
    tpu.enqueue_dma source(%arg20 : memref<8192xf32, #tpu.memory_space<vmem>>) target(%dma_start3A_199 : memref<8192xf32, #tpu.memory_space<vmem_shared>>) target_semaphore(%arg25 : memref<!tpu.dma_semaphore, #tpu.memory_space<semaphore_mem>>)
    %dma_wait3A_200 = tpu.memref_slice %arg23[%add3A_179] : memref<524288xf32, #tpu.memory_space<vmem_shared>> -> memref<8192xf32, #tpu.memory_space<vmem_shared>>
    %dma_wait3A_201 = tpu.memref_slice %arg23[%add3A_179] : memref<524288xf32, #tpu.memory_space<vmem_shared>> -> memref<8192xf32, #tpu.memory_space<vmem_shared>>
    tpu.wait_dma2 semaphore(%arg25 : memref<!tpu.dma_semaphore, #tpu.memory_space<semaphore_mem>>) src(%arg20 : memref<8192xf32, #tpu.memory_space<vmem>>) dst(%dma_wait3A_201 : memref<8192xf32, #tpu.memory_space<vmem_shared>>)
    %dma_wait3A_202 = tpu.memref_slice %arg23[%add3A_185] : memref<524288xf32, #tpu.memory_space<vmem_shared>> -> memref<8192xf32, #tpu.memory_space<vmem_shared>>
    %dma_wait3A_203 = tpu.memref_slice %arg23[%add3A_185] : memref<524288xf32, #tpu.memory_space<vmem_shared>> -> memref<8192xf32, #tpu.memory_space<vmem_shared>>
    tpu.wait_dma2 semaphore(%arg25 : memref<!tpu.dma_semaphore, #tpu.memory_space<semaphore_mem>>) src(%arg20 : memref<8192xf32, #tpu.memory_space<vmem>>) dst(%dma_wait3A_203 : memref<8192xf32, #tpu.memory_space<vmem_shared>>)
    %dma_wait3A_204 = tpu.memref_slice %arg23[%add3A_191] : memref<524288xf32, #tpu.memory_space<vmem_shared>> -> memref<8192xf32, #tpu.memory_space<vmem_shared>>
    %dma_wait3A_205 = tpu.memref_slice %arg23[%add3A_191] : memref<524288xf32, #tpu.memory_space<vmem_shared>> -> memref<8192xf32, #tpu.memory_space<vmem_shared>>
    tpu.wait_dma2 semaphore(%arg25 : memref<!tpu.dma_semaphore, #tpu.memory_space<semaphore_mem>>) src(%arg20 : memref<8192xf32, #tpu.memory_space<vmem>>) dst(%dma_wait3A_205 : memref<8192xf32, #tpu.memory_space<vmem_shared>>)
    %dma_wait3A_206 = tpu.memref_slice %arg23[%add3A_197] : memref<524288xf32, #tpu.memory_space<vmem_shared>> -> memref<8192xf32, #tpu.memory_space<vmem_shared>>
    %dma_wait3A_207 = tpu.memref_slice %arg23[%add3A_197] : memref<524288xf32, #tpu.memory_space<vmem_shared>> -> memref<8192xf32, #tpu.memory_space<vmem_shared>>
    tpu.wait_dma2 semaphore(%arg25 : memref<!tpu.dma_semaphore, #tpu.memory_space<semaphore_mem>>) src(%arg20 : memref<8192xf32, #tpu.memory_space<vmem>>) dst(%dma_wait3A_207 : memref<8192xf32, #tpu.memory_space<vmem_shared>>)
    %barrier3A_208 = arith.constant 0 : index
    tpu.barrier barrier_id(%barrier3A_208)
    %scan3A_209 = arith.constant 0 : i32
    %scan3A_210 = arith.constant 0 : i32
    %scan3A_211 = arith.constant 16 : i32
    %scan3A_212 = arith.addi %scan3A_210, %scan3A_211 : i32
    %scan3A_213 = arith.constant 1 : i32
    scf.for %scan3A_248 = %scan3A_210 to %scan3A_212 step %scan3A_213  : i32 {
      %mul3A_249 = arith.constant 128 : i32
      %mul3A_250 = arith.muli %scan3A_248, %mul3A_249 : i32
      %add3A_251 = arith.constant 0 : i32
      %add3A_252 = arith.addi %mul3A_250, %add3A_251 : i32
      %get3A = arith.index_cast %add3A_252 : i32 to index
      %get3A_253 = tpu.vector_load %arg7[%get3A] {strides = array<i32>} : memref<2048xi32, #tpu.memory_space<vmem>>, vector<16xi32>,
      %get3A_254 = vector.shape_cast %get3A_253 : vector<16xi32> to vector<16xi32>
      %get3A_255 = arith.index_cast %add3A_252 : i32 to index
      %get3A_256 = tpu.vector_load %arg8[%get3A_255] {strides = array<i32>} : memref<2048xi32, #tpu.memory_space<vmem>>, vector<16xi32>,
      %get3A_257 = vector.shape_cast %get3A_256 : vector<16xi32> to vector<16xi32>
      %get3A_258 = arith.index_cast %add3A_252 : i32 to index
      %get3A_259 = tpu.vector_load %arg9[%get3A_258] {strides = array<i32>} : memref<2048xf32, #tpu.memory_space<vmem>>, vector<16xf32>,
      %get3A_260 = vector.shape_cast %get3A_259 : vector<16xf32> to vector<16xf32>
      %sub3A = vector.broadcast %mul3A_82 : i32 to vector<16xi32>
      %sub3A_261 = arith.subi %get3A_257, %sub3A : vector<16xi32>
      %sub3A_262 = arith.constant 1536 : i32
      %sub3A_263 = vector.broadcast %sub3A_262 : i32 to vector<16xi32>
      %sub3A_264 = arith.subi %get3A_254, %sub3A_263 : vector<16xi32>
      %ge3A = vector.broadcast %mul3A_82 : i32 to vector<16xi32>
      %ge3A_265 = arith.cmpi sge, %get3A_257, %ge3A : vector<16xi32>
      %add3A_266 = arith.constant 1024 : i32
      %add3A_267 = arith.addi %mul3A_82, %add3A_266 : i32
      %lt3A = vector.broadcast %add3A_267 : i32 to vector<16xi32>
      %lt3A_268 = arith.cmpi slt, %get3A_257, %lt3A : vector<16xi32>
      %and3A = arith.andi %ge3A_265, %lt3A_268 : vector<16xi1>
      %ge3A_269 = arith.constant 1536 : i32
      %ge3A_270 = vector.broadcast %ge3A_269 : i32 to vector<16xi32>
      %ge3A_271 = arith.cmpi sge, %get3A_254, %ge3A_270 : vector<16xi32>
      %and3A_272 = arith.andi %and3A, %ge3A_271 : vector<16xi1>
      %lt3A_273 = arith.constant 2048 : i32
      %lt3A_274 = vector.broadcast %lt3A_273 : i32 to vector<16xi32>
      %lt3A_275 = arith.cmpi slt, %get3A_254, %lt3A_274 : vector<16xi32>
      %and3A_276 = arith.andi %and3A_272, %lt3A_275 : vector<16xi1>
      %iota3A = tpu.iota {dimensions = array<i32: 0>} : vector<16xi32>
      %add3A_277 = vector.broadcast %add3A_252 : i32 to vector<16xi32>
      %add3A_278 = arith.addi %iota3A, %add3A_277 : vector<16xi32>
      %mul3A_279 = arith.constant 512 : i32
      %mul3A_280 = vector.broadcast %mul3A_279 : i32 to vector<16xi32>
      %mul3A_281 = arith.muli %sub3A_261, %mul3A_280 : vector<16xi32>
      %add3A_282 = arith.addi %mul3A_281, %sub3A_264 : vector<16xi32>
      %select_n3A = arith.select %and3A_276, %add3A_282, %add3A_278 : vector<16xi1>, vector<16xi32>
      %swap3A = arith.index_cast %add3A_252 : i32 to index
      %swap3A_283 = tpu.vector_load %arg13[%swap3A] {strides = array<i32>} : memref<2048xi32, #tpu.memory_space<vmem>>, vector<16xi32>,
      %swap3A_284 = vector.shape_cast %swap3A_283 : vector<16xi32> to vector<16xi32>
      %swap3A_285 = vector.shape_cast %select_n3A : vector<16xi32> to vector<16xi32>
      tpu.vector_store %arg13[%swap3A], %swap3A_285 {strides = array<i32>} : memref<2048xi32, #tpu.memory_space<vmem>>, vector<16xi32>,
      %jit3A = arith.constant 0.000000e+00 : f32
      %broadcast_in_dim3A = vector.broadcast %jit3A : f32 to vector<16xf32>
      %select_n3A_286 = arith.select %and3A_276, %get3A_260, %broadcast_in_dim3A : vector<16xi1>, vector<16xf32>
      %swap3A_287 = arith.index_cast %add3A_252 : i32 to index
      %swap3A_288 = tpu.vector_load %arg17[%swap3A_287] {strides = array<i32>} : memref<2048xf32, #tpu.memory_space<vmem>>, vector<16xf32>,
      %swap3A_289 = vector.shape_cast %swap3A_288 : vector<16xf32> to vector<16xf32>
      %swap3A_290 = vector.shape_cast %select_n3A_286 : vector<16xf32> to vector<16xf32>
      tpu.vector_store %arg17[%swap3A_287], %swap3A_290 {strides = array<i32>} : memref<2048xf32, #tpu.memory_space<vmem>>, vector<16xf32>,
      %mul3A_291 = arith.constant 128 : i32
      %mul3A_292 = arith.muli %scan3A_248, %mul3A_291 : i32
      %add3A_293 = arith.constant 16 : i32
      %add3A_294 = arith.addi %mul3A_292, %add3A_293 : i32
      %get3A_295 = arith.index_cast %add3A_294 : i32 to index
      %get3A_296 = tpu.vector_load %arg7[%get3A_295] {strides = array<i32>} : memref<2048xi32, #tpu.memory_space<vmem>>, vector<16xi32>,
      %get3A_297 = vector.shape_cast %get3A_296 : vector<16xi32> to vector<16xi32>
      %get3A_298 = arith.index_cast %add3A_294 : i32 to index
      %get3A_299 = tpu.vector_load %arg8[%get3A_298] {strides = array<i32>} : memref<2048xi32, #tpu.memory_space<vmem>>, vector<16xi32>,
      %get3A_300 = vector.shape_cast %get3A_299 : vector<16xi32> to vector<16xi32>
      %get3A_301 = arith.index_cast %add3A_294 : i32 to index
      %get3A_302 = tpu.vector_load %arg9[%get3A_301] {strides = array<i32>} : memref<2048xf32, #tpu.memory_space<vmem>>, vector<16xf32>,
      %get3A_303 = vector.shape_cast %get3A_302 : vector<16xf32> to vector<16xf32>
      %sub3A_304 = vector.broadcast %mul3A_82 : i32 to vector<16xi32>
      %sub3A_305 = arith.subi %get3A_300, %sub3A_304 : vector<16xi32>
      %sub3A_306 = arith.constant 1536 : i32
      %sub3A_307 = vector.broadcast %sub3A_306 : i32 to vector<16xi32>
      %sub3A_308 = arith.subi %get3A_297, %sub3A_307 : vector<16xi32>
      %ge3A_309 = vector.broadcast %mul3A_82 : i32 to vector<16xi32>
      %ge3A_310 = arith.cmpi sge, %get3A_300, %ge3A_309 : vector<16xi32>
      %add3A_311 = arith.constant 1024 : i32
      %add3A_312 = arith.addi %mul3A_82, %add3A_311 : i32
      %lt3A_313 = vector.broadcast %add3A_312 : i32 to vector<16xi32>
      %lt3A_314 = arith.cmpi slt, %get3A_300, %lt3A_313 : vector<16xi32>
      %and3A_315 = arith.andi %ge3A_310, %lt3A_314 : vector<16xi1>
      %ge3A_316 = arith.constant 1536 : i32
      %ge3A_317 = vector.broadcast %ge3A_316 : i32 to vector<16xi32>
      %ge3A_318 = arith.cmpi sge, %get3A_297, %ge3A_317 : vector<16xi32>
      %and3A_319 = arith.andi %and3A_315, %ge3A_318 : vector<16xi1>
      %lt3A_320 = arith.constant 2048 : i32
      %lt3A_321 = vector.broadcast %lt3A_320 : i32 to vector<16xi32>
      %lt3A_322 = arith.cmpi slt, %get3A_297, %lt3A_321 : vector<16xi32>
      %and3A_323 = arith.andi %and3A_319, %lt3A_322 : vector<16xi1>
      %iota3A_324 = tpu.iota {dimensions = array<i32: 0>} : vector<16xi32>
      %add3A_325 = vector.broadcast %add3A_294 : i32 to vector<16xi32>
      %add3A_326 = arith.addi %iota3A_324, %add3A_325 : vector<16xi32>
      %mul3A_327 = arith.constant 512 : i32
      %mul3A_328 = vector.broadcast %mul3A_327 : i32 to vector<16xi32>
      %mul3A_329 = arith.muli %sub3A_305, %mul3A_328 : vector<16xi32>
      %add3A_330 = arith.addi %mul3A_329, %sub3A_308 : vector<16xi32>
      %select_n3A_331 = arith.select %and3A_323, %add3A_330, %add3A_326 : vector<16xi1>, vector<16xi32>
      %swap3A_332 = arith.index_cast %add3A_294 : i32 to index
      %swap3A_333 = tpu.vector_load %arg13[%swap3A_332] {strides = array<i32>} : memref<2048xi32, #tpu.memory_space<vmem>>, vector<16xi32>,
      %swap3A_334 = vector.shape_cast %swap3A_333 : vector<16xi32> to vector<16xi32>
      %swap3A_335 = vector.shape_cast %select_n3A_331 : vector<16xi32> to vector<16xi32>
      tpu.vector_store %arg13[%swap3A_332], %swap3A_335 {strides = array<i32>} : memref<2048xi32, #tpu.memory_space<vmem>>, vector<16xi32>,
      %jit3A_336 = arith.constant 0.000000e+00 : f32
      %broadcast_in_dim3A_337 = vector.broadcast %jit3A_336 : f32 to vector<16xf32>
      %select_n3A_338 = arith.select %and3A_323, %get3A_303, %broadcast_in_dim3A_337 : vector<16xi1>, vector<16xf32>
      %swap3A_339 = arith.index_cast %add3A_294 : i32 to index
      %swap3A_340 = tpu.vector_load %arg17[%swap3A_339] {strides = array<i32>} : memref<2048xf32, #tpu.memory_space<vmem>>, vector<16xf32>,
      %swap3A_341 = vector.shape_cast %swap3A_340 : vector<16xf32> to vector<16xf32>
      %swap3A_342 = vector.shape_cast %select_n3A_338 : vector<16xf32> to vector<16xf32>
      tpu.vector_store %arg17[%swap3A_339], %swap3A_342 {strides = array<i32>} : memref<2048xf32, #tpu.memory_space<vmem>>, vector<16xf32>,
      %mul3A_343 = arith.constant 128 : i32
      %mul3A_344 = arith.muli %scan3A_248, %mul3A_343 : i32
      %add3A_345 = arith.constant 32 : i32
      %add3A_346 = arith.addi %mul3A_344, %add3A_345 : i32
      %get3A_347 = arith.index_cast %add3A_346 : i32 to index
      %get3A_348 = tpu.vector_load %arg7[%get3A_347] {strides = array<i32>} : memref<2048xi32, #tpu.memory_space<vmem>>, vector<16xi32>,
      %get3A_349 = vector.shape_cast %get3A_348 : vector<16xi32> to vector<16xi32>
      %get3A_350 = arith.index_cast %add3A_346 : i32 to index
      %get3A_351 = tpu.vector_load %arg8[%get3A_350] {strides = array<i32>} : memref<2048xi32, #tpu.memory_space<vmem>>, vector<16xi32>,
      %get3A_352 = vector.shape_cast %get3A_351 : vector<16xi32> to vector<16xi32>
      %get3A_353 = arith.index_cast %add3A_346 : i32 to index
      %get3A_354 = tpu.vector_load %arg9[%get3A_353] {strides = array<i32>} : memref<2048xf32, #tpu.memory_space<vmem>>, vector<16xf32>,
      %get3A_355 = vector.shape_cast %get3A_354 : vector<16xf32> to vector<16xf32>
      %sub3A_356 = vector.broadcast %mul3A_82 : i32 to vector<16xi32>
      %sub3A_357 = arith.subi %get3A_352, %sub3A_356 : vector<16xi32>
      %sub3A_358 = arith.constant 1536 : i32
      %sub3A_359 = vector.broadcast %sub3A_358 : i32 to vector<16xi32>
      %sub3A_360 = arith.subi %get3A_349, %sub3A_359 : vector<16xi32>
      %ge3A_361 = vector.broadcast %mul3A_82 : i32 to vector<16xi32>
      %ge3A_362 = arith.cmpi sge, %get3A_352, %ge3A_361 : vector<16xi32>
      %add3A_363 = arith.constant 1024 : i32
      %add3A_364 = arith.addi %mul3A_82, %add3A_363 : i32
      %lt3A_365 = vector.broadcast %add3A_364 : i32 to vector<16xi32>
      %lt3A_366 = arith.cmpi slt, %get3A_352, %lt3A_365 : vector<16xi32>
      %and3A_367 = arith.andi %ge3A_362, %lt3A_366 : vector<16xi1>
      %ge3A_368 = arith.constant 1536 : i32
      %ge3A_369 = vector.broadcast %ge3A_368 : i32 to vector<16xi32>
      %ge3A_370 = arith.cmpi sge, %get3A_349, %ge3A_369 : vector<16xi32>
      %and3A_371 = arith.andi %and3A_367, %ge3A_370 : vector<16xi1>
      %lt3A_372 = arith.constant 2048 : i32
      %lt3A_373 = vector.broadcast %lt3A_372 : i32 to vector<16xi32>
      %lt3A_374 = arith.cmpi slt, %get3A_349, %lt3A_373 : vector<16xi32>
      %and3A_375 = arith.andi %and3A_371, %lt3A_374 : vector<16xi1>
      %iota3A_376 = tpu.iota {dimensions = array<i32: 0>} : vector<16xi32>
      %add3A_377 = vector.broadcast %add3A_346 : i32 to vector<16xi32>
      %add3A_378 = arith.addi %iota3A_376, %add3A_377 : vector<16xi32>
      %mul3A_379 = arith.constant 512 : i32
      %mul3A_380 = vector.broadcast %mul3A_379 : i32 to vector<16xi32>
      %mul3A_381 = arith.muli %sub3A_357, %mul3A_380 : vector<16xi32>
      %add3A_382 = arith.addi %mul3A_381, %sub3A_360 : vector<16xi32>
      %select_n3A_383 = arith.select %and3A_375, %add3A_382, %add3A_378 : vector<16xi1>, vector<16xi32>
      %swap3A_384 = arith.index_cast %add3A_346 : i32 to index
      %swap3A_385 = tpu.vector_load %arg13[%swap3A_384] {strides = array<i32>} : memref<2048xi32, #tpu.memory_space<vmem>>, vector<16xi32>,
      %swap3A_386 = vector.shape_cast %swap3A_385 : vector<16xi32> to vector<16xi32>
      %swap3A_387 = vector.shape_cast %select_n3A_383 : vector<16xi32> to vector<16xi32>
      tpu.vector_store %arg13[%swap3A_384], %swap3A_387 {strides = array<i32>} : memref<2048xi32, #tpu.memory_space<vmem>>, vector<16xi32>,
      %jit3A_388 = arith.constant 0.000000e+00 : f32
      %broadcast_in_dim3A_389 = vector.broadcast %jit3A_388 : f32 to vector<16xf32>
      %select_n3A_390 = arith.select %and3A_375, %get3A_355, %broadcast_in_dim3A_389 : vector<16xi1>, vector<16xf32>
      %swap3A_391 = arith.index_cast %add3A_346 : i32 to index
      %swap3A_392 = tpu.vector_load %arg17[%swap3A_391] {strides = array<i32>} : memref<2048xf32, #tpu.memory_space<vmem>>, vector<16xf32>,
      %swap3A_393 = vector.shape_cast %swap3A_392 : vector<16xf32> to vector<16xf32>
      %swap3A_394 = vector.shape_cast %select_n3A_390 : vector<16xf32> to vector<16xf32>
      tpu.vector_store %arg17[%swap3A_391], %swap3A_394 {strides = array<i32>} : memref<2048xf32, #tpu.memory_space<vmem>>, vector<16xf32>,
      %mul3A_395 = arith.constant 128 : i32
      %mul3A_396 = arith.muli %scan3A_248, %mul3A_395 : i32
      %add3A_397 = arith.constant 48 : i32
      %add3A_398 = arith.addi %mul3A_396, %add3A_397 : i32
      %get3A_399 = arith.index_cast %add3A_398 : i32 to index
      %get3A_400 = tpu.vector_load %arg7[%get3A_399] {strides = array<i32>} : memref<2048xi32, #tpu.memory_space<vmem>>, vector<16xi32>,
      %get3A_401 = vector.shape_cast %get3A_400 : vector<16xi32> to vector<16xi32>
      %get3A_402 = arith.index_cast %add3A_398 : i32 to index
      %get3A_403 = tpu.vector_load %arg8[%get3A_402] {strides = array<i32>} : memref<2048xi32, #tpu.memory_space<vmem>>, vector<16xi32>,
      %get3A_404 = vector.shape_cast %get3A_403 : vector<16xi32> to vector<16xi32>
      %get3A_405 = arith.index_cast %add3A_398 : i32 to index
      %get3A_406 = tpu.vector_load %arg9[%get3A_405] {strides = array<i32>} : memref<2048xf32, #tpu.memory_space<vmem>>, vector<16xf32>,
      %get3A_407 = vector.shape_cast %get3A_406 : vector<16xf32> to vector<16xf32>
      %sub3A_408 = vector.broadcast %mul3A_82 : i32 to vector<16xi32>
      %sub3A_409 = arith.subi %get3A_404, %sub3A_408 : vector<16xi32>
      %sub3A_410 = arith.constant 1536 : i32
      %sub3A_411 = vector.broadcast %sub3A_410 : i32 to vector<16xi32>
      %sub3A_412 = arith.subi %get3A_401, %sub3A_411 : vector<16xi32>
      %ge3A_413 = vector.broadcast %mul3A_82 : i32 to vector<16xi32>
      %ge3A_414 = arith.cmpi sge, %get3A_404, %ge3A_413 : vector<16xi32>
      %add3A_415 = arith.constant 1024 : i32
      %add3A_416 = arith.addi %mul3A_82, %add3A_415 : i32
      %lt3A_417 = vector.broadcast %add3A_416 : i32 to vector<16xi32>
      %lt3A_418 = arith.cmpi slt, %get3A_404, %lt3A_417 : vector<16xi32>
      %and3A_419 = arith.andi %ge3A_414, %lt3A_418 : vector<16xi1>
      %ge3A_420 = arith.constant 1536 : i32
      %ge3A_421 = vector.broadcast %ge3A_420 : i32 to vector<16xi32>
      %ge3A_422 = arith.cmpi sge, %get3A_401, %ge3A_421 : vector<16xi32>
      %and3A_423 = arith.andi %and3A_419, %ge3A_422 : vector<16xi1>
      %lt3A_424 = arith.constant 2048 : i32
      %lt3A_425 = vector.broadcast %lt3A_424 : i32 to vector<16xi32>
      %lt3A_426 = arith.cmpi slt, %get3A_401, %lt3A_425 : vector<16xi32>
      %and3A_427 = arith.andi %and3A_423, %lt3A_426 : vector<16xi1>
      %iota3A_428 = tpu.iota {dimensions = array<i32: 0>} : vector<16xi32>
      %add3A_429 = vector.broadcast %add3A_398 : i32 to vector<16xi32>
      %add3A_430 = arith.addi %iota3A_428, %add3A_429 : vector<16xi32>
      %mul3A_431 = arith.constant 512 : i32
      %mul3A_432 = vector.broadcast %mul3A_431 : i32 to vector<16xi32>
      %mul3A_433 = arith.muli %sub3A_409, %mul3A_432 : vector<16xi32>
      %add3A_434 = arith.addi %mul3A_433, %sub3A_412 : vector<16xi32>
      %select_n3A_435 = arith.select %and3A_427, %add3A_434, %add3A_430 : vector<16xi1>, vector<16xi32>
      %swap3A_436 = arith.index_cast %add3A_398 : i32 to index
      %swap3A_437 = tpu.vector_load %arg13[%swap3A_436] {strides = array<i32>} : memref<2048xi32, #tpu.memory_space<vmem>>, vector<16xi32>,
      %swap3A_438 = vector.shape_cast %swap3A_437 : vector<16xi32> to vector<16xi32>
      %swap3A_439 = vector.shape_cast %select_n3A_435 : vector<16xi32> to vector<16xi32>
      tpu.vector_store %arg13[%swap3A_436], %swap3A_439 {strides = array<i32>} : memref<2048xi32, #tpu.memory_space<vmem>>, vector<16xi32>,
      %jit3A_440 = arith.constant 0.000000e+00 : f32
      %broadcast_in_dim3A_441 = vector.broadcast %jit3A_440 : f32 to vector<16xf32>
      %select_n3A_442 = arith.select %and3A_427, %get3A_407, %broadcast_in_dim3A_441 : vector<16xi1>, vector<16xf32>
      %swap3A_443 = arith.index_cast %add3A_398 : i32 to index
      %swap3A_444 = tpu.vector_load %arg17[%swap3A_443] {strides = array<i32>} : memref<2048xf32, #tpu.memory_space<vmem>>, vector<16xf32>,
      %swap3A_445 = vector.shape_cast %swap3A_444 : vector<16xf32> to vector<16xf32>
      %swap3A_446 = vector.shape_cast %select_n3A_442 : vector<16xf32> to vector<16xf32>
      tpu.vector_store %arg17[%swap3A_443], %swap3A_446 {strides = array<i32>} : memref<2048xf32, #tpu.memory_space<vmem>>, vector<16xf32>,
      %mul3A_447 = arith.constant 128 : i32
      %mul3A_448 = arith.muli %scan3A_248, %mul3A_447 : i32
      %add3A_449 = arith.constant 64 : i32
      %add3A_450 = arith.addi %mul3A_448, %add3A_449 : i32
      %get3A_451 = arith.index_cast %add3A_450 : i32 to index
      %get3A_452 = tpu.vector_load %arg7[%get3A_451] {strides = array<i32>} : memref<2048xi32, #tpu.memory_space<vmem>>, vector<16xi32>,
      %get3A_453 = vector.shape_cast %get3A_452 : vector<16xi32> to vector<16xi32>
      %get3A_454 = arith.index_cast %add3A_450 : i32 to index
      %get3A_455 = tpu.vector_load %arg8[%get3A_454] {strides = array<i32>} : memref<2048xi32, #tpu.memory_space<vmem>>, vector<16xi32>,
      %get3A_456 = vector.shape_cast %get3A_455 : vector<16xi32> to vector<16xi32>
      %get3A_457 = arith.index_cast %add3A_450 : i32 to index
      %get3A_458 = tpu.vector_load %arg9[%get3A_457] {strides = array<i32>} : memref<2048xf32, #tpu.memory_space<vmem>>, vector<16xf32>,
      %get3A_459 = vector.shape_cast %get3A_458 : vector<16xf32> to vector<16xf32>
      %sub3A_460 = vector.broadcast %mul3A_82 : i32 to vector<16xi32>
      %sub3A_461 = arith.subi %get3A_456, %sub3A_460 : vector<16xi32>
      %sub3A_462 = arith.constant 1536 : i32
      %sub3A_463 = vector.broadcast %sub3A_462 : i32 to vector<16xi32>
      %sub3A_464 = arith.subi %get3A_453, %sub3A_463 : vector<16xi32>
      %ge3A_465 = vector.broadcast %mul3A_82 : i32 to vector<16xi32>
      %ge3A_466 = arith.cmpi sge, %get3A_456, %ge3A_465 : vector<16xi32>
      %add3A_467 = arith.constant 1024 : i32
      %add3A_468 = arith.addi %mul3A_82, %add3A_467 : i32
      %lt3A_469 = vector.broadcast %add3A_468 : i32 to vector<16xi32>
      %lt3A_470 = arith.cmpi slt, %get3A_456, %lt3A_469 : vector<16xi32>
      %and3A_471 = arith.andi %ge3A_466, %lt3A_470 : vector<16xi1>
      %ge3A_472 = arith.constant 1536 : i32
      %ge3A_473 = vector.broadcast %ge3A_472 : i32 to vector<16xi32>
      %ge3A_474 = arith.cmpi sge, %get3A_453, %ge3A_473 : vector<16xi32>
      %and3A_475 = arith.andi %and3A_471, %ge3A_474 : vector<16xi1>
      %lt3A_476 = arith.constant 2048 : i32
      %lt3A_477 = vector.broadcast %lt3A_476 : i32 to vector<16xi32>
      %lt3A_478 = arith.cmpi slt, %get3A_453, %lt3A_477 : vector<16xi32>
      %and3A_479 = arith.andi %and3A_475, %lt3A_478 : vector<16xi1>
      %iota3A_480 = tpu.iota {dimensions = array<i32: 0>} : vector<16xi32>
      %add3A_481 = vector.broadcast %add3A_450 : i32 to vector<16xi32>
      %add3A_482 = arith.addi %iota3A_480, %add3A_481 : vector<16xi32>
      %mul3A_483 = arith.constant 512 : i32
      %mul3A_484 = vector.broadcast %mul3A_483 : i32 to vector<16xi32>
      %mul3A_485 = arith.muli %sub3A_461, %mul3A_484 : vector<16xi32>
      %add3A_486 = arith.addi %mul3A_485, %sub3A_464 : vector<16xi32>
      %select_n3A_487 = arith.select %and3A_479, %add3A_486, %add3A_482 : vector<16xi1>, vector<16xi32>
      %swap3A_488 = arith.index_cast %add3A_450 : i32 to index
      %swap3A_489 = tpu.vector_load %arg13[%swap3A_488] {strides = array<i32>} : memref<2048xi32, #tpu.memory_space<vmem>>, vector<16xi32>,
      %swap3A_490 = vector.shape_cast %swap3A_489 : vector<16xi32> to vector<16xi32>
      %swap3A_491 = vector.shape_cast %select_n3A_487 : vector<16xi32> to vector<16xi32>
      tpu.vector_store %arg13[%swap3A_488], %swap3A_491 {strides = array<i32>} : memref<2048xi32, #tpu.memory_space<vmem>>, vector<16xi32>,
      %jit3A_492 = arith.constant 0.000000e+00 : f32
      %broadcast_in_dim3A_493 = vector.broadcast %jit3A_492 : f32 to vector<16xf32>
      %select_n3A_494 = arith.select %and3A_479, %get3A_459, %broadcast_in_dim3A_493 : vector<16xi1>, vector<16xf32>
      %swap3A_495 = arith.index_cast %add3A_450 : i32 to index
      %swap3A_496 = tpu.vector_load %arg17[%swap3A_495] {strides = array<i32>} : memref<2048xf32, #tpu.memory_space<vmem>>, vector<16xf32>,
      %swap3A_497 = vector.shape_cast %swap3A_496 : vector<16xf32> to vector<16xf32>
      %swap3A_498 = vector.shape_cast %select_n3A_494 : vector<16xf32> to vector<16xf32>
      tpu.vector_store %arg17[%swap3A_495], %swap3A_498 {strides = array<i32>} : memref<2048xf32, #tpu.memory_space<vmem>>, vector<16xf32>,
      %mul3A_499 = arith.constant 128 : i32
      %mul3A_500 = arith.muli %scan3A_248, %mul3A_499 : i32
      %add3A_501 = arith.constant 80 : i32
      %add3A_502 = arith.addi %mul3A_500, %add3A_501 : i32
      %get3A_503 = arith.index_cast %add3A_502 : i32 to index
      %get3A_504 = tpu.vector_load %arg7[%get3A_503] {strides = array<i32>} : memref<2048xi32, #tpu.memory_space<vmem>>, vector<16xi32>,
      %get3A_505 = vector.shape_cast %get3A_504 : vector<16xi32> to vector<16xi32>
      %get3A_506 = arith.index_cast %add3A_502 : i32 to index
      %get3A_507 = tpu.vector_load %arg8[%get3A_506] {strides = array<i32>} : memref<2048xi32, #tpu.memory_space<vmem>>, vector<16xi32>,
      %get3A_508 = vector.shape_cast %get3A_507 : vector<16xi32> to vector<16xi32>
      %get3A_509 = arith.index_cast %add3A_502 : i32 to index
      %get3A_510 = tpu.vector_load %arg9[%get3A_509] {strides = array<i32>} : memref<2048xf32, #tpu.memory_space<vmem>>, vector<16xf32>,
      %get3A_511 = vector.shape_cast %get3A_510 : vector<16xf32> to vector<16xf32>
      %sub3A_512 = vector.broadcast %mul3A_82 : i32 to vector<16xi32>
      %sub3A_513 = arith.subi %get3A_508, %sub3A_512 : vector<16xi32>
      %sub3A_514 = arith.constant 1536 : i32
      %sub3A_515 = vector.broadcast %sub3A_514 : i32 to vector<16xi32>
      %sub3A_516 = arith.subi %get3A_505, %sub3A_515 : vector<16xi32>
      %ge3A_517 = vector.broadcast %mul3A_82 : i32 to vector<16xi32>
      %ge3A_518 = arith.cmpi sge, %get3A_508, %ge3A_517 : vector<16xi32>
      %add3A_519 = arith.constant 1024 : i32
      %add3A_520 = arith.addi %mul3A_82, %add3A_519 : i32
      %lt3A_521 = vector.broadcast %add3A_520 : i32 to vector<16xi32>
      %lt3A_522 = arith.cmpi slt, %get3A_508, %lt3A_521 : vector<16xi32>
      %and3A_523 = arith.andi %ge3A_518, %lt3A_522 : vector<16xi1>
      %ge3A_524 = arith.constant 1536 : i32
      %ge3A_525 = vector.broadcast %ge3A_524 : i32 to vector<16xi32>
      %ge3A_526 = arith.cmpi sge, %get3A_505, %ge3A_525 : vector<16xi32>
      %and3A_527 = arith.andi %and3A_523, %ge3A_526 : vector<16xi1>
      %lt3A_528 = arith.constant 2048 : i32
      %lt3A_529 = vector.broadcast %lt3A_528 : i32 to vector<16xi32>
      %lt3A_530 = arith.cmpi slt, %get3A_505, %lt3A_529 : vector<16xi32>
      %and3A_531 = arith.andi %and3A_527, %lt3A_530 : vector<16xi1>
      %iota3A_532 = tpu.iota {dimensions = array<i32: 0>} : vector<16xi32>
      %add3A_533 = vector.broadcast %add3A_502 : i32 to vector<16xi32>
      %add3A_534 = arith.addi %iota3A_532, %add3A_533 : vector<16xi32>
      %mul3A_535 = arith.constant 512 : i32
      %mul3A_536 = vector.broadcast %mul3A_535 : i32 to vector<16xi32>
      %mul3A_537 = arith.muli %sub3A_513, %mul3A_536 : vector<16xi32>
      %add3A_538 = arith.addi %mul3A_537, %sub3A_516 : vector<16xi32>
      %select_n3A_539 = arith.select %and3A_531, %add3A_538, %add3A_534 : vector<16xi1>, vector<16xi32>
      %swap3A_540 = arith.index_cast %add3A_502 : i32 to index
      %swap3A_541 = tpu.vector_load %arg13[%swap3A_540] {strides = array<i32>} : memref<2048xi32, #tpu.memory_space<vmem>>, vector<16xi32>,
      %swap3A_542 = vector.shape_cast %swap3A_541 : vector<16xi32> to vector<16xi32>
      %swap3A_543 = vector.shape_cast %select_n3A_539 : vector<16xi32> to vector<16xi32>
      tpu.vector_store %arg13[%swap3A_540], %swap3A_543 {strides = array<i32>} : memref<2048xi32, #tpu.memory_space<vmem>>, vector<16xi32>,
      %jit3A_544 = arith.constant 0.000000e+00 : f32
      %broadcast_in_dim3A_545 = vector.broadcast %jit3A_544 : f32 to vector<16xf32>
      %select_n3A_546 = arith.select %and3A_531, %get3A_511, %broadcast_in_dim3A_545 : vector<16xi1>, vector<16xf32>
      %swap3A_547 = arith.index_cast %add3A_502 : i32 to index
      %swap3A_548 = tpu.vector_load %arg17[%swap3A_547] {strides = array<i32>} : memref<2048xf32, #tpu.memory_space<vmem>>, vector<16xf32>,
      %swap3A_549 = vector.shape_cast %swap3A_548 : vector<16xf32> to vector<16xf32>
      %swap3A_550 = vector.shape_cast %select_n3A_546 : vector<16xf32> to vector<16xf32>
      tpu.vector_store %arg17[%swap3A_547], %swap3A_550 {strides = array<i32>} : memref<2048xf32, #tpu.memory_space<vmem>>, vector<16xf32>,
      %mul3A_551 = arith.constant 128 : i32
      %mul3A_552 = arith.muli %scan3A_248, %mul3A_551 : i32
      %add3A_553 = arith.constant 96 : i32
      %add3A_554 = arith.addi %mul3A_552, %add3A_553 : i32
      %get3A_555 = arith.index_cast %add3A_554 : i32 to index
      %get3A_556 = tpu.vector_load %arg7[%get3A_555] {strides = array<i32>} : memref<2048xi32, #tpu.memory_space<vmem>>, vector<16xi32>,
      %get3A_557 = vector.shape_cast %get3A_556 : vector<16xi32> to vector<16xi32>
      %get3A_558 = arith.index_cast %add3A_554 : i32 to index
      %get3A_559 = tpu.vector_load %arg8[%get3A_558] {strides = array<i32>} : memref<2048xi32, #tpu.memory_space<vmem>>, vector<16xi32>,
      %get3A_560 = vector.shape_cast %get3A_559 : vector<16xi32> to vector<16xi32>
      %get3A_561 = arith.index_cast %add3A_554 : i32 to index
      %get3A_562 = tpu.vector_load %arg9[%get3A_561] {strides = array<i32>} : memref<2048xf32, #tpu.memory_space<vmem>>, vector<16xf32>,
      %get3A_563 = vector.shape_cast %get3A_562 : vector<16xf32> to vector<16xf32>
      %sub3A_564 = vector.broadcast %mul3A_82 : i32 to vector<16xi32>
      %sub3A_565 = arith.subi %get3A_560, %sub3A_564 : vector<16xi32>
      %sub3A_566 = arith.constant 1536 : i32
      %sub3A_567 = vector.broadcast %sub3A_566 : i32 to vector<16xi32>
      %sub3A_568 = arith.subi %get3A_557, %sub3A_567 : vector<16xi32>
      %ge3A_569 = vector.broadcast %mul3A_82 : i32 to vector<16xi32>
      %ge3A_570 = arith.cmpi sge, %get3A_560, %ge3A_569 : vector<16xi32>
      %add3A_571 = arith.constant 1024 : i32
      %add3A_572 = arith.addi %mul3A_82, %add3A_571 : i32
      %lt3A_573 = vector.broadcast %add3A_572 : i32 to vector<16xi32>
      %lt3A_574 = arith.cmpi slt, %get3A_560, %lt3A_573 : vector<16xi32>
      %and3A_575 = arith.andi %ge3A_570, %lt3A_574 : vector<16xi1>
      %ge3A_576 = arith.constant 1536 : i32
      %ge3A_577 = vector.broadcast %ge3A_576 : i32 to vector<16xi32>
      %ge3A_578 = arith.cmpi sge, %get3A_557, %ge3A_577 : vector<16xi32>
      %and3A_579 = arith.andi %and3A_575, %ge3A_578 : vector<16xi1>
      %lt3A_580 = arith.constant 2048 : i32
      %lt3A_581 = vector.broadcast %lt3A_580 : i32 to vector<16xi32>
      %lt3A_582 = arith.cmpi slt, %get3A_557, %lt3A_581 : vector<16xi32>
      %and3A_583 = arith.andi %and3A_579, %lt3A_582 : vector<16xi1>
      %iota3A_584 = tpu.iota {dimensions = array<i32: 0>} : vector<16xi32>
      %add3A_585 = vector.broadcast %add3A_554 : i32 to vector<16xi32>
      %add3A_586 = arith.addi %iota3A_584, %add3A_585 : vector<16xi32>
      %mul3A_587 = arith.constant 512 : i32
      %mul3A_588 = vector.broadcast %mul3A_587 : i32 to vector<16xi32>
      %mul3A_589 = arith.muli %sub3A_565, %mul3A_588 : vector<16xi32>
      %add3A_590 = arith.addi %mul3A_589, %sub3A_568 : vector<16xi32>
      %select_n3A_591 = arith.select %and3A_583, %add3A_590, %add3A_586 : vector<16xi1>, vector<16xi32>
      %swap3A_592 = arith.index_cast %add3A_554 : i32 to index
      %swap3A_593 = tpu.vector_load %arg13[%swap3A_592] {strides = array<i32>} : memref<2048xi32, #tpu.memory_space<vmem>>, vector<16xi32>,
      %swap3A_594 = vector.shape_cast %swap3A_593 : vector<16xi32> to vector<16xi32>
      %swap3A_595 = vector.shape_cast %select_n3A_591 : vector<16xi32> to vector<16xi32>
      tpu.vector_store %arg13[%swap3A_592], %swap3A_595 {strides = array<i32>} : memref<2048xi32, #tpu.memory_space<vmem>>, vector<16xi32>,
      %jit3A_596 = arith.constant 0.000000e+00 : f32
      %broadcast_in_dim3A_597 = vector.broadcast %jit3A_596 : f32 to vector<16xf32>
      %select_n3A_598 = arith.select %and3A_583, %get3A_563, %broadcast_in_dim3A_597 : vector<16xi1>, vector<16xf32>
      %swap3A_599 = arith.index_cast %add3A_554 : i32 to index
      %swap3A_600 = tpu.vector_load %arg17[%swap3A_599] {strides = array<i32>} : memref<2048xf32, #tpu.memory_space<vmem>>, vector<16xf32>,
      %swap3A_601 = vector.shape_cast %swap3A_600 : vector<16xf32> to vector<16xf32>
      %swap3A_602 = vector.shape_cast %select_n3A_598 : vector<16xf32> to vector<16xf32>
      tpu.vector_store %arg17[%swap3A_599], %swap3A_602 {strides = array<i32>} : memref<2048xf32, #tpu.memory_space<vmem>>, vector<16xf32>,
      %mul3A_603 = arith.constant 128 : i32
      %mul3A_604 = arith.muli %scan3A_248, %mul3A_603 : i32
      %add3A_605 = arith.constant 112 : i32
      %add3A_606 = arith.addi %mul3A_604, %add3A_605 : i32
      %get3A_607 = arith.index_cast %add3A_606 : i32 to index
      %get3A_608 = tpu.vector_load %arg7[%get3A_607] {strides = array<i32>} : memref<2048xi32, #tpu.memory_space<vmem>>, vector<16xi32>,
      %get3A_609 = vector.shape_cast %get3A_608 : vector<16xi32> to vector<16xi32>
      %get3A_610 = arith.index_cast %add3A_606 : i32 to index
      %get3A_611 = tpu.vector_load %arg8[%get3A_610] {strides = array<i32>} : memref<2048xi32, #tpu.memory_space<vmem>>, vector<16xi32>,
      %get3A_612 = vector.shape_cast %get3A_611 : vector<16xi32> to vector<16xi32>
      %get3A_613 = arith.index_cast %add3A_606 : i32 to index
      %get3A_614 = tpu.vector_load %arg9[%get3A_613] {strides = array<i32>} : memref<2048xf32, #tpu.memory_space<vmem>>, vector<16xf32>,
      %get3A_615 = vector.shape_cast %get3A_614 : vector<16xf32> to vector<16xf32>
      %sub3A_616 = vector.broadcast %mul3A_82 : i32 to vector<16xi32>
      %sub3A_617 = arith.subi %get3A_612, %sub3A_616 : vector<16xi32>
      %sub3A_618 = arith.constant 1536 : i32
      %sub3A_619 = vector.broadcast %sub3A_618 : i32 to vector<16xi32>
      %sub3A_620 = arith.subi %get3A_609, %sub3A_619 : vector<16xi32>
      %ge3A_621 = vector.broadcast %mul3A_82 : i32 to vector<16xi32>
      %ge3A_622 = arith.cmpi sge, %get3A_612, %ge3A_621 : vector<16xi32>
      %add3A_623 = arith.constant 1024 : i32
      %add3A_624 = arith.addi %mul3A_82, %add3A_623 : i32
      %lt3A_625 = vector.broadcast %add3A_624 : i32 to vector<16xi32>
      %lt3A_626 = arith.cmpi slt, %get3A_612, %lt3A_625 : vector<16xi32>
      %and3A_627 = arith.andi %ge3A_622, %lt3A_626 : vector<16xi1>
      %ge3A_628 = arith.constant 1536 : i32
      %ge3A_629 = vector.broadcast %ge3A_628 : i32 to vector<16xi32>
      %ge3A_630 = arith.cmpi sge, %get3A_609, %ge3A_629 : vector<16xi32>
      %and3A_631 = arith.andi %and3A_627, %ge3A_630 : vector<16xi1>
      %lt3A_632 = arith.constant 2048 : i32
      %lt3A_633 = vector.broadcast %lt3A_632 : i32 to vector<16xi32>
      %lt3A_634 = arith.cmpi slt, %get3A_609, %lt3A_633 : vector<16xi32>
      %and3A_635 = arith.andi %and3A_631, %lt3A_634 : vector<16xi1>
      %iota3A_636 = tpu.iota {dimensions = array<i32: 0>} : vector<16xi32>
      %add3A_637 = vector.broadcast %add3A_606 : i32 to vector<16xi32>
      %add3A_638 = arith.addi %iota3A_636, %add3A_637 : vector<16xi32>
      %mul3A_639 = arith.constant 512 : i32
      %mul3A_640 = vector.broadcast %mul3A_639 : i32 to vector<16xi32>
      %mul3A_641 = arith.muli %sub3A_617, %mul3A_640 : vector<16xi32>
      %add3A_642 = arith.addi %mul3A_641, %sub3A_620 : vector<16xi32>
      %select_n3A_643 = arith.select %and3A_635, %add3A_642, %add3A_638 : vector<16xi1>, vector<16xi32>
      %swap3A_644 = arith.index_cast %add3A_606 : i32 to index
      %swap3A_645 = tpu.vector_load %arg13[%swap3A_644] {strides = array<i32>} : memref<2048xi32, #tpu.memory_space<vmem>>, vector<16xi32>,
      %swap3A_646 = vector.shape_cast %swap3A_645 : vector<16xi32> to vector<16xi32>
      %swap3A_647 = vector.shape_cast %select_n3A_643 : vector<16xi32> to vector<16xi32>
      tpu.vector_store %arg13[%swap3A_644], %swap3A_647 {strides = array<i32>} : memref<2048xi32, #tpu.memory_space<vmem>>, vector<16xi32>,
      %jit3A_648 = arith.constant 0.000000e+00 : f32
      %broadcast_in_dim3A_649 = vector.broadcast %jit3A_648 : f32 to vector<16xf32>
      %select_n3A_650 = arith.select %and3A_635, %get3A_615, %broadcast_in_dim3A_649 : vector<16xi1>, vector<16xf32>
      %swap3A_651 = arith.index_cast %add3A_606 : i32 to index
      %swap3A_652 = tpu.vector_load %arg17[%swap3A_651] {strides = array<i32>} : memref<2048xf32, #tpu.memory_space<vmem>>, vector<16xf32>,
      %swap3A_653 = vector.shape_cast %swap3A_652 : vector<16xf32> to vector<16xf32>
      %swap3A_654 = vector.shape_cast %select_n3A_650 : vector<16xf32> to vector<16xf32>
      tpu.vector_store %arg17[%swap3A_651], %swap3A_654 {strides = array<i32>} : memref<2048xf32, #tpu.memory_space<vmem>>, vector<16xf32>,
    }
    %scan3A_214 = arith.constant 16 : i32
    %dma_start3A_215 = arith.constant 0 : i32
    %dma_start3A_216 = tpu.memref_slice %arg23[%dma_start3A_215] : memref<524288xf32, #tpu.memory_space<vmem_shared>> -> memref<524288xf32, #tpu.memory_space<vmem_shared>>
    tpu.enqueue_indirect_dma source(%arg17 : memref<2048xf32, #tpu.memory_space<vmem>>) target(%dma_start3A_216 : memref<524288xf32, #tpu.memory_space<vmem_shared>>) offsets(%arg13 : memref<2048xi32, #tpu.memory_space<vmem>>) semaphore(%arg25 : memref<!tpu.dma_semaphore, #tpu.memory_space<semaphore_mem>>) {add = true}
    %dma_wait3A_217 = arith.constant 0 : i32
    %dma_wait3A_218 = tpu.memref_slice %arg23[%dma_wait3A_217] : memref<524288xf32, #tpu.memory_space<vmem_shared>> -> memref<524288xf32, #tpu.memory_space<vmem_shared>>
    tpu.wait_indirect_dma semaphore(%arg25 : memref<!tpu.dma_semaphore, #tpu.memory_space<semaphore_mem>>) src(%arg17 : memref<2048xf32, #tpu.memory_space<vmem>>) dst(%dma_wait3A_218 : memref<524288xf32, #tpu.memory_space<vmem_shared>>)
    %barrier3A_219 = arith.constant 0 : index
    tpu.barrier barrier_id(%barrier3A_219)
    %mul3A_220 = arith.constant 4 : i32
    %mul3A_221 = arith.muli %arg0, %mul3A_220 : i32
    %add3A_222 = arith.constant 2 : i32
    %add3A_223 = arith.addi %mul3A_221, %add3A_222 : i32
    %mul3A_224 = arith.constant 524288 : i32
    %mul3A_225 = arith.muli %add3A_223, %mul3A_224 : i32
    %mul3A_226 = arith.constant 32768 : i32
    %mul3A_227 = arith.muli %arg1, %mul3A_226 : i32
    %add3A_228 = arith.addi %mul3A_225, %mul3A_227 : i32
    %mul3A_229 = arith.constant 32768 : i32
    %mul3A_230 = arith.muli %arg1, %mul3A_229 : i32
    "tpu.region"() ({
      %run_scoped3A = tpu.sem_alloc : memref<!tpu.dma_semaphore, #tpu.memory_space<semaphore_mem>>
      %dma_start3A_248 = tpu.memref_slice %arg5[%add3A_228] : memref<4194304xf32, #tpu.memory_space<hbm>> -> memref<32768xf32, #tpu.memory_space<hbm>>
      %dma_start3A_249 = tpu.memref_slice %arg22[%mul3A_230] : memref<524288xf32, #tpu.memory_space<vmem_shared>> -> memref<32768xf32, #tpu.memory_space<vmem_shared>>
      tpu.enqueue_dma source(%dma_start3A_249 : memref<32768xf32, #tpu.memory_space<vmem_shared>>) target(%dma_start3A_248 : memref<32768xf32, #tpu.memory_space<hbm>>) target_semaphore(%run_scoped3A : memref<!tpu.dma_semaphore, #tpu.memory_space<semaphore_mem>>)
      %dma_wait3A_250 = tpu.memref_slice %arg5[%add3A_228] : memref<4194304xf32, #tpu.memory_space<hbm>> -> memref<32768xf32, #tpu.memory_space<hbm>>
      %dma_wait3A_251 = tpu.memref_slice %arg22[%mul3A_230] : memref<524288xf32, #tpu.memory_space<vmem_shared>> -> memref<32768xf32, #tpu.memory_space<vmem_shared>>
      tpu.wait_dma2 semaphore(%run_scoped3A : memref<!tpu.dma_semaphore, #tpu.memory_space<semaphore_mem>>) src(%dma_wait3A_251 : memref<32768xf32, #tpu.memory_space<vmem_shared>>) dst(%dma_wait3A_250 : memref<32768xf32, #tpu.memory_space<hbm>>)
      tpu.yield
    }) : () -> ()
    %barrier3A_231 = arith.constant 0 : index
    tpu.barrier barrier_id(%barrier3A_231)
    %mul3A_232 = arith.constant 4 : i32
    %mul3A_233 = arith.muli %arg0, %mul3A_232 : i32
    %add3A_234 = arith.constant 3 : i32
    %add3A_235 = arith.addi %mul3A_233, %add3A_234 : i32
    %mul3A_236 = arith.constant 524288 : i32
    %mul3A_237 = arith.muli %add3A_235, %mul3A_236 : i32
    %mul3A_238 = arith.constant 32768 : i32
    %mul3A_239 = arith.muli %arg1, %mul3A_238 : i32
    %add3A_240 = arith.addi %mul3A_237, %mul3A_239 : i32
    %mul3A_241 = arith.constant 32768 : i32
    %mul3A_242 = arith.muli %arg1, %mul3A_241 : i32
    "tpu.region"() ({
      %run_scoped3A = tpu.sem_alloc : memref<!tpu.dma_semaphore, #tpu.memory_space<semaphore_mem>>
      %dma_start3A_248 = tpu.memref_slice %arg5[%add3A_240] : memref<4194304xf32, #tpu.memory_space<hbm>> -> memref<32768xf32, #tpu.memory_space<hbm>>
      %dma_start3A_249 = tpu.memref_slice %arg23[%mul3A_242] : memref<524288xf32, #tpu.memory_space<vmem_shared>> -> memref<32768xf32, #tpu.memory_space<vmem_shared>>
      tpu.enqueue_dma source(%dma_start3A_249 : memref<32768xf32, #tpu.memory_space<vmem_shared>>) target(%dma_start3A_248 : memref<32768xf32, #tpu.memory_space<hbm>>) target_semaphore(%run_scoped3A : memref<!tpu.dma_semaphore, #tpu.memory_space<semaphore_mem>>)
      %dma_wait3A_250 = tpu.memref_slice %arg5[%add3A_240] : memref<4194304xf32, #tpu.memory_space<hbm>> -> memref<32768xf32, #tpu.memory_space<hbm>>
      %dma_wait3A_251 = tpu.memref_slice %arg23[%mul3A_242] : memref<524288xf32, #tpu.memory_space<vmem_shared>> -> memref<32768xf32, #tpu.memory_space<vmem_shared>>
      tpu.wait_dma2 semaphore(%run_scoped3A : memref<!tpu.dma_semaphore, #tpu.memory_space<semaphore_mem>>) src(%dma_wait3A_251 : memref<32768xf32, #tpu.memory_space<vmem_shared>>) dst(%dma_wait3A_250 : memref<32768xf32, #tpu.memory_space<hbm>>)
      tpu.yield
    }) : () -> ()
    %eq3A_243 = arith.constant 0 : i32
    %eq3A_244 = arith.cmpi eq, %arg1, %eq3A_243 : i32
    %convert_element_type3A_245 = arith.extui %eq3A_244 : i1 to i32
    %cond3A_246 = arith.constant 0 : i32
    %cond3A_247 = arith.cmpi ne, %convert_element_type3A_245, %cond3A_246 : i32
    scf.if %cond3A_247 {
      %mul3A_248 = arith.constant 1024 : i32
      %mul3A_249 = arith.muli %arg0, %mul3A_248 : i32
      "tpu.region"() ({
        %run_scoped3A = tpu.sem_alloc : memref<!tpu.dma_semaphore, #tpu.memory_space<semaphore_mem>>
        %dma_start3A_250 = tpu.memref_slice %arg6[%mul3A_249] : memref<2048xf32, #tpu.memory_space<hbm>> -> memref<1024xf32, #tpu.memory_space<hbm>>
        tpu.enqueue_dma source(%arg24 : memref<1024xf32, #tpu.memory_space<vmem_shared>>) target(%dma_start3A_250 : memref<1024xf32, #tpu.memory_space<hbm>>) target_semaphore(%run_scoped3A : memref<!tpu.dma_semaphore, #tpu.memory_space<semaphore_mem>>)
        %dma_wait3A_251 = tpu.memref_slice %arg6[%mul3A_249] : memref<2048xf32, #tpu.memory_space<hbm>> -> memref<1024xf32, #tpu.memory_space<hbm>>
        tpu.wait_dma2 semaphore(%run_scoped3A : memref<!tpu.dma_semaphore, #tpu.memory_space<semaphore_mem>>) src(%arg24 : memref<1024xf32, #tpu.memory_space<vmem_shared>>) dst(%dma_wait3A_251 : memref<1024xf32, #tpu.memory_space<hbm>>)
        tpu.yield
      }) : () -> ()
    } else {
    }
    return
  }
}

module attributes {stable_mosaic.version = 14 : i64} {
  func.func @_mm_rt_kernel(%arg0: i32, %arg1: memref<256x2048xf32, #tpu.memory_space<vmem>>, %arg2: memref<512x2048xbf16, #tpu.memory_space<vmem>>, %arg3: memref<512x2048xbf16, #tpu.memory_space<vmem>>, %arg4: memref<256x512xf32, #tpu.memory_space<vmem>>) attributes {dimension_semantics = [#tpu.dimension_semantics<arbitrary>], iteration_bounds = array<i64: 8>, scalar_prefetch = 0 : i64, scratch_operands = 0 : i64, tpu.core_type = #tpu.core_type<tc>, window_params = [{transform_indices = @transform_0, window_bounds = array<i64: 256, 2048>}, {pipeline_mode = #tpu.pipeline_mode<synchronous>, transform_indices = @transform_1, window_bounds = array<i64: 512, 2048>}, {pipeline_mode = #tpu.pipeline_mode<synchronous>, transform_indices = @transform_2, window_bounds = array<i64: 512, 2048>}, {transform_indices = @transform_3, window_bounds = array<i64: 256, 512>}]} {
    %get3A = arith.constant 0 : index
    %get3A_0 = arith.constant 0 : index
    %get3A_1 = vector.load %arg1[%get3A, %get3A_0] : memref<256x2048xf32, #tpu.memory_space<vmem>>, vector<256x2048xf32>
    %convert_element_type3A = arith.truncf %get3A_1 : vector<256x2048xf32> to vector<256x2048xbf16>
    %convert_element_type3A_2 = arith.extf %convert_element_type3A : vector<256x2048xbf16> to vector<256x2048xf32>
    %sub3A = arith.subf %get3A_1, %convert_element_type3A_2 : vector<256x2048xf32>
    %convert_element_type3A_3 = arith.truncf %sub3A : vector<256x2048xf32> to vector<256x2048xbf16>
    %get3A_4 = arith.constant 0 : index
    %get3A_5 = arith.constant 0 : index
    %get3A_6 = vector.load %arg2[%get3A_4, %get3A_5] : memref<512x2048xbf16, #tpu.memory_space<vmem>>, vector<512x2048xbf16>
    %dot_general3A = arith.constant dense<0.000000e+00> : vector<256x512xf32>
    %dot_general3A_7 = tpu.matmul %convert_element_type3A, %get3A_6, %dot_general3A {dimension_numbers = #tpu.dot_dimension_numbers<[1], [1], [0], [0], [0, 0, 1, 0], [], []>, transpose_lhs_hint = false} : vector<256x2048xbf16>, vector<512x2048xbf16>, vector<256x512xf32> -> vector<256x512xf32>
    %get3A_8 = arith.constant 0 : index
    %get3A_9 = arith.constant 0 : index
    %get3A_10 = vector.load %arg3[%get3A_8, %get3A_9] : memref<512x2048xbf16, #tpu.memory_space<vmem>>, vector<512x2048xbf16>
    %dot_general3A_11 = arith.constant dense<0.000000e+00> : vector<256x512xf32>
    %dot_general3A_12 = tpu.matmul %convert_element_type3A, %get3A_10, %dot_general3A_11 {dimension_numbers = #tpu.dot_dimension_numbers<[1], [1], [0], [0], [0, 0, 1, 0], [], []>, transpose_lhs_hint = false} : vector<256x2048xbf16>, vector<512x2048xbf16>, vector<256x512xf32> -> vector<256x512xf32>
    %add3A = arith.addf %dot_general3A_7, %dot_general3A_12 : vector<256x512xf32>
    %get3A_13 = arith.constant 0 : index
    %get3A_14 = arith.constant 0 : index
    %get3A_15 = vector.load %arg2[%get3A_13, %get3A_14] : memref<512x2048xbf16, #tpu.memory_space<vmem>>, vector<512x2048xbf16>
    %dot_general3A_16 = arith.constant dense<0.000000e+00> : vector<256x512xf32>
    %dot_general3A_17 = tpu.matmul %convert_element_type3A_3, %get3A_15, %dot_general3A_16 {dimension_numbers = #tpu.dot_dimension_numbers<[1], [1], [0], [0], [0, 0, 1, 0], [], []>, transpose_lhs_hint = false} : vector<256x2048xbf16>, vector<512x2048xbf16>, vector<256x512xf32> -> vector<256x512xf32>
    %add3A_18 = arith.addf %add3A, %dot_general3A_17 : vector<256x512xf32>
    %swap3A = arith.constant 0 : index
    %swap3A_19 = arith.constant 0 : index
    %swap3A_20 = vector.load %arg4[%swap3A, %swap3A_19] : memref<256x512xf32, #tpu.memory_space<vmem>>, vector<256x512xf32>
    tpu.vector_store %arg4[%swap3A, %swap3A_19], %add3A_18 {strides = array<i32>} : memref<256x512xf32, #tpu.memory_space<vmem>>, vector<256x512xf32>,
    return
  }
  func.func @transform_0(%arg0: i32) -> (i32, i32) {
    %c0_i32 = arith.constant 0 : i32
    %c0_i32_0 = arith.constant 0 : i32
    return %arg0, %c0_i32 : i32, i32
  }
  func.func @transform_1(%arg0: i32) -> (i32, i32) {
    %c0_i32 = arith.constant 0 : i32
    %c0_i32_0 = arith.constant 0 : i32
    %c0_i32_1 = arith.constant 0 : i32
    return %c0_i32, %c0_i32_0 : i32, i32
  }
  func.func @transform_2(%arg0: i32) -> (i32, i32) {
    %c0_i32 = arith.constant 0 : i32
    %c0_i32_0 = arith.constant 0 : i32
    %c0_i32_1 = arith.constant 0 : i32
    return %c0_i32, %c0_i32_0 : i32, i32
  }
  func.func @transform_3(%arg0: i32) -> (i32, i32) {
    %c0_i32 = arith.constant 0 : i32
    %c0_i32_0 = arith.constant 0 : i32
    return %arg0, %c0_i32 : i32, i32
  }
}

module attributes {stable_mosaic.version = 14 : i64} {
  func.func @body(%arg0: i32, %arg1: memref<1x4x256x512xbf16, #tpu.memory_space<vmem>>, %arg2: memref<2048x512xbf16, #tpu.memory_space<vmem>>, %arg3: memref<2048x512xbf16, #tpu.memory_space<vmem>>, %arg4: memref<256x512xf32, #tpu.memory_space<vmem>>, %arg5: memref<256x1xf32, #tpu.memory_space<vmem>>, %arg6: memref<1x512xf32, #tpu.memory_space<vmem>>, %arg7: memref<128x512xf32, #tpu.memory_space<vmem>>, %arg8: memref<256x128xf32, #tpu.memory_space<vmem>>) attributes {dimension_semantics = [#tpu.dimension_semantics<arbitrary>], iteration_bounds = array<i64: 8>, scalar_prefetch = 0 : i64, scratch_operands = 0 : i64, tpu.core_type = #tpu.core_type<tc>, window_params = [{transform_indices = @transform_0, window_bounds = array<i64: 1, 4, 256, 512>}, {pipeline_mode = #tpu.pipeline_mode<synchronous>, transform_indices = @transform_1, window_bounds = array<i64: 2048, 512>}, {pipeline_mode = #tpu.pipeline_mode<synchronous>, transform_indices = @transform_2, window_bounds = array<i64: 2048, 512>}, {transform_indices = @transform_3, window_bounds = array<i64: 256, 512>}, {transform_indices = @transform_4, window_bounds = array<i64: 256, 1>}, {pipeline_mode = #tpu.pipeline_mode<synchronous>, transform_indices = @transform_5, window_bounds = array<i64: 1, 512>}, {pipeline_mode = #tpu.pipeline_mode<synchronous>, transform_indices = @transform_6, window_bounds = array<i64: 128, 512>}, {transform_indices = @transform_7, window_bounds = array<i64: 256, 128>}]} {
    %get3A = arith.constant 0 : index
    %get3A_0 = arith.constant 0 : index
    %get3A_1 = arith.constant 0 : index
    %get3A_2 = arith.constant 0 : index
    %get3A_3 = vector.load %arg1[%get3A, %get3A_0, %get3A_1, %get3A_2] : memref<1x4x256x512xbf16, #tpu.memory_space<vmem>>, vector<1x1x256x512xbf16>
    %get3A_4 = vector.shape_cast %get3A_3 : vector<1x1x256x512xbf16> to vector<256x512xbf16>
    %get3A_5 = arith.constant 0 : index
    %get3A_6 = arith.constant 0 : index
    %get3A_7 = vector.load %arg2[%get3A_5, %get3A_6] : memref<2048x512xbf16, #tpu.memory_space<vmem>>, vector<512x512xbf16>
    %dot_general3A = arith.constant dense<0.000000e+00> : vector<256x512xf32>
    %dot_general3A_8 = tpu.matmul %get3A_4, %get3A_7, %dot_general3A {dimension_numbers = #tpu.dot_dimension_numbers<[1], [0], [0], [1], [0, 0, 1, 1], [], []>, transpose_lhs_hint = false} : vector<256x512xbf16>, vector<512x512xbf16>, vector<256x512xf32> -> vector<256x512xf32>
    %get3A_9 = arith.constant 0 : index
    %get3A_10 = arith.constant 0 : index
    %get3A_11 = vector.load %arg3[%get3A_9, %get3A_10] : memref<2048x512xbf16, #tpu.memory_space<vmem>>, vector<512x512xbf16>
    %dot_general3A_12 = arith.constant dense<0.000000e+00> : vector<256x512xf32>
    %dot_general3A_13 = tpu.matmul %get3A_4, %get3A_11, %dot_general3A_12 {dimension_numbers = #tpu.dot_dimension_numbers<[1], [0], [0], [1], [0, 0, 1, 1], [], []>, transpose_lhs_hint = false} : vector<256x512xbf16>, vector<512x512xbf16>, vector<256x512xf32> -> vector<256x512xf32>
    %add3A = arith.addf %dot_general3A_8, %dot_general3A_13 : vector<256x512xf32>
    %get3A_14 = arith.constant 0 : index
    %get3A_15 = arith.constant 1 : index
    %get3A_16 = arith.constant 0 : index
    %get3A_17 = arith.constant 0 : index
    %get3A_18 = vector.load %arg1[%get3A_14, %get3A_15, %get3A_16, %get3A_17] : memref<1x4x256x512xbf16, #tpu.memory_space<vmem>>, vector<1x1x256x512xbf16>
    %get3A_19 = vector.shape_cast %get3A_18 : vector<1x1x256x512xbf16> to vector<256x512xbf16>
    %get3A_20 = arith.constant 512 : index
    %get3A_21 = arith.constant 0 : index
    %get3A_22 = vector.load %arg2[%get3A_20, %get3A_21] : memref<2048x512xbf16, #tpu.memory_space<vmem>>, vector<512x512xbf16>
    %dot_general3A_23 = arith.constant dense<0.000000e+00> : vector<256x512xf32>
    %dot_general3A_24 = tpu.matmul %get3A_19, %get3A_22, %dot_general3A_23 {dimension_numbers = #tpu.dot_dimension_numbers<[1], [0], [0], [1], [0, 0, 1, 1], [], []>, transpose_lhs_hint = false} : vector<256x512xbf16>, vector<512x512xbf16>, vector<256x512xf32> -> vector<256x512xf32>
    %get3A_25 = arith.constant 512 : index
    %get3A_26 = arith.constant 0 : index
    %get3A_27 = vector.load %arg3[%get3A_25, %get3A_26] : memref<2048x512xbf16, #tpu.memory_space<vmem>>, vector<512x512xbf16>
    %dot_general3A_28 = arith.constant dense<0.000000e+00> : vector<256x512xf32>
    %dot_general3A_29 = tpu.matmul %get3A_19, %get3A_27, %dot_general3A_28 {dimension_numbers = #tpu.dot_dimension_numbers<[1], [0], [0], [1], [0, 0, 1, 1], [], []>, transpose_lhs_hint = false} : vector<256x512xbf16>, vector<512x512xbf16>, vector<256x512xf32> -> vector<256x512xf32>
    %add3A_30 = arith.addf %dot_general3A_24, %dot_general3A_29 : vector<256x512xf32>
    %add3A_31 = arith.addf %add3A, %add3A_30 : vector<256x512xf32>
    %get3A_32 = arith.constant 0 : index
    %get3A_33 = arith.constant 2 : index
    %get3A_34 = arith.constant 0 : index
    %get3A_35 = arith.constant 0 : index
    %get3A_36 = vector.load %arg1[%get3A_32, %get3A_33, %get3A_34, %get3A_35] : memref<1x4x256x512xbf16, #tpu.memory_space<vmem>>, vector<1x1x256x512xbf16>
    %get3A_37 = vector.shape_cast %get3A_36 : vector<1x1x256x512xbf16> to vector<256x512xbf16>
    %get3A_38 = arith.constant 1024 : index
    %get3A_39 = arith.constant 0 : index
    %get3A_40 = vector.load %arg2[%get3A_38, %get3A_39] : memref<2048x512xbf16, #tpu.memory_space<vmem>>, vector<512x512xbf16>
    %dot_general3A_41 = arith.constant dense<0.000000e+00> : vector<256x512xf32>
    %dot_general3A_42 = tpu.matmul %get3A_37, %get3A_40, %dot_general3A_41 {dimension_numbers = #tpu.dot_dimension_numbers<[1], [0], [0], [1], [0, 0, 1, 1], [], []>, transpose_lhs_hint = false} : vector<256x512xbf16>, vector<512x512xbf16>, vector<256x512xf32> -> vector<256x512xf32>
    %get3A_43 = arith.constant 1024 : index
    %get3A_44 = arith.constant 0 : index
    %get3A_45 = vector.load %arg3[%get3A_43, %get3A_44] : memref<2048x512xbf16, #tpu.memory_space<vmem>>, vector<512x512xbf16>
    %dot_general3A_46 = arith.constant dense<0.000000e+00> : vector<256x512xf32>
    %dot_general3A_47 = tpu.matmul %get3A_37, %get3A_45, %dot_general3A_46 {dimension_numbers = #tpu.dot_dimension_numbers<[1], [0], [0], [1], [0, 0, 1, 1], [], []>, transpose_lhs_hint = false} : vector<256x512xbf16>, vector<512x512xbf16>, vector<256x512xf32> -> vector<256x512xf32>
    %add3A_48 = arith.addf %dot_general3A_42, %dot_general3A_47 : vector<256x512xf32>
    %add3A_49 = arith.addf %add3A_31, %add3A_48 : vector<256x512xf32>
    %get3A_50 = arith.constant 0 : index
    %get3A_51 = arith.constant 3 : index
    %get3A_52 = arith.constant 0 : index
    %get3A_53 = arith.constant 0 : index
    %get3A_54 = vector.load %arg1[%get3A_50, %get3A_51, %get3A_52, %get3A_53] : memref<1x4x256x512xbf16, #tpu.memory_space<vmem>>, vector<1x1x256x512xbf16>
    %get3A_55 = vector.shape_cast %get3A_54 : vector<1x1x256x512xbf16> to vector<256x512xbf16>
    %get3A_56 = arith.constant 1536 : index
    %get3A_57 = arith.constant 0 : index
    %get3A_58 = vector.load %arg2[%get3A_56, %get3A_57] : memref<2048x512xbf16, #tpu.memory_space<vmem>>, vector<512x512xbf16>
    %dot_general3A_59 = arith.constant dense<0.000000e+00> : vector<256x512xf32>
    %dot_general3A_60 = tpu.matmul %get3A_55, %get3A_58, %dot_general3A_59 {dimension_numbers = #tpu.dot_dimension_numbers<[1], [0], [0], [1], [0, 0, 1, 1], [], []>, transpose_lhs_hint = false} : vector<256x512xbf16>, vector<512x512xbf16>, vector<256x512xf32> -> vector<256x512xf32>
    %get3A_61 = arith.constant 1536 : index
    %get3A_62 = arith.constant 0 : index
    %get3A_63 = vector.load %arg3[%get3A_61, %get3A_62] : memref<2048x512xbf16, #tpu.memory_space<vmem>>, vector<512x512xbf16>
    %dot_general3A_64 = arith.constant dense<0.000000e+00> : vector<256x512xf32>
    %dot_general3A_65 = tpu.matmul %get3A_55, %get3A_63, %dot_general3A_64 {dimension_numbers = #tpu.dot_dimension_numbers<[1], [0], [0], [1], [0, 0, 1, 1], [], []>, transpose_lhs_hint = false} : vector<256x512xbf16>, vector<512x512xbf16>, vector<256x512xf32> -> vector<256x512xf32>
    %add3A_66 = arith.addf %dot_general3A_60, %dot_general3A_65 : vector<256x512xf32>
    %add3A_67 = arith.addf %add3A_49, %add3A_66 : vector<256x512xf32>
    %get3A_68 = arith.constant 0 : index
    %get3A_69 = arith.constant 0 : index
    %get3A_70 = vector.load %arg4[%get3A_68, %get3A_69] : memref<256x512xf32, #tpu.memory_space<vmem>>, vector<256x512xf32>
    %add3A_71 = arith.addf %add3A_67, %get3A_70 : vector<256x512xf32>
    %get3A_72 = arith.constant 0 : index
    %get3A_73 = arith.constant 0 : index
    %get3A_74 = vector.load %arg5[%get3A_72, %get3A_73] : memref<256x1xf32, #tpu.memory_space<vmem>>, vector<256x1xf32>
    %mul3A = vector.broadcast %get3A_74 : vector<256x1xf32> to vector<256x512xf32>
    %mul3A_75 = arith.mulf %add3A_71, %mul3A : vector<256x512xf32>
    %get3A_76 = arith.constant 0 : index
    %get3A_77 = arith.constant 0 : index
    %get3A_78 = vector.load %arg6[%get3A_76, %get3A_77] : memref<1x512xf32, #tpu.memory_space<vmem>>, vector<1x512xf32>
    %add3A_79 = vector.broadcast %get3A_78 : vector<1x512xf32> to vector<256x512xf32>
    %add3A_80 = arith.addf %mul3A_75, %add3A_79 : vector<256x512xf32>
    %max3A = arith.constant 0.000000e+00 : f32
    %max3A_81 = vector.broadcast %max3A : f32 to vector<256x512xf32>
    %max3A_82 = arith.maximumf %add3A_80, %max3A_81 : vector<256x512xf32>
    %get3A_83 = arith.constant 0 : index
    %get3A_84 = arith.constant 0 : index
    %get3A_85 = vector.load %arg7[%get3A_83, %get3A_84] : memref<128x512xf32, #tpu.memory_space<vmem>>, vector<128x512xf32>
    %dot_general3A_86 = arith.constant dense<0.000000e+00> : vector<256x128xf32>
    %dot_general3A_87 = tpu.matmul %max3A_82, %get3A_85, %dot_general3A_86 {dimension_numbers = #tpu.dot_dimension_numbers<[1], [1], [0], [0], [0, 0, 1, 0], [], []>, transpose_lhs_hint = false} : vector<256x512xf32>, vector<128x512xf32>, vector<256x128xf32> -> vector<256x128xf32>
    %swap3A = arith.constant 0 : index
    %swap3A_88 = arith.constant 0 : index
    %swap3A_89 = vector.load %arg8[%swap3A, %swap3A_88] : memref<256x128xf32, #tpu.memory_space<vmem>>, vector<256x128xf32>
    tpu.vector_store %arg8[%swap3A, %swap3A_88], %dot_general3A_87 {strides = array<i32>} : memref<256x128xf32, #tpu.memory_space<vmem>>, vector<256x128xf32>,
    return
  }
  func.func @transform_0(%arg0: i32) -> (i32, i32, i32, i32) {
    %jit3A = arith.constant 4 : i32
    %div3A = arith.divsi %arg0, %jit3A : i32
    %sign3A = arith.constant 0 : i32
    %sign3A_0 = arith.cmpi sgt, %arg0, %sign3A : i32
    %sign3A_1 = arith.extui %sign3A_0 : i1 to i32
    %sign3A_2 = arith.constant 0 : i32
    %sign3A_3 = arith.cmpi slt, %arg0, %sign3A_2 : i32
    %sign3A_4 = arith.extui %sign3A_3 : i1 to i32
    %sign3A_5 = arith.subi %sign3A_1, %sign3A_4 : i32
    %sign3A_6 = arith.constant 0 : i32
    %sign3A_7 = arith.cmpi sgt, %jit3A, %sign3A_6 : i32
    %sign3A_8 = arith.extui %sign3A_7 : i1 to i32
    %sign3A_9 = arith.constant 0 : i32
    %sign3A_10 = arith.cmpi slt, %jit3A, %sign3A_9 : i32
    %sign3A_11 = arith.extui %sign3A_10 : i1 to i32
    %sign3A_12 = arith.subi %sign3A_8, %sign3A_11 : i32
    %ne3A = arith.cmpi ne, %sign3A_5, %sign3A_12 : i32
    %rem3A = arith.remsi %arg0, %jit3A : i32
    %ne3A_13 = arith.constant 0 : i32
    %ne3A_14 = arith.cmpi ne, %rem3A, %ne3A_13 : i32
    %and3A = arith.andi %ne3A, %ne3A_14 : i1
    %sub3A = arith.constant 1 : i32
    %sub3A_15 = arith.subi %div3A, %sub3A : i32
    %select_n3A = arith.select %and3A, %sub3A_15, %div3A : i32
    %jit3A_16 = arith.constant 4 : i32
    %eq3A = arith.constant 0 : i32
    %eq3A_17 = arith.cmpi eq, %jit3A_16, %eq3A : i32
    %jit3A_18 = arith.constant 1 : i32
    %select_n3A_19 = arith.select %eq3A_17, %jit3A_18, %jit3A_16 : i32
    %rem3A_20 = arith.remsi %arg0, %select_n3A_19 : i32
    %ne3A_21 = arith.constant 0 : i32
    %ne3A_22 = arith.cmpi ne, %rem3A_20, %ne3A_21 : i32
    %lt3A = arith.constant 0 : i32
    %lt3A_23 = arith.cmpi slt, %rem3A_20, %lt3A : i32
    %lt3A_24 = arith.constant 0 : i32
    %lt3A_25 = arith.cmpi slt, %select_n3A_19, %lt3A_24 : i32
    %ne3A_26 = arith.xori %lt3A_23, %lt3A_25 : i1
    %and3A_27 = arith.andi %ne3A_26, %ne3A_22 : i1
    %add3A = arith.addi %rem3A_20, %select_n3A_19 : i32
    %select_n3A_28 = arith.select %and3A_27, %add3A, %rem3A_20 : i32
    %c0_i32 = arith.constant 0 : i32
    %c0_i32_29 = arith.constant 0 : i32
    %c0_i32_30 = arith.constant 0 : i32
    return %select_n3A, %c0_i32, %select_n3A_28, %c0_i32_29 : i32, i32, i32, i32
  }
  func.func @transform_1(%arg0: i32) -> (i32, i32) {
    %c0_i32 = arith.constant 0 : i32
    %c0_i32_0 = arith.constant 0 : i32
    %c0_i32_1 = arith.constant 0 : i32
    return %c0_i32, %c0_i32_0 : i32, i32
  }
  func.func @transform_2(%arg0: i32) -> (i32, i32) {
    %c0_i32 = arith.constant 0 : i32
    %c0_i32_0 = arith.constant 0 : i32
    %c0_i32_1 = arith.constant 0 : i32
    return %c0_i32, %c0_i32_0 : i32, i32
  }
  func.func @transform_3(%arg0: i32) -> (i32, i32) {
    %c0_i32 = arith.constant 0 : i32
    %c0_i32_0 = arith.constant 0 : i32
    return %arg0, %c0_i32 : i32, i32
  }
  func.func @transform_4(%arg0: i32) -> (i32, i32) {
    %c0_i32 = arith.constant 0 : i32
    %c0_i32_0 = arith.constant 0 : i32
    return %arg0, %c0_i32 : i32, i32
  }
  func.func @transform_5(%arg0: i32) -> (i32, i32) {
    %c0_i32 = arith.constant 0 : i32
    %c0_i32_0 = arith.constant 0 : i32
    %c0_i32_1 = arith.constant 0 : i32
    return %c0_i32, %c0_i32_0 : i32, i32
  }
  func.func @transform_6(%arg0: i32) -> (i32, i32) {
    %c0_i32 = arith.constant 0 : i32
    %c0_i32_0 = arith.constant 0 : i32
    %c0_i32_1 = arith.constant 0 : i32
    return %c0_i32, %c0_i32_0 : i32, i32
  }
  func.func @transform_7(%arg0: i32) -> (i32, i32) {
    %c0_i32 = arith.constant 0 : i32
    %c0_i32_0 = arith.constant 0 : i32
    return %arg0, %c0_i32 : i32, i32
  }
}

module attributes {stable_mosaic.version = 14 : i64} {
  func.func @body(%arg0: i32, %arg1: memref<1x4x256x512xbf16, #tpu.memory_space<vmem>>, %arg2: memref<2048x128xbf16, #tpu.memory_space<vmem>>, %arg3: memref<2048x128xbf16, #tpu.memory_space<vmem>>, %arg4: memref<256x128xf32, #tpu.memory_space<vmem>>, %arg5: memref<256x1xf32, #tpu.memory_space<vmem>>, %arg6: memref<1x128xf32, #tpu.memory_space<vmem>>, %arg7: memref<256x128xf32, #tpu.memory_space<vmem>>) attributes {dimension_semantics = [#tpu.dimension_semantics<arbitrary>], iteration_bounds = array<i64: 8>, scalar_prefetch = 0 : i64, scratch_operands = 0 : i64, tpu.core_type = #tpu.core_type<tc>, window_params = [{transform_indices = @transform_0, window_bounds = array<i64: 1, 4, 256, 512>}, {pipeline_mode = #tpu.pipeline_mode<synchronous>, transform_indices = @transform_1, window_bounds = array<i64: 2048, 128>}, {pipeline_mode = #tpu.pipeline_mode<synchronous>, transform_indices = @transform_2, window_bounds = array<i64: 2048, 128>}, {transform_indices = @transform_3, window_bounds = array<i64: 256, 128>}, {transform_indices = @transform_4, window_bounds = array<i64: 256, 1>}, {pipeline_mode = #tpu.pipeline_mode<synchronous>, transform_indices = @transform_5, window_bounds = array<i64: 1, 128>}, {transform_indices = @transform_6, window_bounds = array<i64: 256, 128>}]} {
    %get3A = arith.constant 0 : index
    %get3A_0 = arith.constant 0 : index
    %get3A_1 = arith.constant 0 : index
    %get3A_2 = arith.constant 0 : index
    %get3A_3 = vector.load %arg1[%get3A, %get3A_0, %get3A_1, %get3A_2] : memref<1x4x256x512xbf16, #tpu.memory_space<vmem>>, vector<1x1x256x512xbf16>
    %get3A_4 = vector.shape_cast %get3A_3 : vector<1x1x256x512xbf16> to vector<256x512xbf16>
    %get3A_5 = arith.constant 0 : index
    %get3A_6 = arith.constant 0 : index
    %get3A_7 = vector.load %arg2[%get3A_5, %get3A_6] : memref<2048x128xbf16, #tpu.memory_space<vmem>>, vector<512x128xbf16>
    %dot_general3A = arith.constant dense<0.000000e+00> : vector<256x128xf32>
    %dot_general3A_8 = tpu.matmul %get3A_4, %get3A_7, %dot_general3A {dimension_numbers = #tpu.dot_dimension_numbers<[1], [0], [0], [1], [0, 0, 1, 1], [], []>, transpose_lhs_hint = false} : vector<256x512xbf16>, vector<512x128xbf16>, vector<256x128xf32> -> vector<256x128xf32>
    %get3A_9 = arith.constant 0 : index
    %get3A_10 = arith.constant 0 : index
    %get3A_11 = vector.load %arg3[%get3A_9, %get3A_10] : memref<2048x128xbf16, #tpu.memory_space<vmem>>, vector<512x128xbf16>
    %dot_general3A_12 = arith.constant dense<0.000000e+00> : vector<256x128xf32>
    %dot_general3A_13 = tpu.matmul %get3A_4, %get3A_11, %dot_general3A_12 {dimension_numbers = #tpu.dot_dimension_numbers<[1], [0], [0], [1], [0, 0, 1, 1], [], []>, transpose_lhs_hint = false} : vector<256x512xbf16>, vector<512x128xbf16>, vector<256x128xf32> -> vector<256x128xf32>
    %add3A = arith.addf %dot_general3A_8, %dot_general3A_13 : vector<256x128xf32>
    %get3A_14 = arith.constant 0 : index
    %get3A_15 = arith.constant 1 : index
    %get3A_16 = arith.constant 0 : index
    %get3A_17 = arith.constant 0 : index
    %get3A_18 = vector.load %arg1[%get3A_14, %get3A_15, %get3A_16, %get3A_17] : memref<1x4x256x512xbf16, #tpu.memory_space<vmem>>, vector<1x1x256x512xbf16>
    %get3A_19 = vector.shape_cast %get3A_18 : vector<1x1x256x512xbf16> to vector<256x512xbf16>
    %get3A_20 = arith.constant 512 : index
    %get3A_21 = arith.constant 0 : index
    %get3A_22 = vector.load %arg2[%get3A_20, %get3A_21] : memref<2048x128xbf16, #tpu.memory_space<vmem>>, vector<512x128xbf16>
    %dot_general3A_23 = arith.constant dense<0.000000e+00> : vector<256x128xf32>
    %dot_general3A_24 = tpu.matmul %get3A_19, %get3A_22, %dot_general3A_23 {dimension_numbers = #tpu.dot_dimension_numbers<[1], [0], [0], [1], [0, 0, 1, 1], [], []>, transpose_lhs_hint = false} : vector<256x512xbf16>, vector<512x128xbf16>, vector<256x128xf32> -> vector<256x128xf32>
    %get3A_25 = arith.constant 512 : index
    %get3A_26 = arith.constant 0 : index
    %get3A_27 = vector.load %arg3[%get3A_25, %get3A_26] : memref<2048x128xbf16, #tpu.memory_space<vmem>>, vector<512x128xbf16>
    %dot_general3A_28 = arith.constant dense<0.000000e+00> : vector<256x128xf32>
    %dot_general3A_29 = tpu.matmul %get3A_19, %get3A_27, %dot_general3A_28 {dimension_numbers = #tpu.dot_dimension_numbers<[1], [0], [0], [1], [0, 0, 1, 1], [], []>, transpose_lhs_hint = false} : vector<256x512xbf16>, vector<512x128xbf16>, vector<256x128xf32> -> vector<256x128xf32>
    %add3A_30 = arith.addf %dot_general3A_24, %dot_general3A_29 : vector<256x128xf32>
    %add3A_31 = arith.addf %add3A, %add3A_30 : vector<256x128xf32>
    %get3A_32 = arith.constant 0 : index
    %get3A_33 = arith.constant 2 : index
    %get3A_34 = arith.constant 0 : index
    %get3A_35 = arith.constant 0 : index
    %get3A_36 = vector.load %arg1[%get3A_32, %get3A_33, %get3A_34, %get3A_35] : memref<1x4x256x512xbf16, #tpu.memory_space<vmem>>, vector<1x1x256x512xbf16>
    %get3A_37 = vector.shape_cast %get3A_36 : vector<1x1x256x512xbf16> to vector<256x512xbf16>
    %get3A_38 = arith.constant 1024 : index
    %get3A_39 = arith.constant 0 : index
    %get3A_40 = vector.load %arg2[%get3A_38, %get3A_39] : memref<2048x128xbf16, #tpu.memory_space<vmem>>, vector<512x128xbf16>
    %dot_general3A_41 = arith.constant dense<0.000000e+00> : vector<256x128xf32>
    %dot_general3A_42 = tpu.matmul %get3A_37, %get3A_40, %dot_general3A_41 {dimension_numbers = #tpu.dot_dimension_numbers<[1], [0], [0], [1], [0, 0, 1, 1], [], []>, transpose_lhs_hint = false} : vector<256x512xbf16>, vector<512x128xbf16>, vector<256x128xf32> -> vector<256x128xf32>
    %get3A_43 = arith.constant 1024 : index
    %get3A_44 = arith.constant 0 : index
    %get3A_45 = vector.load %arg3[%get3A_43, %get3A_44] : memref<2048x128xbf16, #tpu.memory_space<vmem>>, vector<512x128xbf16>
    %dot_general3A_46 = arith.constant dense<0.000000e+00> : vector<256x128xf32>
    %dot_general3A_47 = tpu.matmul %get3A_37, %get3A_45, %dot_general3A_46 {dimension_numbers = #tpu.dot_dimension_numbers<[1], [0], [0], [1], [0, 0, 1, 1], [], []>, transpose_lhs_hint = false} : vector<256x512xbf16>, vector<512x128xbf16>, vector<256x128xf32> -> vector<256x128xf32>
    %add3A_48 = arith.addf %dot_general3A_42, %dot_general3A_47 : vector<256x128xf32>
    %add3A_49 = arith.addf %add3A_31, %add3A_48 : vector<256x128xf32>
    %get3A_50 = arith.constant 0 : index
    %get3A_51 = arith.constant 3 : index
    %get3A_52 = arith.constant 0 : index
    %get3A_53 = arith.constant 0 : index
    %get3A_54 = vector.load %arg1[%get3A_50, %get3A_51, %get3A_52, %get3A_53] : memref<1x4x256x512xbf16, #tpu.memory_space<vmem>>, vector<1x1x256x512xbf16>
    %get3A_55 = vector.shape_cast %get3A_54 : vector<1x1x256x512xbf16> to vector<256x512xbf16>
    %get3A_56 = arith.constant 1536 : index
    %get3A_57 = arith.constant 0 : index
    %get3A_58 = vector.load %arg2[%get3A_56, %get3A_57] : memref<2048x128xbf16, #tpu.memory_space<vmem>>, vector<512x128xbf16>
    %dot_general3A_59 = arith.constant dense<0.000000e+00> : vector<256x128xf32>
    %dot_general3A_60 = tpu.matmul %get3A_55, %get3A_58, %dot_general3A_59 {dimension_numbers = #tpu.dot_dimension_numbers<[1], [0], [0], [1], [0, 0, 1, 1], [], []>, transpose_lhs_hint = false} : vector<256x512xbf16>, vector<512x128xbf16>, vector<256x128xf32> -> vector<256x128xf32>
    %get3A_61 = arith.constant 1536 : index
    %get3A_62 = arith.constant 0 : index
    %get3A_63 = vector.load %arg3[%get3A_61, %get3A_62] : memref<2048x128xbf16, #tpu.memory_space<vmem>>, vector<512x128xbf16>
    %dot_general3A_64 = arith.constant dense<0.000000e+00> : vector<256x128xf32>
    %dot_general3A_65 = tpu.matmul %get3A_55, %get3A_63, %dot_general3A_64 {dimension_numbers = #tpu.dot_dimension_numbers<[1], [0], [0], [1], [0, 0, 1, 1], [], []>, transpose_lhs_hint = false} : vector<256x512xbf16>, vector<512x128xbf16>, vector<256x128xf32> -> vector<256x128xf32>
    %add3A_66 = arith.addf %dot_general3A_60, %dot_general3A_65 : vector<256x128xf32>
    %add3A_67 = arith.addf %add3A_49, %add3A_66 : vector<256x128xf32>
    %get3A_68 = arith.constant 0 : index
    %get3A_69 = arith.constant 0 : index
    %get3A_70 = vector.load %arg4[%get3A_68, %get3A_69] : memref<256x128xf32, #tpu.memory_space<vmem>>, vector<256x128xf32>
    %add3A_71 = arith.addf %add3A_67, %get3A_70 : vector<256x128xf32>
    %get3A_72 = arith.constant 0 : index
    %get3A_73 = arith.constant 0 : index
    %get3A_74 = vector.load %arg5[%get3A_72, %get3A_73] : memref<256x1xf32, #tpu.memory_space<vmem>>, vector<256x1xf32>
    %mul3A = vector.broadcast %get3A_74 : vector<256x1xf32> to vector<256x128xf32>
    %mul3A_75 = arith.mulf %add3A_71, %mul3A : vector<256x128xf32>
    %get3A_76 = arith.constant 0 : index
    %get3A_77 = arith.constant 0 : index
    %get3A_78 = vector.load %arg6[%get3A_76, %get3A_77] : memref<1x128xf32, #tpu.memory_space<vmem>>, vector<1x128xf32>
    %add3A_79 = vector.broadcast %get3A_78 : vector<1x128xf32> to vector<256x128xf32>
    %add3A_80 = arith.addf %mul3A_75, %add3A_79 : vector<256x128xf32>
    %swap3A = arith.constant 0 : index
    %swap3A_81 = arith.constant 0 : index
    %swap3A_82 = vector.load %arg7[%swap3A, %swap3A_81] : memref<256x128xf32, #tpu.memory_space<vmem>>, vector<256x128xf32>
    tpu.vector_store %arg7[%swap3A, %swap3A_81], %add3A_80 {strides = array<i32>} : memref<256x128xf32, #tpu.memory_space<vmem>>, vector<256x128xf32>,
    return
  }
  func.func @transform_0(%arg0: i32) -> (i32, i32, i32, i32) {
    %jit3A = arith.constant 4 : i32
    %div3A = arith.divsi %arg0, %jit3A : i32
    %sign3A = arith.constant 0 : i32
    %sign3A_0 = arith.cmpi sgt, %arg0, %sign3A : i32
    %sign3A_1 = arith.extui %sign3A_0 : i1 to i32
    %sign3A_2 = arith.constant 0 : i32
    %sign3A_3 = arith.cmpi slt, %arg0, %sign3A_2 : i32
    %sign3A_4 = arith.extui %sign3A_3 : i1 to i32
    %sign3A_5 = arith.subi %sign3A_1, %sign3A_4 : i32
    %sign3A_6 = arith.constant 0 : i32
    %sign3A_7 = arith.cmpi sgt, %jit3A, %sign3A_6 : i32
    %sign3A_8 = arith.extui %sign3A_7 : i1 to i32
    %sign3A_9 = arith.constant 0 : i32
    %sign3A_10 = arith.cmpi slt, %jit3A, %sign3A_9 : i32
    %sign3A_11 = arith.extui %sign3A_10 : i1 to i32
    %sign3A_12 = arith.subi %sign3A_8, %sign3A_11 : i32
    %ne3A = arith.cmpi ne, %sign3A_5, %sign3A_12 : i32
    %rem3A = arith.remsi %arg0, %jit3A : i32
    %ne3A_13 = arith.constant 0 : i32
    %ne3A_14 = arith.cmpi ne, %rem3A, %ne3A_13 : i32
    %and3A = arith.andi %ne3A, %ne3A_14 : i1
    %sub3A = arith.constant 1 : i32
    %sub3A_15 = arith.subi %div3A, %sub3A : i32
    %select_n3A = arith.select %and3A, %sub3A_15, %div3A : i32
    %jit3A_16 = arith.constant 4 : i32
    %eq3A = arith.constant 0 : i32
    %eq3A_17 = arith.cmpi eq, %jit3A_16, %eq3A : i32
    %jit3A_18 = arith.constant 1 : i32
    %select_n3A_19 = arith.select %eq3A_17, %jit3A_18, %jit3A_16 : i32
    %rem3A_20 = arith.remsi %arg0, %select_n3A_19 : i32
    %ne3A_21 = arith.constant 0 : i32
    %ne3A_22 = arith.cmpi ne, %rem3A_20, %ne3A_21 : i32
    %lt3A = arith.constant 0 : i32
    %lt3A_23 = arith.cmpi slt, %rem3A_20, %lt3A : i32
    %lt3A_24 = arith.constant 0 : i32
    %lt3A_25 = arith.cmpi slt, %select_n3A_19, %lt3A_24 : i32
    %ne3A_26 = arith.xori %lt3A_23, %lt3A_25 : i1
    %and3A_27 = arith.andi %ne3A_26, %ne3A_22 : i1
    %add3A = arith.addi %rem3A_20, %select_n3A_19 : i32
    %select_n3A_28 = arith.select %and3A_27, %add3A, %rem3A_20 : i32
    %c0_i32 = arith.constant 0 : i32
    %c0_i32_29 = arith.constant 0 : i32
    %c0_i32_30 = arith.constant 0 : i32
    return %select_n3A, %c0_i32, %select_n3A_28, %c0_i32_29 : i32, i32, i32, i32
  }
  func.func @transform_1(%arg0: i32) -> (i32, i32) {
    %c0_i32 = arith.constant 0 : i32
    %c0_i32_0 = arith.constant 0 : i32
    %c0_i32_1 = arith.constant 0 : i32
    return %c0_i32, %c0_i32_0 : i32, i32
  }
  func.func @transform_2(%arg0: i32) -> (i32, i32) {
    %c0_i32 = arith.constant 0 : i32
    %c0_i32_0 = arith.constant 0 : i32
    %c0_i32_1 = arith.constant 0 : i32
    return %c0_i32, %c0_i32_0 : i32, i32
  }
  func.func @transform_3(%arg0: i32) -> (i32, i32) {
    %c0_i32 = arith.constant 0 : i32
    %c0_i32_0 = arith.constant 0 : i32
    return %arg0, %c0_i32 : i32, i32
  }
  func.func @transform_4(%arg0: i32) -> (i32, i32) {
    %c0_i32 = arith.constant 0 : i32
    %c0_i32_0 = arith.constant 0 : i32
    return %arg0, %c0_i32 : i32, i32
  }
  func.func @transform_5(%arg0: i32) -> (i32, i32) {
    %c0_i32 = arith.constant 0 : i32
    %c0_i32_0 = arith.constant 0 : i32
    %c0_i32_1 = arith.constant 0 : i32
    return %c0_i32, %c0_i32_0 : i32, i32
  }
  func.func @transform_6(%arg0: i32) -> (i32, i32) {
    %c0_i32 = arith.constant 0 : i32
    %c0_i32_0 = arith.constant 0 : i32
    return %arg0, %c0_i32 : i32, i32
  }
}

module attributes {stable_mosaic.version = 14 : i64} {
  func.func @_gram_kernel(%arg0: i32, %arg1: memref<256x128xf32, #tpu.memory_space<vmem>>, %arg2: memref<2048x128xf32, #tpu.memory_space<vmem>>, %arg3: memref<256x2048xf32, #tpu.memory_space<vmem>>) attributes {dimension_semantics = [#tpu.dimension_semantics<arbitrary>], iteration_bounds = array<i64: 8>, scalar_prefetch = 0 : i64, scratch_operands = 0 : i64, tpu.core_type = #tpu.core_type<tc>, window_params = [{transform_indices = @transform_0, window_bounds = array<i64: 256, 128>}, {pipeline_mode = #tpu.pipeline_mode<synchronous>, transform_indices = @transform_1, window_bounds = array<i64: 2048, 128>}, {transform_indices = @transform_2, window_bounds = array<i64: 256, 2048>}]} {
    %get3A = arith.constant 0 : index
    %get3A_0 = arith.constant 0 : index
    %get3A_1 = vector.load %arg1[%get3A, %get3A_0] : memref<256x128xf32, #tpu.memory_space<vmem>>, vector<256x128xf32>
    %get3A_2 = arith.constant 0 : index
    %get3A_3 = arith.constant 0 : index
    %get3A_4 = vector.load %arg2[%get3A_2, %get3A_3] : memref<2048x128xf32, #tpu.memory_space<vmem>>, vector<2048x128xf32>
    %dot_general3A = arith.constant dense<0.000000e+00> : vector<256x2048xf32>
    %dot_general3A_5 = tpu.matmul %get3A_1, %get3A_4, %dot_general3A {dimension_numbers = #tpu.dot_dimension_numbers<[1], [1], [0], [0], [0, 0, 1, 0], [], []>, transpose_lhs_hint = false} : vector<256x128xf32>, vector<2048x128xf32>, vector<256x2048xf32> -> vector<256x2048xf32>
    %swap3A = arith.constant 0 : index
    %swap3A_6 = arith.constant 0 : index
    %swap3A_7 = vector.load %arg3[%swap3A, %swap3A_6] : memref<256x2048xf32, #tpu.memory_space<vmem>>, vector<256x2048xf32>
    tpu.vector_store %arg3[%swap3A, %swap3A_6], %dot_general3A_5 {strides = array<i32>} : memref<256x2048xf32, #tpu.memory_space<vmem>>, vector<256x2048xf32>,
    return
  }
  func.func @transform_0(%arg0: i32) -> (i32, i32) {
    %c0_i32 = arith.constant 0 : i32
    %c0_i32_0 = arith.constant 0 : i32
    return %arg0, %c0_i32 : i32, i32
  }
  func.func @transform_1(%arg0: i32) -> (i32, i32) {
    %c0_i32 = arith.constant 0 : i32
    %c0_i32_0 = arith.constant 0 : i32
    %c0_i32_1 = arith.constant 0 : i32
    return %c0_i32, %c0_i32_0 : i32, i32
  }
  func.func @transform_2(%arg0: i32) -> (i32, i32) {
    %c0_i32 = arith.constant 0 : i32
    %c0_i32_0 = arith.constant 0 : i32
    return %arg0, %c0_i32 : i32, i32
  }
}

</mosaic_0001>

<sc_bundles>
// kernel: kernel.7.cloned.1.call-start
scs
__scs_entry_jumppad:
0x0: {  	(pc) =	sbr.rel $0x88, $3  }
0x1: {  	(tag) =	ssettag $0x0;
	lr =	simm.s32 $0x1  }
0x2: {  	[smem:$0x3F9A] =	sst lr;
	_ =	strace $0xD0000000  }
0x3: {  	_ = 	snop  }
0x4: {  	_ = 	snop  }
0x5: {  	_ = 	snop  }
0x6: {  	_ = 	snop  }
0x7: {  	_ = 	snop  }
__scs_overlays_trampoline_lowered:
0x8: {  	[smem:$0x3FA9] =	sst s0  }
0x9: {  	[smem:$0x3FAA] =	sst s1  }
0xa: {  	[smem:$0x3FAB] =	sst s2  }
0xb: {  	[smem:$0x3FAC] =	sst s3  }
0xc: {  	[smem:$0x3FAD] =	sst s4  }
0xd: {  	[smem:$0x3FAE] =	sst s5  }
0xe: {  	[smem:$0x3FAF] =	sst s6  }
0xf: {  	[smem:$0x3FB0] =	sst s7  }
0x10: {  	[smem:$0x3FB1] =	sst s8  }
0x11: {  	[smem:$0x3FB2] =	sst s9;
	s0 =	simm.s32 @!p0 $0x0  }
0x12: {  	s1 =	sld [smem:$0x3F98];
	s0 =	simm.s32 @p0 $0x1  }
0x13: {  	[smem:$0x3FB3] =	sst s0;
	s0 =	simm.s32 @!p1 $0x0  }
0x14: {  	s2 =	sld [smem:$0x3F97];
	s0 =	simm.s32 @p1 $0x1  }
0x15: {  	[smem:$0x3FB4] =	sst s0;
	s0 =	simm.s32 @!p2 $0x0  }
0x16: {  	s3 =	sld [smem:$0x3FDB];
	s0 =	simm.s32 @p2 $0x1  }
0x17: {  	s4 =	simm.s32 $0x1BF5;
	[smem:$0x3FB6] =	sst s0  }
0x18: {  	s0 =	sld [smem:$0x3F99];
	_ =	swait.ge [sflag:s4], $0x0  }
0x19: {  	s7 =	sld [smem:$0x3F9A]  }
0x1a: {  	s8 =	sadd.s32 $0xFFFFE003, lr  }
0x1b: {  	s9 =	sadd.s32 $0xFFFFFEF7, lr;
	s5 =	simm.s32 $0xFFFFFFFF;
	p2 =	slt.u32 s8, $0xFFFFF086  }
0x1c: {  	p1 =	slt.u32 s9, $0xF7A;
	s5 =	simm.s32 @!p2 $0x0  }
0x1d: {  	s5 =	simm.s32 @p1 $0x1;
	p0 =	seq.s32 s7, s2  }
0x1e: {  	s7 =	smul.u32 @!p0 $0xF7A, s2;
	p2 =	seq.s32 @!p0 s5, $0x0  }
0x1f: {  	s9 =	smul.u32 $0xF7A, s1;
	s8 =	simm.s32 @!p0 $0x1BF5;
	p2 =	por !p2, p0  }
0x20: {  	[sflag:s8] =	ssyncset.s32 @!p0 $0xFFFFF086;
	s6 =	sadd.s32 @!p0 s3, s7;
	s7 =	simm.s32 @!p0 $0x108  }
0x21: {  	s3 =	sadd.s32 s3, s9;
	s6 =	sadd.s32 @!p0 $0x88, s6;
	s7 =	simm.s32 @p2 $0x1082  }
0x22: {  	[simem:s7], [sflag:s8] =	dma.local @!p0 [hbm:s6], $0xF7A  }
0x23: {  	s9 =	sor.u32 $0xD0000000, s2;
	s6 =	simm.s32 $0x108;
	_ =	swait.ge @!p0 [sflag:s8], $0x0  }
0x24: {  	s3 =	sadd.s32 $0x88, s3;
	s6 =	simm.s32 @!p1 $0x1082;
	[sflag:s4] =	ssyncset.s32 $0xFFFFF086  }
0x25: {  	[simem:s6], [sflag:s4] =	dma.local [hbm:s3], $0xF7A  }
0x26: {  	[smem:$0x3F9A] =	sst s1;
	(tag) =	ssettag s2;
	_ =	strace s9  }
0x27: {  	s1 =	sld [smem:$0x3FAA]  }
0x28: {  	s2 =	sld [smem:$0x3FAB]  }
0x29: {  	s4 =	sld [smem:$0x3FAD]  }
0x2a: {  	p0 =	seq.s32 s5, $0x0;
	s5 =	sld [smem:$0x3FAE]  }
0x2b: {  	s6 =	sld [smem:$0x3FAF]  }
0x2c: {  	s7 =	sld [smem:$0x3FB0]  }
0x2d: {  	s3 =	simm.s32 $0x108;
	s8 =	sld [smem:$0x3FB1]  }
0x2e: {  	s3 =	simm.s32 @!p0 $0x1082;
	s9 =	sld [smem:$0x3FB2]  }
0x2f: {  	lr =	sadd.s32 s0, s3;
	s0 =	sld [smem:$0x3FA9]  }
0x30: {  	s3 =	sld [smem:$0x3FAC]  }
0x31: {  	[smem:$0x3FB5] =	sst s10  }
0x32: {  	s10 =	sld [smem:$0x3FB3];
	_ =	sdelay $0x3  }
0x33: {  	p0 =	seq.s32 s10, $0x1;
	s10 =	sld [smem:$0x3FB5];
	_ =	sdelay $0x3  }
0x34: {  	[smem:$0x3FB5] =	sst s10  }
0x35: {  	s10 =	sld [smem:$0x3FB4];
	_ =	sdelay $0x3  }
0x36: {  	p1 =	seq.s32 s10, $0x1;
	s10 =	sld [smem:$0x3FB5];
	_ =	sdelay $0x3  }
0x37: {  	[smem:$0x3FB5] =	sst s10  }
0x38: {  	s10 =	sld [smem:$0x3FB6]  }
0x39: {  	_ = 	snop;
	(pc) =	sbr.ind lr, $3  }
0x3a: {  	_ = 	snop  }
0x3b: {  	_ = 	snop  }
0x3c: {  	p2 =	seq.s32 s10, $0x1;
	s10 =	sld [smem:$0x3FB5]  }
0x3d: {  	_ =	shalt  }
0x3e: {  	_ =	shalt  }
0x3f: {  	_ =	shalt  }
0x40: {  	_ =	shalt  }
0x41: {  	_ =	shalt  }
0x42: {  	_ =	shalt  }
0x43: {  	_ =	shalt  }
0x44: {  	_ =	shalt  }
0x45: {  	_ =	shalt  }
0x46: {  	_ =	shalt  }
0x47: {  	_ =	shalt  }
0x48: {  	_ =	shalt  }
0x49: {  	_ =	shalt  }
0x4a: {  	_ =	shalt  }
0x4b: {  	_ =	shalt  }
0x4c: {  	_ =	shalt  }
0x4d: {  	_ =	shalt  }
0x4e: {  	_ =	shalt  }
0x4f: {  	_ =	shalt  }
0x50: {  	_ =	shalt  }
0x51: {  	_ =	shalt  }
0x52: {  	_ =	shalt  }
0x53: {  	_ =	shalt  }
0x54: {  	_ =	shalt  }
0x55: {  	_ =	shalt  }
0x56: {  	_ =	shalt  }
0x57: {  	_ =	shalt  }
0x58: {  	_ =	shalt  }
0x59: {  	_ =	shalt  }
0x5a: {  	_ =	shalt  }
0x5b: {  	_ =	shalt  }
0x5c: {  	_ =	shalt  }
0x5d: {  	_ =	shalt  }
0x5e: {  	_ =	shalt  }
0x5f: {  	_ =	shalt  }
0x60: {  	_ =	shalt  }
0x61: {  	_ =	shalt  }
0x62: {  	_ =	shalt  }
0x63: {  	_ =	shalt  }
0x64: {  	_ =	shalt  }
0x65: {  	_ =	shalt  }
0x66: {  	_ =	shalt  }
0x67: {  	_ =	shalt  }
0x68: {  	_ =	shalt  }
0x69: {  	_ =	shalt  }
0x6a: {  	_ =	shalt  }
0x6b: {  	_ =	shalt  }
0x6c: {  	_ =	shalt  }
0x6d: {  	_ =	shalt  }
0x6e: {  	_ =	shalt  }
0x6f: {  	_ =	shalt  }
0x70: {  	_ =	shalt  }
0x71: {  	_ =	shalt  }
0x72: {  	_ =	shalt  }
0x73: {  	_ =	shalt  }
0x74: {  	_ =	shalt  }
0x75: {  	_ =	shalt  }
0x76: {  	_ =	shalt  }
0x77: {  	_ =	shalt  }
0x78: {  	_ =	shalt  }
0x79: {  	_ =	shalt  }
0x7a: {  	_ =	shalt  }
0x7b: {  	_ =	shalt  }
0x7c: {  	_ =	shalt  }
0x7d: {  	_ =	shalt  }
0x7e: {  	_ =	shalt  }
0x7f: {  	_ =	shalt  }
0x80: {  	_ =	shalt  }
0x81: {  	_ =	shalt  }
0x82: {  	_ =	shalt  }
0x83: {  	_ =	shalt  }
0x84: {  	_ =	shalt  }
0x85: {  	_ =	shalt  }
0x86: {  	_ =	shalt  }
0x87: {  	_ =	shalt  }
.Lfunc_end0:
.L_simem_size_0:
called_computation_lowered:
.L_overlay_start_0:
0x88: {  	s2 =	sld [smem:$0x3FD9]  }
0x89: {  	s3 =	sld [smem:$0x3FFE];
	_ =	sdelay $0x1  }
0x8a: {  	s1 =	srdreg.scid  }
0x8b: {  	s0 =	sand.u32 $0x1, s1  }
0x8c: {  	s14 =	sshll.u32 s0, $0xA;
	s2 =	sadd.s32 s3, s2  }
0x8d: {  	s2 =	sadd.s32 s2, s14  }
0x8e: {  	[smem:$0x3FC1] =	sst s2  }
0x8f: {  	_ = 	snop  }
0x90: {  	s2 =	sld [smem:$0x3FD0];
	_ =	sdelay $0x2  }
0x91: {  	s4 =	simm.s32 $0xA;
	s5 =	simm.s32 $0x10;
	s15 =	sld [smem:$0x3FC8]  }
0x92: {  	[smem:s5], [sflag:s4] =	dma.local [hbm:s2], $0x1  }
0x93: {  	_ =	swait.eq [sflag:s4], $0x1  }
0x94: {  	[sflag:s4] =	ssyncset.done $0x0  }
0x95: {  	s16 =	sld [smem:$0x10];
	[sflag:s4] =	ssyncadd.s32 $0xFFFFFFFF  }
0x96: {  	s17 =	sld [smem:$0x11];
	(tm) =	ssettm $0x1  }
0x97: {  	s18 =	sld [smem:$0x3FFB];
	_ =	sdelay $0x3  }
0x98: {  	_ =	strace s18  }
0x99: {  	s5 =	sld [smem:$0x3FFC];
	_ =	sdelay $0x3  }
0x9a: {  	_ =	strace s5  }
0x9b: {  	s5 =	sld [smem:$0x3FFD];
	_ =	sdelay $0x3  }
0x9c: {  	_ =	strace s5  }
0x9d: {  	_ =	strace $0x8FFFFFFF  }
0x9e: {  	s19 =	sld [smem:$0x3FDB];
	_ =	sdelay $0x1  }
0x9f: {  	s6 =	simm.s32 $_scs_section_size  }
0xa0: {  	s7 =	simm.s32 $_size__tile_overlayer_lowered;
	s8 =	simm.s32 $_tile_overlayer_lowered  }
0xa1: {  	s22 =	simm.s32 $0x1BFF;
	s21 =	sshll.u32 s8, $0x1;
	s5 =	sadd.s32 s6, s19  }
0xa2: {  	s9 =	simm.s32 $0x0;
	s20 =	sshll.u32 s7, $0x1;
	s7 =	sadd.s32 s21, s5  }
0xa3: {  	[timem:s9], [sflag:s22] =	dma.local [hbm:s7], s20  }
0xa4: {  	_ =	swait.ge [sflag:s22], s20  }
0xa5: {  	s6 =	ssub.s32 $0x0, s20;
	[sflag:s22] =	ssyncset.done $0x0  }
0xa6: {  	[sflag:s22] =	ssyncadd.s32 s6;
	_ =	sdelay $0x1  }
0xa7: {  	s23 =	simm.s32 $0x1B8B  }
0xa8: {  	_ =	swait.ge [sflag:s23], $0x1  }
0xa9: {  	[sflag:s23] =	ssyncset.done $0x0  }
0xaa: {  	s25 =	simm.s32 $0x1B8E;
	s24 =	sld [smem:$0x3FFE];
	[sflag:s23] =	ssyncadd.s32 $0xFFFFFFFF  }
0xab: {  	s26 =	simm.s32 $execute0_lowered;
	[smem:$0x3FD2] =	sst s25  }
0xac: {  	s7 =	sshll.u32 s26, $0x1;
	_ =	strace $0x80000046;
	[dreg:$0x1] =	wrdreg $0xFFFFFFFF  }
0xad: {  	s28 =	simm.s32 $_size_execute0_lowered;
	s5 =	sadd.s32 s5, s7;
	[dreg:$0x0] =	wrdreg $0x0  }
0xae: {  	s7 =	sshll.u32 s28, $0x1;
	[dreg:$0x2] =	wrdreg s5  }
0xaf: {  	[dreg:$0x3] =	wrdreg s7  }
0xb0: {  	[dreg:$0x4] =	wrdreg $0xC0  }
0xb1: {  	_ =	task [dreg:s9], $0x5FFFF  }
0xb2: {  	[dreg:$0x1] =	wrdreg $0xFFFFFFFF  }
0xb3: {  	[dreg:$0x0] =	wrdreg $0x60  }
0xb4: {  	[dreg:$0x2] =	wrdreg s24  }
0xb5: {  	[dreg:$0x3] =	wrdreg s16  }
0xb6: {  	[dreg:$0x4] =	wrdreg s15  }
0xb7: {  	[dreg:$0x5] =	wrdreg s17  }
0xb8: {  	[dreg:$0x6] =	wrdreg $0x88000  }
0xb9: {  	[dreg:$0x7] =	wrdreg $0x108000  }
0xba: {  	[dreg:$0x8] =	wrdreg $0x188000  }
0xbb: {  	[dreg:$0x9] =	wrdreg $0x9  }
0xbc: {  	_ =	task.clear_ibuf [dreg:s9], $0xAFFFF;
	_ =	strace $0x90000046  }
0xbd: {  	s29 =	simm.s32 $0x9;
	_ =	strace $0x80000048  }
0xbe: {  	_ =	swait.ge [sflag:s29], $0x1  }
0xbf: {  	[sflag:s29] =	ssyncadd.s32 $0xFFFFFFFF  }
0xc0: {  	_ =	strace $0x90000048  }
0xc1: {  	_ =	sfence  }
0xc2: {  	s30 =	sld [smem:$0x0];
	_ =	sdelay $0x2  }
0xc3: {  	s31 =	sshll.u32 s1, $0xD;
	s1 =	sshrl.u32 s1, $0x2  }
0xc4: {  	s3 =	sand.u32 $0x4000, s31;
	s1 =	sadd.s32 s1, s30  }
0xc5: {  	s0 =	sor.u32 s3, s0;
	s1 =	sshll.u32 s1, $0x11  }
0xc6: {  	s0 =	sor.u32 s1, s0  }
0xc7: {  	s0 =	sadd.s32 $0x8F2B, s0  }
0xc8: {  	[sflag:s0] =	ssyncadd.remote.s32 $0x1  }
0xc9: {  	_ =	sfence.sel $0xFFFF  }
0xca: {  	[dreg:$0x0] =	wrdreg $0xFFFFFFFF;
	(pc) =	sbr.abs _section_cstart, $3  }
0xcb: {  	[dreg:$0x1] =	wrdreg $0xFFFFFFFF  }
0xcc: {  	_ =	task.clear_ibuf [dreg:s9], $0x2FFFF;
	_ =	strace $0x9FFFFFFF  }
0xcd: {  	(tm) =	ssettm $0x7FFFFFFF  }
tec
execute0_lowered:
.L_overlay_start_1:
0x0: {  	(tag) =	ssettag $0x1  }
0x1: {  	s0 =	rddreg [dreg:$0x0]  }
0x2: {  	s5 =	rddreg [dreg:$0x1]  }
0x3: {  	s6 =	rddreg [dreg:$0x2]  }
0x4: {  	s7 =	rddreg [dreg:$0x3]  }
0x5: {  	s1 =	rddreg [dreg:$0x4]  }
0x6: {  	s2 =	rddreg [dreg:$0x5]  }
0x7: {  	s3 =	rddreg [dreg:$0x6]  }
0x8: {  	s4 =	simm.s32 $0x0;
	s8 =	srdreg.scid;
	s19 =	stileid.u32  }
0x9: {  	s25 =	simm.s32 $0x6800;
	s26 =	simm.s32 $0x1;
	s28 =	simm.s32 $0x2  }
0xa: {  	[smem:$0x7FF] =	sst s4;
	s8 =	sand.u32 $0x1, s8;
	s9 =	sshll.u32 s19, $0x8  }
0xb: {  	s16 =	sshll.u32 s19, $0xF;
	p0 =	sne.s32 s19, $0x0;
	_ =	strace $0x80000047  }
0xc: {  	s10 =	ssub.s32 $0x2, s8;
	s11 =	sadd.s32 s9, s0;
	s12 =	sshll.u32 s8, $0x7  }
0xd: {  	s5 =	sadd.s32 s5, s9;
	s21 =	sor.u32 $0x2000, s16;
	s6 =	sadd.s32 s6, s9  }
0xe: {  	s9 =	sadd.s32 s16, s1;
	s22 =	sor.u32 $0x4000, s16;
	s17 =	sor.u32 $0x6000, s16  }
0xf: {  	s14 =	sshll.u32 s8, $0x15;
	s24 =	sshll.u32 s8, $0xA;
	s13 =	sshrl.u32 s10, $0x1  }
0x10: {  	s0 =	sadd.s32 s12, s0;
	s20 =	sadd.s32 $0x1A00, s11;
	[dreg:$0x9] =	wrdreg s5  }
0x11: {  	[dreg:$0xa] =	wrdreg s6;
	s11 =	sadd.s32 s22, s1;
	s12 =	sadd.s32 s17, s1  }
0x12: {  	s15 =	sor.u32 s16, s14;
	s14 =	sadd.s32 s21, s2;
	s17 =	sadd.s32 s17, s2  }
0x13: {  	s29 =	sadd.s32 $0x400, s24;
	v0 =	vmov s24;
	s24 =	simm.s32 $0x0;
	s23 =	sshrl.u32 s15, $0x3  }
0x14: {  	s18 =	ssub.s32 s10, s13;
	s13 =	sadd.s32 s16, s2;
	s16 =	sadd.s32 s7, s23  }
0x15: {  	[dreg:$0x8] =	wrdreg s20;
	s10 =	sadd.s32 s21, s1;
	s7 =	sadd.s32 $0x10000, s16  }
0x16: {  	s15 =	sadd.s32 s22, s2;
	s30 =	sadd.s32 $0x20000, s16;
	[dreg:$0xb] =	wrdreg s7  }
0x17: {  	s21 =	sadd.s32 $0x2A00, s0;
	s31 =	sadd.s32 $0x30000, s16;
	[dreg:$0xc] =	wrdreg s30  }
0x18: {  	v2 =	vimm.f32 $0.0e+00;
	v3 =	vlaneseq.u32;
	v1 =	vmov s29;
	s22 =	smax.u32 s18, $0x1;
	s23 =	simm.s32 $0x800;
	[dreg:$0xd] =	wrdreg s31  }
.LBB2_1:
0x19: {  	s0 =	rddreg [dreg:$0x8]  }
0x1a: {  	[tilespmem:s4], [sflag:$0x1] =	stream.linear.gather [hbm4b:s0+s4], $0x800, $0x38;
	[tilespmem:$0x18840] =	vst v63  }
0x1b: {  	s30 =	rddreg [dreg:$0x9]  }
0x1c: {  	[tilespmem:s23], [sflag:$0x1] =	stream.linear.gather [hbm4b:s30+s4], $0x800, $0x38;
	[tilespmem:$0x18840] =	vst v63  }
0x1d: {  	s31 =	rddreg [dreg:$0xa];
	s5 =	simm.s32 $0x1000  }
0x1e: {  	[tilespmem:s5], [sflag:$0x1] =	stream.linear.gather [hbm4b:s31+s4], $0x800, $0x38;
	[tilespmem:$0x18840] =	vst v63  }
0x1f: {  	s0 =	simm.s32 $0x40;
	s5 =	simm.s32 $0x0  }
.LBB2_2:
0x20: {  	p1 =	sne.s32 s0, $0x7FC0;
	[tilespmem:s5+$0x6800] =	vst v2;
	s5 =	smov.u32 s0;
	s0 =	sadd.s32 $0x40, s0  }
.Ltmp0:
0x21: {  	(pc) =	sbr.rel @p1 .LBB2_2-.Ltmp0, $2  }
0x22: {  	_ =	sdelay $0x2  }
0x23: {  	s5 =	sshra.s32 s5, $0x2  }
0x24: {  	[tilespmem:s5+$0x6800] =	vst v2  }
0x25: {  	[spmem:s9] =	stream.linear.scatter [tilespmem:s25], [sflag:$0x1], $0x2000, $0x38;
	[tilespmem:$0x18840] =	vst v63  }
0x26: {  	_ = 	snop  }
0x27: {  	[spmem:s10] =	stream.linear.scatter [tilespmem:s25], [sflag:$0x1], $0x2000, $0x38;
	[tilespmem:$0x18840] =	vst v63  }
0x28: {  	_ = 	snop  }
0x29: {  	[spmem:s11] =	stream.linear.scatter [tilespmem:s25], [sflag:$0x1], $0x2000, $0x38;
	[tilespmem:$0x18840] =	vst v63  }
0x2a: {  	_ = 	snop  }
0x2b: {  	[spmem:s12] =	stream.linear.scatter [tilespmem:s25], [sflag:$0x1], $0x2000, $0x38;
	[tilespmem:$0x18840] =	vst v63  }
0x2c: {  	_ =	swait.ge [sflag:s26], $0x2000  }
0x2d: {  	[sflag:s26] =	ssyncset.done $0x0  }
0x2e: {  	[sflag:s26] =	ssyncadd.s32 $0xFFFFE000  }
0x2f: {  	_ =	swait.ge [sflag:s26], $0x2000  }
0x30: {  	[sflag:s26] =	ssyncset.done $0x0  }
0x31: {  	[sflag:s26] =	ssyncadd.s32 $0xFFFFE000  }
0x32: {  	_ =	swait.ge [sflag:s26], $0x2000  }
0x33: {  	[sflag:s26] =	ssyncset.done $0x0  }
0x34: {  	[sflag:s26] =	ssyncadd.s32 $0xFFFFE000  }
0x35: {  	_ =	swait.ge [sflag:s26], $0x2000  }
0x36: {  	[sflag:s26] =	ssyncset.done $0x0  }
0x37: {  	[sflag:s26] =	ssyncadd.s32 $0xFFFFE000  }
0x38: {  	[spmem:s13] =	stream.linear.scatter [tilespmem:s25], [sflag:$0x1], $0x2000, $0x38;
	[tilespmem:$0x18840] =	vst v63  }
0x39: {  	_ = 	snop  }
0x3a: {  	[spmem:s14] =	stream.linear.scatter [tilespmem:s25], [sflag:$0x1], $0x2000, $0x38;
	[tilespmem:$0x18840] =	vst v63  }
0x3b: {  	_ = 	snop  }
0x3c: {  	[spmem:s15] =	stream.linear.scatter [tilespmem:s25], [sflag:$0x1], $0x2000, $0x38;
	[tilespmem:$0x18840] =	vst v63  }
0x3d: {  	_ = 	snop  }
0x3e: {  	[spmem:s17] =	stream.linear.scatter [tilespmem:s25], [sflag:$0x1], $0x2000, $0x38;
	[tilespmem:$0x18840] =	vst v63  }
0x3f: {  	_ =	swait.ge [sflag:s26], $0x2000  }
0x40: {  	[sflag:s26] =	ssyncset.done $0x0  }
0x41: {  	[sflag:s26] =	ssyncadd.s32 $0xFFFFE000  }
0x42: {  	_ =	swait.ge [sflag:s26], $0x2000  }
0x43: {  	[sflag:s26] =	ssyncset.done $0x0  }
0x44: {  	[sflag:s26] =	ssyncadd.s32 $0xFFFFE000  }
0x45: {  	_ =	swait.ge [sflag:s26], $0x2000  }
0x46: {  	[sflag:s26] =	ssyncset.done $0x0  }
0x47: {  	[sflag:s26] =	ssyncadd.s32 $0xFFFFE000  }
0x48: {  	_ =	swait.ge [sflag:s26], $0x2000  }
0x49: {  	[sflag:s26] =	ssyncset.done $0x0  }
0x4a: {  	s0 =	simm.s32 @!p0 $0x6800;
	[sflag:s26] =	ssyncadd.s32 $0xFFFFE000  }
0x4b: {  	[spmem:s3] =	stream.linear.scatter @!p0 [tilespmem:s0], [sflag:$0x2], $0x400, $0x38;
	[tilespmem:$0x18840] =	vst v63  }
0x4c: {  	s0 =	simm.s32 @!p0 $0x2  }
0x4d: {  	_ =	swait.ge @!p0 [sflag:s0], $0x400  }
0x4e: {  	[sflag:s0] =	ssyncset.done @!p0 $0x0  }
0x4f: {  	[sflag:s0] =	ssyncadd.s32 @!p0 $0xFFFFFC00  }
0x50: {  	_ =	swait.ge [sflag:s26], $0x800  }
0x51: {  	[sflag:s26] =	ssyncset.done $0x0  }
0x52: {  	[sflag:s26] =	ssyncadd.s32 $0xFFFFF800  }
0x53: {  	_ =	swait.ge [sflag:s26], $0x800  }
0x54: {  	[sflag:s26] =	ssyncset.done $0x0  }
0x55: {  	[sflag:s26] =	ssyncadd.s32 $0xFFFFF800  }
0x56: {  	_ =	swait.ge [sflag:s26], $0x800  }
0x57: {  	[sflag:s26] =	ssyncset.done $0x0  }
0x58: {  	[sflag:s26] =	ssyncadd.s32 $0xFFFFF800  }
0x59: {  	s5 =	simm.s32 $0x840;
	[bflag:$0x0] =	sbarrier.arrive $0xFFFF  }
0x5a: {  	s0 =	simm.s32 $0x40;
	v4 =	vld [tilespmem:s5+$0xFFFFFFC0]  }
0x5b: {  	v5 =	vld [tilespmem:s0+$0xFFFFFFC0];
	_ =	sdelay $0x1  }
0x5c: {  	s7 =	simm.s32 $0x1040  }
0x5d: {  	v6 =	vld [tilespmem:s7+$0xFFFFFFC0]  }
0x5e: {  	v7 =	vsub.s32 v4, v0;
	vm0 =	vge.s32 v4, v0;
	vm1 =	vlt.s32 v4, v1  }
0x5f: {  	s6 =	simm.s32 $0x0;
	vm6 =	vlt.u32 v5, $0x200;
	vm0 =	vmand vm0, vm1;
	v4 =	vshll.u32 v7, $0x9  }
0x60: {  	v8 =	vor.u32 s6, v3;
	vm1 =	vmand vm6, vm0;
	v4 =	vadd.s32 v5, v4  }
0x61: {  	s6 =	simm.s32 $0x1840;
	v4 =	vsel vm1, v4, v8  }
0x62: {  	s29 =	simm.s32 $0x3840;
	v5 =	vand.u32 $0x38F, v8;
	[tilespmem:s6+$0xFFFFFFC0] =	vst v4;
	v4 =	vnsel vm1, $0x0, v6  }
0x63: {  	s30 =	simm.s32 $0x5840;
	v5 =	vsel vm0, v7, v5;
	[tilespmem:s29+$0xFFFFFFC0] =	vst v4  }
0x64: {  	s31 =	simm.s32 $0x6040;
	v4 =	vsel vm0, $0x3F800000, v2;
	[tilespmem:s30+$0xFFFFFFC0] =	vst v5  }
0x65: {  	[tilespmem:s31+$0xFFFFFFC0] =	vst v4  }
0x66: {  	v4 =	vld [tilespmem:s5+$0xFFFFFFD0]  }
0x67: {  	v5 =	vld [tilespmem:s0+$0xFFFFFFD0];
	_ =	sdelay $0x2  }
0x68: {  	v6 =	vld [tilespmem:s7+$0xFFFFFFD0]  }
0x69: {  	v7 =	vsub.s32 v4, v0;
	vm7 =	vge.s32 v4, v0;
	vm8 =	vlt.s32 v4, v1  }
0x6a: {  	s8 =	simm.s32 $0x10;
	vm9 =	vlt.u32 v5, $0x200;
	vm0 =	vmand vm7, vm8;
	v4 =	vshll.u32 v7, $0x9  }
0x6b: {  	v57 =	vor.u32 s8, v3;
	vm1 =	vmand vm9, vm0;
	v4 =	vadd.s32 v5, v4  }
0x6c: {  	v4 =	vsel vm1, v4, v57  }
0x6d: {  	v5 =	vand.u32 $0x39F, v57;
	[tilespmem:s6+$0xFFFFFFD0] =	vst v4;
	v4 =	vnsel vm1, $0x0, v6  }
0x6e: {  	v5 =	vsel vm0, v7, v5;
	[tilespmem:s29+$0xFFFFFFD0] =	vst v4  }
0x6f: {  	v4 =	vsel vm0, $0x3F800000, v2;
	[tilespmem:s30+$0xFFFFFFD0] =	vst v5  }
0x70: {  	[tilespmem:s31+$0xFFFFFFD0] =	vst v4  }
0x71: {  	v4 =	vld [tilespmem:s5+$0xFFFFFFE0]  }
0x72: {  	v5 =	vld [tilespmem:s0+$0xFFFFFFE0];
	_ =	sdelay $0x2  }
0x73: {  	v6 =	vld [tilespmem:s7+$0xFFFFFFE0]  }
0x74: {  	v7 =	vsub.s32 v4, v0;
	vm10 =	vge.s32 v4, v0;
	vm11 =	vlt.s32 v4, v1  }
0x75: {  	s18 =	simm.s32 $0x20;
	vm12 =	vlt.u32 v5, $0x200;
	vm0 =	vmand vm10, vm11;
	v4 =	vshll.u32 v7, $0x9  }
0x76: {  	v58 =	vor.u32 s18, v3;
	vm1 =	vmand vm12, vm0;
	v4 =	vadd.s32 v5, v4  }
0x77: {  	v4 =	vsel vm1, v4, v58  }
0x78: {  	v5 =	vand.u32 $0x3AF, v58;
	[tilespmem:s6+$0xFFFFFFE0] =	vst v4;
	v4 =	vnsel vm1, $0x0, v6  }
0x79: {  	v5 =	vsel vm0, v7, v5;
	[tilespmem:s29+$0xFFFFFFE0] =	vst v4  }
0x7a: {  	v4 =	vsel vm0, $0x3F800000, v2;
	[tilespmem:s30+$0xFFFFFFE0] =	vst v5  }
0x7b: {  	[tilespmem:s31+$0xFFFFFFE0] =	vst v4  }
0x7c: {  	v4 =	vld [tilespmem:s5+$0xFFFFFFF0]  }
0x7d: {  	v5 =	vld [tilespmem:s0+$0xFFFFFFF0];
	_ =	sdelay $0x2  }
0x7e: {  	v6 =	vld [tilespmem:s7+$0xFFFFFFF0]  }
0x7f: {  	v7 =	vsub.s32 v4, v0;
	vm13 =	vge.s32 v4, v0;
	vm14 =	vlt.s32 v4, v1  }
0x80: {  	s19 =	simm.s32 $0x30;
	vm15 =	vlt.u32 v5, $0x200;
	vm0 =	vmand vm13, vm14;
	v4 =	vshll.u32 v7, $0x9  }
0x81: {  	v59 =	vor.u32 s19, v3;
	vm1 =	vmand vm15, vm0;
	v4 =	vadd.s32 v5, v4  }
0x82: {  	v4 =	vsel vm1, v4, v59  }
0x83: {  	v5 =	vand.u32 $0x3BF, v59;
	[tilespmem:s6+$0xFFFFFFF0] =	vst v4;
	v4 =	vnsel vm1, $0x0, v6  }
0x84: {  	v5 =	vsel vm0, v7, v5;
	[tilespmem:s29+$0xFFFFFFF0] =	vst v4  }
0x85: {  	v4 =	vsel vm0, $0x3F800000, v2;
	[tilespmem:s30+$0xFFFFFFF0] =	vst v5  }
0x86: {  	[tilespmem:s31+$0xFFFFFFF0] =	vst v4  }
0x87: {  	v4 =	vld [tilespmem:s5+$0x0]  }
0x88: {  	v5 =	vld [tilespmem:s0+$0x0];
	_ =	sdelay $0x2  }
0x89: {  	v6 =	vld [tilespmem:s7+$0x0]  }
0x8a: {  	v7 =	vsub.s32 v4, v0;
	vm4 =	vge.s32 v4, v0;
	vm5 =	vlt.s32 v4, v1  }
0x8b: {  	s20 =	simm.s32 $0x40;
	vm6 =	vlt.u32 v5, $0x200;
	vm0 =	vmand vm4, vm5;
	v4 =	vshll.u32 v7, $0x9  }
0x8c: {  	v60 =	vor.u32 s20, v3;
	vm1 =	vmand vm6, vm0;
	v4 =	vadd.s32 v5, v4  }
0x8d: {  	v4 =	vsel vm1, v4, v60  }
0x8e: {  	v5 =	vand.u32 $0x3CF, v60;
	[tilespmem:s6+$0x0] =	vst v4;
	v4 =	vnsel vm1, $0x0, v6  }
0x8f: {  	v5 =	vsel vm0, v7, v5;
	[tilespmem:s29+$0x0] =	vst v4  }
0x90: {  	v4 =	vsel vm0, $0x3F800000, v2;
	[tilespmem:s30+$0x0] =	vst v5  }
0x91: {  	[tilespmem:s31+$0x0] =	vst v4  }
0x92: {  	v4 =	vld [tilespmem:s5+$0x10]  }
0x93: {  	v5 =	vld [tilespmem:s0+$0x10];
	_ =	sdelay $0x2  }
0x94: {  	v6 =	vld [tilespmem:s7+$0x10]  }
0x95: {  	v7 =	vsub.s32 v4, v0;
	vm7 =	vge.s32 v4, v0;
	vm8 =	vlt.s32 v4, v1  }
0x96: {  	s18 =	simm.s32 $0x50;
	vm9 =	vlt.u32 v5, $0x200;
	vm0 =	vmand vm7, vm8;
	v4 =	vshll.u32 v7, $0x9  }
0x97: {  	v61 =	vor.u32 s18, v3;
	vm1 =	vmand vm9, vm0;
	v4 =	vadd.s32 v5, v4  }
0x98: {  	v4 =	vsel vm1, v4, v61  }
0x99: {  	v5 =	vnsel vm1, $0x0, v6;
	v6 =	vand.u32 $0x3DF, v61;
	[tilespmem:s6+$0x10] =	vst v4  }
0x9a: {  	v4 =	vsel vm0, v7, v6;
	[tilespmem:s29+$0x10] =	vst v5  }
0x9b: {  	[tilespmem:s30+$0x10] =	vst v4;
	v4 =	vsel vm0, $0x3F800000, v2  }
0x9c: {  	[tilespmem:s31+$0x10] =	vst v4  }
0x9d: {  	v4 =	vld [tilespmem:s5+$0x20]  }
0x9e: {  	v5 =	vld [tilespmem:s0+$0x20];
	_ =	sdelay $0x2  }
0x9f: {  	v6 =	vld [tilespmem:s7+$0x20]  }
0xa0: {  	v7 =	vsub.s32 v4, v0;
	vm10 =	vge.s32 v4, v0;
	vm11 =	vlt.s32 v4, v1  }
0xa1: {  	s19 =	simm.s32 $0x60;
	vm12 =	vlt.u32 v5, $0x200;
	vm0 =	vmand vm10, vm11;
	v4 =	vshll.u32 v7, $0x9  }
0xa2: {  	v62 =	vor.u32 s19, v3;
	vm1 =	vmand vm12, vm0;
	v4 =	vadd.s32 v5, v4  }
0xa3: {  	v4 =	vsel vm1, v4, v62  }
0xa4: {  	v5 =	vnsel vm1, $0x0, v6;
	v6 =	vand.u32 $0x3EF, v62;
	[tilespmem:s6+$0x20] =	vst v4  }
0xa5: {  	v4 =	vsel vm0, v7, v6;
	[tilespmem:s29+$0x20] =	vst v5  }
0xa6: {  	[tilespmem:s30+$0x20] =	vst v4;
	v4 =	vsel vm0, $0x3F800000, v2  }
0xa7: {  	[tilespmem:s31+$0x20] =	vst v4  }
0xa8: {  	v4 =	vld [tilespmem:s5+$0x30]  }
0xa9: {  	v5 =	vld [tilespmem:s0+$0x30];
	_ =	sdelay $0x2  }
0xaa: {  	v6 =	vld [tilespmem:s7+$0x30]  }
0xab: {  	v7 =	vsub.s32 v4, v0;
	vm13 =	vge.s32 v4, v0;
	vm14 =	vlt.s32 v4, v1  }
0xac: {  	s20 =	simm.s32 $0x70;
	vm15 =	vlt.u32 v5, $0x200;
	vm0 =	vmand vm13, vm14;
	v4 =	vshll.u32 v7, $0x9  }
0xad: {  	v63 =	vor.u32 s20, v3;
	vm1 =	vmand vm15, vm0;
	v4 =	vadd.s32 v5, v4  }
0xae: {  	v4 =	vsel vm1, v4, v63  }
0xaf: {  	v5 =	vand.u32 $0x3FF, v63;
	[tilespmem:s6+$0x30] =	vst v4;
	v4 =	vnsel vm1, $0x0, v6  }
0xb0: {  	s8 =	simm.s32 $0x8C0;
	s0 =	simm.s32 $0xF0;
	v5 =	vsel vm0, v7, v5;
	[tilespmem:s29+$0x30] =	vst v4  }
0xb1: {  	s5 =	simm.s32 $0xC0;
	s7 =	simm.s32 $0x10C0;
	s6 =	simm.s32 $0x18C0;
	v4 =	vsel vm0, $0x3F800000, v2;
	[tilespmem:s30+$0x30] =	vst v5  }
.LBB2_4:
0xb2: {  	[tilespmem:s31+$0x30] =	vst v4;
	s31 =	sadd.s32 $0x80, s31;
	s30 =	sadd.s32 $0x80, s30;
	s29 =	sadd.s32 $0x80, s29  }
0xb3: {  	p1 =	sne.s32 s0, $0x7F0;
	s18 =	smov.u32 s0;
	s0 =	sadd.s32 $0x80, s0;
	v4 =	vld [tilespmem:s8+$0xFFFFFFC0]  }
0xb4: {  	v5 =	vld [tilespmem:s5+$0xFFFFFFC0];
	_ =	sdelay $0x2  }
0xb5: {  	s19 =	sadd.s32 $0xFFFFFF90, s18;
	v6 =	vld [tilespmem:s7+$0xFFFFFFC0]  }
0xb6: {  	v7 =	vsub.s32 v4, v0;
	vm0 =	vge.s32 v4, v0;
	vm1 =	vlt.s32 v4, v1  }
0xb7: {  	vm0 =	vmand vm0, vm1;
	vm1 =	vlt.u32 v5, $0x200;
	v4 =	vshll.u32 v7, $0x9  }
0xb8: {  	v8 =	vor.u32 s19, v3;
	vm1 =	vmand vm1, vm0;
	v4 =	vadd.s32 v5, v4  }
0xb9: {  	v5 =	vand.u32 $0x38F, v8;
	v4 =	vsel vm1, v4, v8  }
0xba: {  	v5 =	vsel vm0, v7, v5;
	[tilespmem:s6+$0xFFFFFFC0] =	vst v4;
	v4 =	vnsel vm1, $0x0, v6  }
0xbb: {  	[tilespmem:s29+$0xFFFFFFC0] =	vst v4  }
0xbc: {  	v4 =	vsel vm0, $0x3F800000, v2;
	[tilespmem:s30+$0xFFFFFFC0] =	vst v5  }
0xbd: {  	[tilespmem:s31+$0xFFFFFFC0] =	vst v4  }
0xbe: {  	v4 =	vld [tilespmem:s8+$0xFFFFFFD0]  }
0xbf: {  	v5 =	vld [tilespmem:s5+$0xFFFFFFD0];
	_ =	sdelay $0x2  }
0xc0: {  	s19 =	sadd.s32 $0xFFFFFFA0, s18;
	v6 =	vld [tilespmem:s7+$0xFFFFFFD0]  }
0xc1: {  	v7 =	vsub.s32 v4, v0;
	vm0 =	vge.s32 v4, v0;
	vm1 =	vlt.s32 v4, v1  }
0xc2: {  	vm0 =	vmand vm0, vm1;
	vm1 =	vlt.u32 v5, $0x200;
	v4 =	vshll.u32 v7, $0x9  }
0xc3: {  	v8 =	vor.u32 s19, v3;
	vm1 =	vmand vm1, vm0;
	v4 =	vadd.s32 v5, v4  }
0xc4: {  	v5 =	vand.u32 $0x39F, v8;
	v4 =	vsel vm1, v4, v8  }
0xc5: {  	v5 =	vsel vm0, v7, v5;
	[tilespmem:s6+$0xFFFFFFD0] =	vst v4;
	v4 =	vnsel vm1, $0x0, v6  }
0xc6: {  	[tilespmem:s29+$0xFFFFFFD0] =	vst v4  }
0xc7: {  	v4 =	vsel vm0, $0x3F800000, v2;
	[tilespmem:s30+$0xFFFFFFD0] =	vst v5  }
0xc8: {  	[tilespmem:s31+$0xFFFFFFD0] =	vst v4  }
0xc9: {  	v4 =	vld [tilespmem:s8+$0xFFFFFFE0]  }
0xca: {  	v5 =	vld [tilespmem:s5+$0xFFFFFFE0];
	_ =	sdelay $0x2  }
0xcb: {  	s19 =	sadd.s32 $0xFFFFFFB0, s18;
	v6 =	vld [tilespmem:s7+$0xFFFFFFE0]  }
0xcc: {  	v7 =	vsub.s32 v4, v0;
	vm0 =	vge.s32 v4, v0;
	vm1 =	vlt.s32 v4, v1  }
0xcd: {  	vm0 =	vmand vm0, vm1;
	vm1 =	vlt.u32 v5, $0x200;
	v4 =	vshll.u32 v7, $0x9  }
0xce: {  	v8 =	vor.u32 s19, v3;
	vm1 =	vmand vm1, vm0;
	v4 =	vadd.s32 v5, v4  }
0xcf: {  	v5 =	vand.u32 $0x3AF, v8;
	v4 =	vsel vm1, v4, v8  }
0xd0: {  	v5 =	vsel vm0, v7, v5;
	[tilespmem:s6+$0xFFFFFFE0] =	vst v4;
	v4 =	vnsel vm1, $0x0, v6  }
0xd1: {  	[tilespmem:s29+$0xFFFFFFE0] =	vst v4  }
0xd2: {  	v4 =	vsel vm0, $0x3F800000, v2;
	[tilespmem:s30+$0xFFFFFFE0] =	vst v5  }
0xd3: {  	[tilespmem:s31+$0xFFFFFFE0] =	vst v4  }
0xd4: {  	v4 =	vld [tilespmem:s8+$0xFFFFFFF0]  }
0xd5: {  	v5 =	vld [tilespmem:s5+$0xFFFFFFF0];
	_ =	sdelay $0x2  }
0xd6: {  	s19 =	sadd.s32 $0xFFFFFFC0, s18;
	v6 =	vld [tilespmem:s7+$0xFFFFFFF0]  }
0xd7: {  	v7 =	vsub.s32 v4, v0;
	vm0 =	vge.s32 v4, v0;
	vm1 =	vlt.s32 v4, v1  }
0xd8: {  	vm0 =	vmand vm0, vm1;
	vm1 =	vlt.u32 v5, $0x200;
	v4 =	vshll.u32 v7, $0x9  }
0xd9: {  	v8 =	vor.u32 s19, v3;
	vm1 =	vmand vm1, vm0;
	v4 =	vadd.s32 v5, v4  }
0xda: {  	v5 =	vand.u32 $0x3BF, v8;
	v4 =	vsel vm1, v4, v8  }
0xdb: {  	v5 =	vsel vm0, v7, v5;
	[tilespmem:s6+$0xFFFFFFF0] =	vst v4;
	v4 =	vnsel vm1, $0x0, v6  }
0xdc: {  	[tilespmem:s29+$0xFFFFFFF0] =	vst v4  }
0xdd: {  	v4 =	vsel vm0, $0x3F800000, v2;
	[tilespmem:s30+$0xFFFFFFF0] =	vst v5  }
0xde: {  	[tilespmem:s31+$0xFFFFFFF0] =	vst v4  }
0xdf: {  	v4 =	vld [tilespmem:s8+$0x0]  }
0xe0: {  	v5 =	vld [tilespmem:s5+$0x0];
	_ =	sdelay $0x2  }
0xe1: {  	s19 =	sadd.s32 $0xFFFFFFD0, s18;
	v6 =	vld [tilespmem:s7+$0x0]  }
0xe2: {  	v7 =	vsub.s32 v4, v0;
	vm0 =	vge.s32 v4, v0;
	vm1 =	vlt.s32 v4, v1  }
0xe3: {  	vm0 =	vmand vm0, vm1;
	vm1 =	vlt.u32 v5, $0x200;
	v4 =	vshll.u32 v7, $0x9  }
0xe4: {  	v8 =	vor.u32 s19, v3;
	vm1 =	vmand vm1, vm0;
	v4 =	vadd.s32 v5, v4  }
0xe5: {  	v5 =	vand.u32 $0x3CF, v8;
	v4 =	vsel vm1, v4, v8  }
0xe6: {  	v5 =	vsel vm0, v7, v5;
	[tilespmem:s6+$0x0] =	vst v4;
	v4 =	vnsel vm1, $0x0, v6  }
0xe7: {  	[tilespmem:s29+$0x0] =	vst v4  }
0xe8: {  	v4 =	vsel vm0, $0x3F800000, v2;
	[tilespmem:s30+$0x0] =	vst v5  }
0xe9: {  	[tilespmem:s31+$0x0] =	vst v4  }
0xea: {  	v4 =	vld [tilespmem:s8+$0x10]  }
0xeb: {  	v5 =	vld [tilespmem:s5+$0x10]  }
0xec: {  	v6 =	vld [tilespmem:s7+$0x10];
	_ =	sdelay $0x1  }
0xed: {  	s19 =	sadd.s32 $0xFFFFFFE0, s18  }
0xee: {  	v7 =	vsub.s32 v4, v0;
	vm0 =	vge.s32 v4, v0;
	vm1 =	vlt.s32 v4, v1  }
0xef: {  	vm0 =	vmand vm0, vm1;
	vm1 =	vlt.u32 v5, $0x200;
	v4 =	vshll.u32 v7, $0x9  }
0xf0: {  	v8 =	vor.u32 s19, v3;
	vm1 =	vmand vm1, vm0;
	v4 =	vadd.s32 v5, v4  }
0xf1: {  	v4 =	vsel vm1, v4, v8;
	v5 =	vnsel vm1, $0x0, v6;
	v6 =	vand.u32 $0x3DF, v8  }
0xf2: {  	[tilespmem:s6+$0x10] =	vst v4;
	v4 =	vsel vm0, v7, v6  }
0xf3: {  	[tilespmem:s29+$0x10] =	vst v5  }
0xf4: {  	[tilespmem:s30+$0x10] =	vst v4;
	v4 =	vsel vm0, $0x3F800000, v2  }
0xf5: {  	[tilespmem:s31+$0x10] =	vst v4  }
0xf6: {  	v4 =	vld [tilespmem:s8+$0x20]  }
0xf7: {  	v5 =	vld [tilespmem:s5+$0x20]  }
0xf8: {  	v6 =	vld [tilespmem:s7+$0x20];
	_ =	sdelay $0x1  }
0xf9: {  	s19 =	sadd.s32 $0xFFFFFFF0, s18  }
0xfa: {  	v7 =	vsub.s32 v4, v0;
	vm0 =	vge.s32 v4, v0;
	vm1 =	vlt.s32 v4, v1  }
0xfb: {  	vm0 =	vmand vm0, vm1;
	vm1 =	vlt.u32 v5, $0x200;
	v4 =	vshll.u32 v7, $0x9  }
0xfc: {  	v8 =	vor.u32 s19, v3;
	vm1 =	vmand vm1, vm0;
	v4 =	vadd.s32 v5, v4  }
0xfd: {  	v4 =	vsel vm1, v4, v8;
	v5 =	vnsel vm1, $0x0, v6;
	v6 =	vand.u32 $0x3EF, v8  }
0xfe: {  	[tilespmem:s6+$0x20] =	vst v4;
	v4 =	vsel vm0, v7, v6  }
0xff: {  	[tilespmem:s29+$0x20] =	vst v5  }
0x100: {  	[tilespmem:s30+$0x20] =	vst v4;
	v4 =	vsel vm0, $0x3F800000, v2  }
0x101: {  	[tilespmem:s31+$0x20] =	vst v4  }
0x102: {  	v4 =	vld [tilespmem:s8+$0x30]  }
0x103: {  	v5 =	vld [tilespmem:s5+$0x30]  }
0x104: {  	v6 =	vld [tilespmem:s7+$0x30];
	_ =	sdelay $0x1  }
0x105: {  	v7 =	vor.u32 s18, v3  }
0x106: {  	v8 =	vsub.s32 v4, v0;
	vm0 =	vge.s32 v4, v0;
	vm1 =	vlt.s32 v4, v1  }
0x107: {  	vm0 =	vmand vm0, vm1;
	vm1 =	vlt.u32 v5, $0x200;
	v4 =	vshll.u32 v8, $0x9  }
.Ltmp1:
0x108: {  	vm1 =	vmand vm1, vm0;
	v4 =	vadd.s32 v5, v4;
	v5 =	vand.u32 $0x3FF, v7;
	(pc) =	sbr.rel @p1 .LBB2_4-.Ltmp1, $4  }
0x109: {  	v4 =	vsel vm1, v4, v7;
	v5 =	vsel vm0, v8, v5  }
0x10a: {  	[tilespmem:s6+$0x30] =	vst v4;
	v4 =	vnsel vm1, $0x0, v6  }
0x10b: {  	s5 =	sadd.s32 $0x80, s5;
	[tilespmem:s29+$0x30] =	vst v4  }
0x10c: {  	s8 =	sadd.s32 $0x80, s8;
	s7 =	sadd.s32 $0x80, s7;
	s6 =	sadd.s32 $0x80, s6;
	v4 =	vsel vm0, $0x3F800000, v2;
	[tilespmem:s30+$0x30] =	vst v5  }
0x10d: {  	[tilespmem:s31+$0x30] =	vst v4;
	s0 =	simm.s32 $0x1800;
	s5 =	simm.s32 $0x3800  }
0x10e: {  	[spmem:s1] =	stream.indirect.scatter.add.f32 [tilespmem:s5], [sflag:$0x1], $0x1, s0, s23, $0xb8;
	[tilespmem:$0x18840] =	vst v63  }
0x10f: {  	s19 =	simm.s32 $0x5800;
	s20 =	simm.s32 $0x6000  }
0x110: {  	[spmem:s3] =	stream.indirect.scatter.add.f32 [tilespmem:s20], [sflag:$0x1], $0x1, s19, s23, $0xb8;
	[tilespmem:$0x18840] =	vst v63  }
0x111: {  	_ =	swait.ge [sflag:s26], $0x800  }
0x112: {  	[sflag:s26] =	ssyncset.done $0x0  }
0x113: {  	[sflag:s26] =	ssyncadd.s32 $0xFFFFF800  }
0x114: {  	_ =	swait.ge [sflag:s26], $0x800  }
0x115: {  	[sflag:s26] =	ssyncset.done $0x0  }
0x116: {  	[sflag:s26] =	ssyncadd.s32 $0xFFFFF800  }
0x117: {  	[bflag:$0x0] =	sbarrier.arrive $0xFFFF  }
0x118: {  	s7 =	simm.s32 $0x840;
	[bflag:$0x0] =	sbarrier.arrive $0xFFFF  }
0x119: {  	s6 =	simm.s32 $0x40;
	v4 =	vld [tilespmem:s7+$0xFFFFFFC0]  }
0x11a: {  	v5 =	vld [tilespmem:s6+$0xFFFFFFC0];
	_ =	sdelay $0x2  }
0x11b: {  	s29 =	simm.s32 $0x1040  }
0x11c: {  	v6 =	vld [tilespmem:s29+$0xFFFFFFC0];
	v7 =	vsub.s32 v4, v0;
	vm0 =	vge.s32 v4, v0  }
0x11d: {  	vm1 =	vlt.s32 v4, v1;
	v4 =	vshll.u32 v7, $0x9;
	v7 =	vand.u32 $0xFFFFFE00, v5  }
0x11e: {  	s30 =	simm.s32 $0x0;
	vm0 =	vmand vm0, vm1;
	v4 =	vadd.s32 v4, v5;
	vm6 =	veq.s32 v7, $0x200  }
0x11f: {  	v5 =	vor.u32 s30, v3;
	vm0 =	vmand vm6, vm0;
	v4 =	vadd.s32 $0xFFFFFE00, v4  }
0x120: {  	s0 =	simm.s32 $0x2040;
	v4 =	vsel vm0, v4, v5  }
0x121: {  	s5 =	simm.s32 $0x4040;
	[tilespmem:s0+$0xFFFFFFC0] =	vst v4;
	v4 =	vnsel vm0, $0x0, v6  }
0x122: {  	[tilespmem:s5+$0xFFFFFFC0] =	vst v4  }
0x123: {  	v4 =	vld [tilespmem:s7+$0xFFFFFFD0]  }
0x124: {  	v5 =	vld [tilespmem:s6+$0xFFFFFFD0];
	_ =	sdelay $0x3  }
0x125: {  	v6 =	vld [tilespmem:s29+$0xFFFFFFD0];
	v7 =	vsub.s32 v4, v0;
	vm7 =	vge.s32 v4, v0  }
0x126: {  	vm8 =	vlt.s32 v4, v1;
	v4 =	vshll.u32 v7, $0x9;
	v7 =	vand.u32 $0xFFFFFE00, v5  }
0x127: {  	s8 =	simm.s32 $0x10;
	vm0 =	vmand vm7, vm8;
	v4 =	vadd.s32 v4, v5;
	vm9 =	veq.s32 v7, $0x200  }
0x128: {  	v5 =	vor.u32 s8, v3;
	vm0 =	vmand vm9, vm0;
	v4 =	vadd.s32 $0xFFFFFE00, v4  }
0x129: {  	v4 =	vsel vm0, v4, v5  }
0x12a: {  	[tilespmem:s0+$0xFFFFFFD0] =	vst v4;
	v4 =	vnsel vm0, $0x0, v6  }
0x12b: {  	[tilespmem:s5+$0xFFFFFFD0] =	vst v4  }
0x12c: {  	v4 =	vld [tilespmem:s7+$0xFFFFFFE0]  }
0x12d: {  	v5 =	vld [tilespmem:s6+$0xFFFFFFE0];
	_ =	sdelay $0x3  }
0x12e: {  	v6 =	vld [tilespmem:s29+$0xFFFFFFE0];
	v7 =	vsub.s32 v4, v0;
	vm10 =	vge.s32 v4, v0  }
0x12f: {  	vm11 =	vlt.s32 v4, v1;
	v4 =	vshll.u32 v7, $0x9;
	v7 =	vand.u32 $0xFFFFFE00, v5  }
0x130: {  	s31 =	simm.s32 $0x20;
	vm0 =	vmand vm10, vm11;
	v4 =	vadd.s32 v4, v5;
	vm12 =	veq.s32 v7, $0x200  }
0x131: {  	v5 =	vor.u32 s31, v3;
	vm0 =	vmand vm12, vm0;
	v4 =	vadd.s32 $0xFFFFFE00, v4  }
0x132: {  	v4 =	vsel vm0, v4, v5  }
0x133: {  	[tilespmem:s0+$0xFFFFFFE0] =	vst v4;
	v4 =	vnsel vm0, $0x0, v6  }
0x134: {  	[tilespmem:s5+$0xFFFFFFE0] =	vst v4  }
0x135: {  	v4 =	vld [tilespmem:s7+$0xFFFFFFF0]  }
0x136: {  	v5 =	vld [tilespmem:s6+$0xFFFFFFF0];
	_ =	sdelay $0x3  }
0x137: {  	v6 =	vld [tilespmem:s29+$0xFFFFFFF0];
	v7 =	vsub.s32 v4, v0;
	vm13 =	vge.s32 v4, v0  }
0x138: {  	vm14 =	vlt.s32 v4, v1;
	v4 =	vshll.u32 v7, $0x9;
	v7 =	vand.u32 $0xFFFFFE00, v5  }
0x139: {  	s18 =	simm.s32 $0x30;
	vm0 =	vmand vm13, vm14;
	v4 =	vadd.s32 v4, v5;
	vm15 =	veq.s32 v7, $0x200  }
0x13a: {  	v5 =	vor.u32 s18, v3;
	vm0 =	vmand vm15, vm0;
	v4 =	vadd.s32 $0xFFFFFE00, v4  }
0x13b: {  	v4 =	vsel vm0, v4, v5  }
0x13c: {  	[tilespmem:s0+$0xFFFFFFF0] =	vst v4;
	v4 =	vnsel vm0, $0x0, v6  }
0x13d: {  	[tilespmem:s5+$0xFFFFFFF0] =	vst v4  }
0x13e: {  	v4 =	vld [tilespmem:s7+$0x0]  }
0x13f: {  	v5 =	vld [tilespmem:s6+$0x0];
	_ =	sdelay $0x3  }
0x140: {  	v6 =	vld [tilespmem:s29+$0x0];
	v7 =	vsub.s32 v4, v0;
	vm4 =	vge.s32 v4, v0  }
0x141: {  	vm5 =	vlt.s32 v4, v1;
	v4 =	vshll.u32 v7, $0x9;
	v7 =	vand.u32 $0xFFFFFE00, v5  }
0x142: {  	s19 =	simm.s32 $0x40;
	vm0 =	vmand vm4, vm5;
	v4 =	vadd.s32 v4, v5;
	vm6 =	veq.s32 v7, $0x200  }
0x143: {  	v5 =	vor.u32 s19, v3;
	vm0 =	vmand vm6, vm0;
	v4 =	vadd.s32 $0xFFFFFE00, v4  }
0x144: {  	v4 =	vsel vm0, v4, v5  }
0x145: {  	[tilespmem:s0+$0x0] =	vst v4;
	v4 =	vnsel vm0, $0x0, v6  }
0x146: {  	[tilespmem:s5+$0x0] =	vst v4  }
0x147: {  	v4 =	vld [tilespmem:s7+$0x10]  }
0x148: {  	v5 =	vld [tilespmem:s6+$0x10];
	_ =	sdelay $0x3  }
0x149: {  	v6 =	vld [tilespmem:s29+$0x10];
	v7 =	vsub.s32 v4, v0;
	vm7 =	vge.s32 v4, v0  }
0x14a: {  	vm8 =	vlt.s32 v4, v1;
	v4 =	vshll.u32 v7, $0x9;
	v7 =	vand.u32 $0xFFFFFE00, v5  }
0x14b: {  	s20 =	simm.s32 $0x50;
	vm0 =	vmand vm7, vm8;
	v4 =	vadd.s32 v4, v5;
	vm9 =	veq.s32 v7, $0x200  }
0x14c: {  	v5 =	vor.u32 s20, v3;
	vm0 =	vmand vm9, vm0;
	v4 =	vadd.s32 $0xFFFFFE00, v4  }
0x14d: {  	v4 =	vsel vm0, v4, v5  }
0x14e: {  	[tilespmem:s0+$0x10] =	vst v4;
	v4 =	vnsel vm0, $0x0, v6  }
0x14f: {  	[tilespmem:s5+$0x10] =	vst v4  }
0x150: {  	v4 =	vld [tilespmem:s7+$0x20]  }
0x151: {  	v5 =	vld [tilespmem:s6+$0x20];
	_ =	sdelay $0x3  }
0x152: {  	v6 =	vld [tilespmem:s29+$0x20];
	v7 =	vsub.s32 v4, v0;
	vm10 =	vge.s32 v4, v0  }
0x153: {  	vm11 =	vlt.s32 v4, v1;
	v4 =	vshll.u32 v7, $0x9;
	v7 =	vand.u32 $0xFFFFFE00, v5  }
0x154: {  	s30 =	simm.s32 $0x60;
	vm0 =	vmand vm10, vm11;
	v4 =	vadd.s32 v4, v5;
	vm12 =	veq.s32 v7, $0x200  }
0x155: {  	v5 =	vor.u32 s30, v3;
	vm0 =	vmand vm12, vm0;
	v4 =	vadd.s32 $0xFFFFFE00, v4  }
0x156: {  	v4 =	vsel vm0, v4, v5  }
0x157: {  	[tilespmem:s0+$0x20] =	vst v4;
	v4 =	vnsel vm0, $0x0, v6  }
0x158: {  	[tilespmem:s5+$0x20] =	vst v4  }
0x159: {  	v4 =	vld [tilespmem:s7+$0x30]  }
0x15a: {  	v5 =	vld [tilespmem:s6+$0x30];
	_ =	sdelay $0x3  }
0x15b: {  	v6 =	vld [tilespmem:s29+$0x30];
	v7 =	vsub.s32 v4, v0;
	vm13 =	vge.s32 v4, v0  }
0x15c: {  	vm14 =	vlt.s32 v4, v1;
	v4 =	vshll.u32 v7, $0x9;
	v7 =	vand.u32 $0xFFFFFE00, v5  }
0x15d: {  	s31 =	simm.s32 $0x70;
	vm0 =	vmand vm13, vm14;
	v4 =	vadd.s32 v4, v5;
	vm15 =	veq.s32 v7, $0x200  }
0x15e: {  	v5 =	vor.u32 s31, v3;
	vm0 =	vmand vm15, vm0;
	v4 =	vadd.s32 $0xFFFFFE00, v4  }
0x15f: {  	v4 =	vsel vm0, v4, v5  }
0x160: {  	s8 =	simm.s32 $0xC0;
	s6 =	simm.s32 $0xF0;
	s7 =	simm.s32 $0x8C0;
	[tilespmem:s0+$0x30] =	vst v4;
	v4 =	vnsel vm0, $0x0, v6  }
.LBB2_6:
0x161: {  	[tilespmem:s5+$0x30] =	vst v4;
	s5 =	sadd.s32 $0x80, s5;
	s0 =	sadd.s32 $0x80, s0;
	s29 =	sadd.s32 $0x80, s29  }
0x162: {  	p1 =	sne.s32 s6, $0x7F0;
	s18 =	smov.u32 s6;
	s6 =	sadd.s32 $0x80, s6;
	v4 =	vld [tilespmem:s7+$0xFFFFFFC0]  }
0x163: {  	v5 =	vld [tilespmem:s8+$0xFFFFFFC0];
	_ =	sdelay $0x3  }
0x164: {  	v6 =	vld [tilespmem:s29+$0xFFFFFFC0];
	v7 =	vsub.s32 v4, v0;
	vm0 =	vge.s32 v4, v0;
	vm1 =	vlt.s32 v4, v1  }
0x165: {  	v4 =	vshll.u32 v7, $0x9;
	vm0 =	vmand vm0, vm1;
	v7 =	vand.u32 $0xFFFFFE00, v5  }
0x166: {  	s19 =	sadd.s32 $0xFFFFFF90, s18;
	v4 =	vadd.s32 v4, v5;
	vm1 =	veq.s32 v7, $0x200  }
0x167: {  	v5 =	vor.u32 s19, v3;
	vm0 =	vmand vm1, vm0;
	v4 =	vadd.s32 $0xFFFFFE00, v4  }
0x168: {  	v4 =	vsel vm0, v4, v5  }
0x169: {  	[tilespmem:s0+$0xFFFFFFC0] =	vst v4;
	v4 =	vnsel vm0, $0x0, v6  }
0x16a: {  	[tilespmem:s5+$0xFFFFFFC0] =	vst v4  }
0x16b: {  	v4 =	vld [tilespmem:s7+$0xFFFFFFD0]  }
0x16c: {  	v5 =	vld [tilespmem:s8+$0xFFFFFFD0];
	_ =	sdelay $0x3  }
0x16d: {  	v6 =	vld [tilespmem:s29+$0xFFFFFFD0];
	v7 =	vsub.s32 v4, v0;
	vm0 =	vge.s32 v4, v0;
	vm1 =	vlt.s32 v4, v1  }
0x16e: {  	v4 =	vshll.u32 v7, $0x9;
	vm0 =	vmand vm0, vm1;
	v7 =	vand.u32 $0xFFFFFE00, v5  }
0x16f: {  	s19 =	sadd.s32 $0xFFFFFFA0, s18;
	v4 =	vadd.s32 v4, v5;
	vm1 =	veq.s32 v7, $0x200  }
0x170: {  	v5 =	vor.u32 s19, v3;
	vm0 =	vmand vm1, vm0;
	v4 =	vadd.s32 $0xFFFFFE00, v4  }
0x171: {  	v4 =	vsel vm0, v4, v5  }
0x172: {  	[tilespmem:s0+$0xFFFFFFD0] =	vst v4;
	v4 =	vnsel vm0, $0x0, v6  }
0x173: {  	[tilespmem:s5+$0xFFFFFFD0] =	vst v4  }
0x174: {  	v4 =	vld [tilespmem:s7+$0xFFFFFFE0]  }
0x175: {  	v5 =	vld [tilespmem:s8+$0xFFFFFFE0];
	_ =	sdelay $0x3  }
0x176: {  	v6 =	vld [tilespmem:s29+$0xFFFFFFE0];
	v7 =	vsub.s32 v4, v0;
	vm0 =	vge.s32 v4, v0;
	vm1 =	vlt.s32 v4, v1  }
0x177: {  	v4 =	vshll.u32 v7, $0x9;
	vm0 =	vmand vm0, vm1;
	v7 =	vand.u32 $0xFFFFFE00, v5  }
0x178: {  	s19 =	sadd.s32 $0xFFFFFFB0, s18;
	v4 =	vadd.s32 v4, v5;
	vm1 =	veq.s32 v7, $0x200  }
0x179: {  	v5 =	vor.u32 s19, v3;
	vm0 =	vmand vm1, vm0;
	v4 =	vadd.s32 $0xFFFFFE00, v4  }
0x17a: {  	v4 =	vsel vm0, v4, v5  }
0x17b: {  	[tilespmem:s0+$0xFFFFFFE0] =	vst v4;
	v4 =	vnsel vm0, $0x0, v6  }
0x17c: {  	[tilespmem:s5+$0xFFFFFFE0] =	vst v4  }
0x17d: {  	v4 =	vld [tilespmem:s7+$0xFFFFFFF0]  }
0x17e: {  	v5 =	vld [tilespmem:s8+$0xFFFFFFF0];
	_ =	sdelay $0x3  }
0x17f: {  	v6 =	vld [tilespmem:s29+$0xFFFFFFF0];
	v7 =	vsub.s32 v4, v0;
	vm0 =	vge.s32 v4, v0;
	vm1 =	vlt.s32 v4, v1  }
0x180: {  	v4 =	vshll.u32 v7, $0x9;
	vm0 =	vmand vm0, vm1;
	v7 =	vand.u32 $0xFFFFFE00, v5  }
0x181: {  	s19 =	sadd.s32 $0xFFFFFFC0, s18;
	v4 =	vadd.s32 v4, v5;
	vm1 =	veq.s32 v7, $0x200  }
0x182: {  	v5 =	vor.u32 s19, v3;
	vm0 =	vmand vm1, vm0;
	v4 =	vadd.s32 $0xFFFFFE00, v4  }
0x183: {  	v4 =	vsel vm0, v4, v5  }
0x184: {  	[tilespmem:s0+$0xFFFFFFF0] =	vst v4;
	v4 =	vnsel vm0, $0x0, v6  }
0x185: {  	[tilespmem:s5+$0xFFFFFFF0] =	vst v4  }
0x186: {  	v4 =	vld [tilespmem:s7+$0x0]  }
0x187: {  	v5 =	vld [tilespmem:s8+$0x0];
	_ =	sdelay $0x3  }
0x188: {  	v6 =	vld [tilespmem:s29+$0x0];
	v7 =	vsub.s32 v4, v0;
	vm0 =	vge.s32 v4, v0;
	vm1 =	vlt.s32 v4, v1  }
0x189: {  	v4 =	vshll.u32 v7, $0x9;
	vm0 =	vmand vm0, vm1;
	v7 =	vand.u32 $0xFFFFFE00, v5  }
0x18a: {  	s19 =	sadd.s32 $0xFFFFFFD0, s18;
	v4 =	vadd.s32 v4, v5;
	vm1 =	veq.s32 v7, $0x200  }
0x18b: {  	v5 =	vor.u32 s19, v3;
	vm0 =	vmand vm1, vm0;
	v4 =	vadd.s32 $0xFFFFFE00, v4  }
0x18c: {  	v4 =	vsel vm0, v4, v5  }
0x18d: {  	[tilespmem:s0+$0x0] =	vst v4;
	v4 =	vnsel vm0, $0x0, v6  }
0x18e: {  	[tilespmem:s5+$0x0] =	vst v4  }
0x18f: {  	v4 =	vld [tilespmem:s7+$0x10]  }
0x190: {  	v5 =	vld [tilespmem:s8+$0x10]  }
0x191: {  	v6 =	vld [tilespmem:s29+$0x10];
	_ =	sdelay $0x2  }
0x192: {  	v7 =	vsub.s32 v4, v0;
	vm0 =	vge.s32 v4, v0;
	vm1 =	vlt.s32 v4, v1  }
0x193: {  	v4 =	vshll.u32 v7, $0x9;
	vm0 =	vmand vm0, vm1;
	v7 =	vand.u32 $0xFFFFFE00, v5  }
0x194: {  	s19 =	sadd.s32 $0xFFFFFFE0, s18;
	v4 =	vadd.s32 v4, v5;
	vm1 =	veq.s32 v7, $0x200  }
0x195: {  	v5 =	vor.u32 s19, v3;
	vm0 =	vmand vm1, vm0;
	v4 =	vadd.s32 $0xFFFFFE00, v4  }
0x196: {  	v4 =	vsel vm0, v4, v5  }
0x197: {  	[tilespmem:s0+$0x10] =	vst v4;
	v4 =	vnsel vm0, $0x0, v6  }
0x198: {  	[tilespmem:s5+$0x10] =	vst v4  }
0x199: {  	v4 =	vld [tilespmem:s7+$0x20]  }
0x19a: {  	v5 =	vld [tilespmem:s8+$0x20]  }
0x19b: {  	v6 =	vld [tilespmem:s29+$0x20];
	_ =	sdelay $0x2  }
0x19c: {  	v7 =	vsub.s32 v4, v0;
	vm0 =	vge.s32 v4, v0;
	vm1 =	vlt.s32 v4, v1  }
0x19d: {  	v4 =	vshll.u32 v7, $0x9;
	vm0 =	vmand vm0, vm1;
	v7 =	vand.u32 $0xFFFFFE00, v5  }
0x19e: {  	s19 =	sadd.s32 $0xFFFFFFF0, s18;
	v4 =	vadd.s32 v4, v5;
	vm1 =	veq.s32 v7, $0x200  }
0x19f: {  	v5 =	vor.u32 s19, v3;
	vm0 =	vmand vm1, vm0;
	v4 =	vadd.s32 $0xFFFFFE00, v4  }
0x1a0: {  	v4 =	vsel vm0, v4, v5  }
0x1a1: {  	[tilespmem:s0+$0x20] =	vst v4;
	v4 =	vnsel vm0, $0x0, v6  }
0x1a2: {  	[tilespmem:s5+$0x20] =	vst v4  }
0x1a3: {  	v4 =	vld [tilespmem:s7+$0x30]  }
0x1a4: {  	v5 =	vld [tilespmem:s8+$0x30]  }
0x1a5: {  	v6 =	vld [tilespmem:s29+$0x30];
	_ =	sdelay $0x2  }
0x1a6: {  	v7 =	vsub.s32 v4, v0;
	vm0 =	vge.s32 v4, v0;
	vm1 =	vlt.s32 v4, v1  }
.Ltmp2:
0x1a7: {  	v4 =	vshll.u32 v7, $0x9;
	vm0 =	vmand vm0, vm1;
	v7 =	vand.u32 $0xFFFFFE00, v5;
	(pc) =	sbr.rel @p1 .LBB2_6-.Ltmp2, $4  }
0x1a8: {  	v4 =	vadd.s32 v4, v5;
	vm1 =	veq.s32 v7, $0x200  }
0x1a9: {  	v5 =	vor.u32 s18, v3;
	vm0 =	vmand vm1, vm0;
	v4 =	vadd.s32 $0xFFFFFE00, v4  }
0x1aa: {  	v4 =	vsel vm0, v4, v5  }
0x1ab: {  	s7 =	sadd.s32 $0x80, s7;
	s8 =	sadd.s32 $0x80, s8;
	[tilespmem:s0+$0x30] =	vst v4;
	v4 =	vnsel vm0, $0x0, v6  }
0x1ac: {  	[tilespmem:s5+$0x30] =	vst v4;
	s0 =	simm.s32 $0x2000;
	s6 =	simm.s32 $0x4000  }
0x1ad: {  	[spmem:s2] =	stream.indirect.scatter.add.f32 [tilespmem:s6], [sflag:$0x1], $0x1, s0, s23, $0xb8;
	[tilespmem:$0x18840] =	vst v63  }
0x1ae: {  	_ =	swait.ge [sflag:s26], $0x800  }
0x1af: {  	s7 =	stileid.u32;
	[sflag:s26] =	ssyncset.done $0x0  }
0x1b0: {  	s0 =	sshll.u32 s7, $0x6;
	[sflag:s26] =	ssyncadd.s32 $0xFFFFF800  }
0x1b1: {  	s30 =	sshrl.u32 s9, $0x3;
	s29 =	sor.u32 $0x1C02, s0;
	[bflag:$0x0] =	sbarrier.arrive $0xFFFF  }
0x1b2: {  	[hbm:s16], [sflag:s29] =	dma.local [spmem:s30], $0x1000  }
0x1b3: {  	_ =	swait.ge [sflag:s28], $0x1000  }
0x1b4: {  	[sflag:s28] =	ssyncset.done $0x0  }
0x1b5: {  	[sflag:s28] =	ssyncadd.s32 $0xFFFFF000  }
0x1b6: {  	[spmem:s9] =	stream.linear.scatter [tilespmem:s25], [sflag:$0x1], $0x2000, $0x38;
	[tilespmem:$0x18840] =	vst v63  }
0x1b7: {  	_ = 	snop  }
0x1b8: {  	[spmem:s10] =	stream.linear.scatter [tilespmem:s25], [sflag:$0x1], $0x2000, $0x38;
	[tilespmem:$0x18840] =	vst v63  }
0x1b9: {  	_ = 	snop  }
0x1ba: {  	[spmem:s11] =	stream.linear.scatter [tilespmem:s25], [sflag:$0x1], $0x2000, $0x38;
	[tilespmem:$0x18840] =	vst v63  }
0x1bb: {  	_ = 	snop  }
0x1bc: {  	[spmem:s12] =	stream.linear.scatter [tilespmem:s25], [sflag:$0x1], $0x2000, $0x38;
	[tilespmem:$0x18840] =	vst v63  }
0x1bd: {  	_ =	swait.ge [sflag:s26], $0x2000  }
0x1be: {  	[sflag:s26] =	ssyncset.done $0x0  }
0x1bf: {  	[sflag:s26] =	ssyncadd.s32 $0xFFFFE000  }
0x1c0: {  	_ =	swait.ge [sflag:s26], $0x2000  }
0x1c1: {  	[sflag:s26] =	ssyncset.done $0x0  }
0x1c2: {  	[sflag:s26] =	ssyncadd.s32 $0xFFFFE000  }
0x1c3: {  	_ =	swait.ge [sflag:s26], $0x2000  }
0x1c4: {  	[sflag:s26] =	ssyncset.done $0x0  }
0x1c5: {  	[sflag:s26] =	ssyncadd.s32 $0xFFFFE000  }
0x1c6: {  	_ =	swait.ge [sflag:s26], $0x2000  }
0x1c7: {  	[sflag:s26] =	ssyncset.done $0x0  }
0x1c8: {  	[sflag:s26] =	ssyncadd.s32 $0xFFFFE000  }
0x1c9: {  	s7 =	simm.s32 $0x840;
	[bflag:$0x0] =	sbarrier.arrive $0xFFFF  }
0x1ca: {  	s6 =	simm.s32 $0x40;
	v4 =	vld [tilespmem:s7+$0xFFFFFFC0]  }
0x1cb: {  	v5 =	vld [tilespmem:s6+$0xFFFFFFC0];
	_ =	sdelay $0x2  }
0x1cc: {  	s31 =	simm.s32 $0x1040  }
0x1cd: {  	v6 =	vld [tilespmem:s31+$0xFFFFFFC0];
	v7 =	vsub.s32 v4, v0;
	vm0 =	vge.s32 v4, v0  }
0x1ce: {  	vm1 =	vlt.s32 v4, v1;
	v4 =	vshll.u32 v7, $0x9;
	v7 =	vand.u32 $0xFFFFFE00, v5  }
0x1cf: {  	s8 =	simm.s32 $0x0;
	vm0 =	vmand vm0, vm1;
	v4 =	vadd.s32 v4, v5;
	vm6 =	veq.s32 v7, $0x400  }
0x1d0: {  	v5 =	vor.u32 s8, v3;
	vm0 =	vmand vm6, vm0;
	v4 =	vadd.s32 $0xFFFFFC00, v4  }
0x1d1: {  	s0 =	simm.s32 $0x2840;
	v4 =	vsel vm0, v4, v5  }
0x1d2: {  	s5 =	simm.s32 $0x4840;
	[tilespmem:s0+$0xFFFFFFC0] =	vst v4;
	v4 =	vnsel vm0, $0x0, v6  }
0x1d3: {  	[tilespmem:s5+$0xFFFFFFC0] =	vst v4  }
0x1d4: {  	v4 =	vld [tilespmem:s7+$0xFFFFFFD0]  }
0x1d5: {  	v5 =	vld [tilespmem:s6+$0xFFFFFFD0];
	_ =	sdelay $0x3  }
0x1d6: {  	v6 =	vld [tilespmem:s31+$0xFFFFFFD0];
	v7 =	vsub.s32 v4, v0;
	vm7 =	vge.s32 v4, v0  }
0x1d7: {  	vm8 =	vlt.s32 v4, v1;
	v4 =	vshll.u32 v7, $0x9;
	v7 =	vand.u32 $0xFFFFFE00, v5  }
0x1d8: {  	s8 =	simm.s32 $0x10;
	vm0 =	vmand vm7, vm8;
	v4 =	vadd.s32 v4, v5;
	vm9 =	veq.s32 v7, $0x400  }
0x1d9: {  	v5 =	vor.u32 s8, v3;
	vm0 =	vmand vm9, vm0;
	v4 =	vadd.s32 $0xFFFFFC00, v4  }
0x1da: {  	v4 =	vsel vm0, v4, v5  }
0x1db: {  	[tilespmem:s0+$0xFFFFFFD0] =	vst v4;
	v4 =	vnsel vm0, $0x0, v6  }
0x1dc: {  	[tilespmem:s5+$0xFFFFFFD0] =	vst v4  }
0x1dd: {  	v4 =	vld [tilespmem:s7+$0xFFFFFFE0]  }
0x1de: {  	v5 =	vld [tilespmem:s6+$0xFFFFFFE0];
	_ =	sdelay $0x3  }
0x1df: {  	v6 =	vld [tilespmem:s31+$0xFFFFFFE0];
	v7 =	vsub.s32 v4, v0;
	vm10 =	vge.s32 v4, v0  }
0x1e0: {  	vm11 =	vlt.s32 v4, v1;
	v4 =	vshll.u32 v7, $0x9;
	v7 =	vand.u32 $0xFFFFFE00, v5  }
0x1e1: {  	s18 =	simm.s32 $0x20;
	vm0 =	vmand vm10, vm11;
	v4 =	vadd.s32 v4, v5;
	vm12 =	veq.s32 v7, $0x400  }
0x1e2: {  	v5 =	vor.u32 s18, v3;
	vm0 =	vmand vm12, vm0;
	v4 =	vadd.s32 $0xFFFFFC00, v4  }
0x1e3: {  	v4 =	vsel vm0, v4, v5  }
0x1e4: {  	[tilespmem:s0+$0xFFFFFFE0] =	vst v4;
	v4 =	vnsel vm0, $0x0, v6  }
0x1e5: {  	[tilespmem:s5+$0xFFFFFFE0] =	vst v4  }
0x1e6: {  	v4 =	vld [tilespmem:s7+$0xFFFFFFF0]  }
0x1e7: {  	v5 =	vld [tilespmem:s6+$0xFFFFFFF0];
	_ =	sdelay $0x3  }
0x1e8: {  	v6 =	vld [tilespmem:s31+$0xFFFFFFF0];
	v7 =	vsub.s32 v4, v0;
	vm13 =	vge.s32 v4, v0  }
0x1e9: {  	vm14 =	vlt.s32 v4, v1;
	v4 =	vshll.u32 v7, $0x9;
	v7 =	vand.u32 $0xFFFFFE00, v5  }
0x1ea: {  	s19 =	simm.s32 $0x30;
	vm0 =	vmand vm13, vm14;
	v4 =	vadd.s32 v4, v5;
	vm15 =	veq.s32 v7, $0x400  }
0x1eb: {  	v5 =	vor.u32 s19, v3;
	vm0 =	vmand vm15, vm0;
	v4 =	vadd.s32 $0xFFFFFC00, v4  }
0x1ec: {  	v4 =	vsel vm0, v4, v5  }
0x1ed: {  	[tilespmem:s0+$0xFFFFFFF0] =	vst v4;
	v4 =	vnsel vm0, $0x0, v6  }
0x1ee: {  	[tilespmem:s5+$0xFFFFFFF0] =	vst v4  }
0x1ef: {  	v4 =	vld [tilespmem:s7+$0x0]  }
0x1f0: {  	v5 =	vld [tilespmem:s6+$0x0];
	_ =	sdelay $0x3  }
0x1f1: {  	v6 =	vld [tilespmem:s31+$0x0];
	v7 =	vsub.s32 v4, v0;
	vm4 =	vge.s32 v4, v0  }
0x1f2: {  	vm5 =	vlt.s32 v4, v1;
	v4 =	vshll.u32 v7, $0x9;
	v7 =	vand.u32 $0xFFFFFE00, v5  }
0x1f3: {  	s20 =	simm.s32 $0x40;
	vm0 =	vmand vm4, vm5;
	v4 =	vadd.s32 v4, v5;
	vm6 =	veq.s32 v7, $0x400  }
0x1f4: {  	v5 =	vor.u32 s20, v3;
	vm0 =	vmand vm6, vm0;
	v4 =	vadd.s32 $0xFFFFFC00, v4  }
0x1f5: {  	v4 =	vsel vm0, v4, v5  }
0x1f6: {  	[tilespmem:s0+$0x0] =	vst v4;
	v4 =	vnsel vm0, $0x0, v6  }
0x1f7: {  	[tilespmem:s5+$0x0] =	vst v4  }
0x1f8: {  	v4 =	vld [tilespmem:s7+$0x10]  }
0x1f9: {  	v5 =	vld [tilespmem:s6+$0x10];
	_ =	sdelay $0x3  }
0x1fa: {  	v6 =	vld [tilespmem:s31+$0x10];
	v7 =	vsub.s32 v4, v0;
	vm7 =	vge.s32 v4, v0  }
0x1fb: {  	vm8 =	vlt.s32 v4, v1;
	v4 =	vshll.u32 v7, $0x9;
	v7 =	vand.u32 $0xFFFFFE00, v5  }
0x1fc: {  	s18 =	simm.s32 $0x50;
	vm0 =	vmand vm7, vm8;
	v4 =	vadd.s32 v4, v5;
	vm9 =	veq.s32 v7, $0x400  }
0x1fd: {  	v5 =	vor.u32 s18, v3;
	vm0 =	vmand vm9, vm0;
	v4 =	vadd.s32 $0xFFFFFC00, v4  }
0x1fe: {  	v4 =	vsel vm0, v4, v5  }
0x1ff: {  	[tilespmem:s0+$0x10] =	vst v4;
	v4 =	vnsel vm0, $0x0, v6  }
0x200: {  	[tilespmem:s5+$0x10] =	vst v4  }
0x201: {  	v4 =	vld [tilespmem:s7+$0x20]  }
0x202: {  	v5 =	vld [tilespmem:s6+$0x20];
	_ =	sdelay $0x3  }
0x203: {  	v6 =	vld [tilespmem:s31+$0x20];
	v7 =	vsub.s32 v4, v0;
	vm10 =	vge.s32 v4, v0  }
0x204: {  	vm11 =	vlt.s32 v4, v1;
	v4 =	vshll.u32 v7, $0x9;
	v7 =	vand.u32 $0xFFFFFE00, v5  }
0x205: {  	s19 =	simm.s32 $0x60;
	vm0 =	vmand vm10, vm11;
	v4 =	vadd.s32 v4, v5;
	vm12 =	veq.s32 v7, $0x400  }
0x206: {  	v5 =	vor.u32 s19, v3;
	vm0 =	vmand vm12, vm0;
	v4 =	vadd.s32 $0xFFFFFC00, v4  }
0x207: {  	v4 =	vsel vm0, v4, v5  }
0x208: {  	[tilespmem:s0+$0x20] =	vst v4;
	v4 =	vnsel vm0, $0x0, v6  }
0x209: {  	[tilespmem:s5+$0x20] =	vst v4  }
0x20a: {  	v4 =	vld [tilespmem:s7+$0x30]  }
0x20b: {  	v5 =	vld [tilespmem:s6+$0x30];
	_ =	sdelay $0x3  }
0x20c: {  	v6 =	vld [tilespmem:s31+$0x30];
	v7 =	vsub.s32 v4, v0;
	vm13 =	vge.s32 v4, v0  }
0x20d: {  	vm14 =	vlt.s32 v4, v1;
	v4 =	vshll.u32 v7, $0x9;
	v7 =	vand.u32 $0xFFFFFE00, v5  }
0x20e: {  	s20 =	simm.s32 $0x70;
	vm0 =	vmand vm13, vm14;
	v4 =	vadd.s32 v4, v5;
	vm15 =	veq.s32 v7, $0x400  }
0x20f: {  	v5 =	vor.u32 s20, v3;
	vm0 =	vmand vm15, vm0;
	v4 =	vadd.s32 $0xFFFFFC00, v4  }
0x210: {  	v4 =	vsel vm0, v4, v5  }
0x211: {  	s8 =	simm.s32 $0xC0;
	s6 =	simm.s32 $0xF0;
	s7 =	simm.s32 $0x8C0;
	[tilespmem:s0+$0x30] =	vst v4;
	v4 =	vnsel vm0, $0x0, v6  }
.LBB2_8:
0x212: {  	[tilespmem:s5+$0x30] =	vst v4;
	s5 =	sadd.s32 $0x80, s5;
	s0 =	sadd.s32 $0x80, s0;
	s31 =	sadd.s32 $0x80, s31  }
0x213: {  	p1 =	sne.s32 s6, $0x7F0;
	s18 =	smov.u32 s6;
	s6 =	sadd.s32 $0x80, s6;
	v4 =	vld [tilespmem:s7+$0xFFFFFFC0]  }
0x214: {  	v5 =	vld [tilespmem:s8+$0xFFFFFFC0];
	_ =	sdelay $0x3  }
0x215: {  	v6 =	vld [tilespmem:s31+$0xFFFFFFC0];
	v7 =	vsub.s32 v4, v0;
	vm0 =	vge.s32 v4, v0;
	vm1 =	vlt.s32 v4, v1  }
0x216: {  	v4 =	vshll.u32 v7, $0x9;
	vm0 =	vmand vm0, vm1;
	v7 =	vand.u32 $0xFFFFFE00, v5  }
0x217: {  	s19 =	sadd.s32 $0xFFFFFF90, s18;
	v4 =	vadd.s32 v4, v5;
	vm1 =	veq.s32 v7, $0x400  }
0x218: {  	v5 =	vor.u32 s19, v3;
	vm0 =	vmand vm1, vm0;
	v4 =	vadd.s32 $0xFFFFFC00, v4  }
0x219: {  	v4 =	vsel vm0, v4, v5  }
0x21a: {  	[tilespmem:s0+$0xFFFFFFC0] =	vst v4;
	v4 =	vnsel vm0, $0x0, v6  }
0x21b: {  	[tilespmem:s5+$0xFFFFFFC0] =	vst v4  }
0x21c: {  	v4 =	vld [tilespmem:s7+$0xFFFFFFD0]  }
0x21d: {  	v5 =	vld [tilespmem:s8+$0xFFFFFFD0];
	_ =	sdelay $0x3  }
0x21e: {  	v6 =	vld [tilespmem:s31+$0xFFFFFFD0];
	v7 =	vsub.s32 v4, v0;
	vm0 =	vge.s32 v4, v0;
	vm1 =	vlt.s32 v4, v1  }
0x21f: {  	v4 =	vshll.u32 v7, $0x9;
	vm0 =	vmand vm0, vm1;
	v7 =	vand.u32 $0xFFFFFE00, v5  }
0x220: {  	s19 =	sadd.s32 $0xFFFFFFA0, s18;
	v4 =	vadd.s32 v4, v5;
	vm1 =	veq.s32 v7, $0x400  }
0x221: {  	v5 =	vor.u32 s19, v3;
	vm0 =	vmand vm1, vm0;
	v4 =	vadd.s32 $0xFFFFFC00, v4  }
0x222: {  	v4 =	vsel vm0, v4, v5  }
0x223: {  	[tilespmem:s0+$0xFFFFFFD0] =	vst v4;
	v4 =	vnsel vm0, $0x0, v6  }
0x224: {  	[tilespmem:s5+$0xFFFFFFD0] =	vst v4  }
0x225: {  	v4 =	vld [tilespmem:s7+$0xFFFFFFE0]  }
0x226: {  	v5 =	vld [tilespmem:s8+$0xFFFFFFE0];
	_ =	sdelay $0x3  }
0x227: {  	v6 =	vld [tilespmem:s31+$0xFFFFFFE0];
	v7 =	vsub.s32 v4, v0;
	vm0 =	vge.s32 v4, v0;
	vm1 =	vlt.s32 v4, v1  }
0x228: {  	v4 =	vshll.u32 v7, $0x9;
	vm0 =	vmand vm0, vm1;
	v7 =	vand.u32 $0xFFFFFE00, v5  }
0x229: {  	s19 =	sadd.s32 $0xFFFFFFB0, s18;
	v4 =	vadd.s32 v4, v5;
	vm1 =	veq.s32 v7, $0x400  }
0x22a: {  	v5 =	vor.u32 s19, v3;
	vm0 =	vmand vm1, vm0;
	v4 =	vadd.s32 $0xFFFFFC00, v4  }
0x22b: {  	v4 =	vsel vm0, v4, v5  }
0x22c: {  	[tilespmem:s0+$0xFFFFFFE0] =	vst v4;
	v4 =	vnsel vm0, $0x0, v6  }
0x22d: {  	[tilespmem:s5+$0xFFFFFFE0] =	vst v4  }
0x22e: {  	v4 =	vld [tilespmem:s7+$0xFFFFFFF0]  }
0x22f: {  	v5 =	vld [tilespmem:s8+$0xFFFFFFF0];
	_ =	sdelay $0x3  }
0x230: {  	v6 =	vld [tilespmem:s31+$0xFFFFFFF0];
	v7 =	vsub.s32 v4, v0;
	vm0 =	vge.s32 v4, v0;
	vm1 =	vlt.s32 v4, v1  }
0x231: {  	v4 =	vshll.u32 v7, $0x9;
	vm0 =	vmand vm0, vm1;
	v7 =	vand.u32 $0xFFFFFE00, v5  }
0x232: {  	s19 =	sadd.s32 $0xFFFFFFC0, s18;
	v4 =	vadd.s32 v4, v5;
	vm1 =	veq.s32 v7, $0x400  }
0x233: {  	v5 =	vor.u32 s19, v3;
	vm0 =	vmand vm1, vm0;
	v4 =	vadd.s32 $0xFFFFFC00, v4  }
0x234: {  	v4 =	vsel vm0, v4, v5  }
0x235: {  	[tilespmem:s0+$0xFFFFFFF0] =	vst v4;
	v4 =	vnsel vm0, $0x0, v6  }
0x236: {  	[tilespmem:s5+$0xFFFFFFF0] =	vst v4  }
0x237: {  	v4 =	vld [tilespmem:s7+$0x0]  }
0x238: {  	v5 =	vld [tilespmem:s8+$0x0];
	_ =	sdelay $0x3  }
0x239: {  	v6 =	vld [tilespmem:s31+$0x0];
	v7 =	vsub.s32 v4, v0;
	vm0 =	vge.s32 v4, v0;
	vm1 =	vlt.s32 v4, v1  }
0x23a: {  	v4 =	vshll.u32 v7, $0x9;
	vm0 =	vmand vm0, vm1;
	v7 =	vand.u32 $0xFFFFFE00, v5  }
0x23b: {  	s19 =	sadd.s32 $0xFFFFFFD0, s18;
	v4 =	vadd.s32 v4, v5;
	vm1 =	veq.s32 v7, $0x400  }
0x23c: {  	v5 =	vor.u32 s19, v3;
	vm0 =	vmand vm1, vm0;
	v4 =	vadd.s32 $0xFFFFFC00, v4  }
0x23d: {  	v4 =	vsel vm0, v4, v5  }
0x23e: {  	[tilespmem:s0+$0x0] =	vst v4;
	v4 =	vnsel vm0, $0x0, v6  }
0x23f: {  	[tilespmem:s5+$0x0] =	vst v4  }
0x240: {  	v4 =	vld [tilespmem:s7+$0x10]  }
0x241: {  	v5 =	vld [tilespmem:s8+$0x10]  }
0x242: {  	v6 =	vld [tilespmem:s31+$0x10];
	_ =	sdelay $0x2  }
0x243: {  	v7 =	vsub.s32 v4, v0;
	vm0 =	vge.s32 v4, v0;
	vm1 =	vlt.s32 v4, v1  }
0x244: {  	v4 =	vshll.u32 v7, $0x9;
	vm0 =	vmand vm0, vm1;
	v7 =	vand.u32 $0xFFFFFE00, v5  }
0x245: {  	s19 =	sadd.s32 $0xFFFFFFE0, s18;
	v4 =	vadd.s32 v4, v5;
	vm1 =	veq.s32 v7, $0x400  }
0x246: {  	v5 =	vor.u32 s19, v3;
	vm0 =	vmand vm1, vm0;
	v4 =	vadd.s32 $0xFFFFFC00, v4  }
0x247: {  	v4 =	vsel vm0, v4, v5  }
0x248: {  	[tilespmem:s0+$0x10] =	vst v4;
	v4 =	vnsel vm0, $0x0, v6  }
0x249: {  	[tilespmem:s5+$0x10] =	vst v4  }
0x24a: {  	v4 =	vld [tilespmem:s7+$0x20]  }
0x24b: {  	v5 =	vld [tilespmem:s8+$0x20]  }
0x24c: {  	v6 =	vld [tilespmem:s31+$0x20];
	_ =	sdelay $0x2  }
0x24d: {  	v7 =	vsub.s32 v4, v0;
	vm0 =	vge.s32 v4, v0;
	vm1 =	vlt.s32 v4, v1  }
0x24e: {  	v4 =	vshll.u32 v7, $0x9;
	vm0 =	vmand vm0, vm1;
	v7 =	vand.u32 $0xFFFFFE00, v5  }
0x24f: {  	s19 =	sadd.s32 $0xFFFFFFF0, s18;
	v4 =	vadd.s32 v4, v5;
	vm1 =	veq.s32 v7, $0x400  }
0x250: {  	v5 =	vor.u32 s19, v3;
	vm0 =	vmand vm1, vm0;
	v4 =	vadd.s32 $0xFFFFFC00, v4  }
0x251: {  	v4 =	vsel vm0, v4, v5  }
0x252: {  	[tilespmem:s0+$0x20] =	vst v4;
	v4 =	vnsel vm0, $0x0, v6  }
0x253: {  	[tilespmem:s5+$0x20] =	vst v4  }
0x254: {  	v4 =	vld [tilespmem:s7+$0x30]  }
0x255: {  	v5 =	vld [tilespmem:s8+$0x30]  }
0x256: {  	v6 =	vld [tilespmem:s31+$0x30];
	_ =	sdelay $0x2  }
0x257: {  	v7 =	vsub.s32 v4, v0;
	vm0 =	vge.s32 v4, v0;
	vm1 =	vlt.s32 v4, v1  }
.Ltmp3:
0x258: {  	v4 =	vshll.u32 v7, $0x9;
	vm0 =	vmand vm0, vm1;
	v7 =	vand.u32 $0xFFFFFE00, v5;
	(pc) =	sbr.rel @p1 .LBB2_8-.Ltmp3, $4  }
0x259: {  	v4 =	vadd.s32 v4, v5;
	vm1 =	veq.s32 v7, $0x400  }
0x25a: {  	v5 =	vor.u32 s18, v3;
	vm0 =	vmand vm1, vm0;
	v4 =	vadd.s32 $0xFFFFFC00, v4  }
0x25b: {  	v4 =	vsel vm0, v4, v5  }
0x25c: {  	s7 =	sadd.s32 $0x80, s7;
	s8 =	sadd.s32 $0x80, s8;
	[tilespmem:s0+$0x30] =	vst v4;
	v4 =	vnsel vm0, $0x0, v6  }
0x25d: {  	[tilespmem:s5+$0x30] =	vst v4;
	s0 =	simm.s32 $0x2800;
	s7 =	simm.s32 $0x4800  }
0x25e: {  	[spmem:s1] =	stream.indirect.scatter.add.f32 [tilespmem:s7], [sflag:$0x1], $0x1, s0, s23, $0xb8;
	[tilespmem:$0x18840] =	vst v63  }
0x25f: {  	_ =	swait.ge [sflag:s26], $0x800  }
0x260: {  	[sflag:s26] =	ssyncset.done $0x0  }
0x261: {  	[sflag:s26] =	ssyncadd.s32 $0xFFFFF800  }
0x262: {  	[bflag:$0x0] =	sbarrier.arrive $0xFFFF  }
0x263: {  	s31 =	sshrl.u32 s13, $0x3;
	s8 =	rddreg [dreg:$0xb]  }
0x264: {  	[hbm:s8], [sflag:s29] =	dma.local [spmem:s31], $0x1000  }
0x265: {  	_ =	swait.ge [sflag:s28], $0x1000  }
0x266: {  	[sflag:s28] =	ssyncset.done $0x0  }
0x267: {  	[sflag:s28] =	ssyncadd.s32 $0xFFFFF000  }
0x268: {  	[spmem:s13] =	stream.linear.scatter [tilespmem:s25], [sflag:$0x1], $0x2000, $0x38;
	[tilespmem:$0x18840] =	vst v63  }
0x269: {  	_ = 	snop  }
0x26a: {  	[spmem:s14] =	stream.linear.scatter [tilespmem:s25], [sflag:$0x1], $0x2000, $0x38;
	[tilespmem:$0x18840] =	vst v63  }
0x26b: {  	_ = 	snop  }
0x26c: {  	[spmem:s15] =	stream.linear.scatter [tilespmem:s25], [sflag:$0x1], $0x2000, $0x38;
	[tilespmem:$0x18840] =	vst v63  }
0x26d: {  	_ = 	snop  }
0x26e: {  	[spmem:s17] =	stream.linear.scatter [tilespmem:s25], [sflag:$0x1], $0x2000, $0x38;
	[tilespmem:$0x18840] =	vst v63  }
0x26f: {  	_ =	swait.ge [sflag:s26], $0x2000  }
0x270: {  	[sflag:s26] =	ssyncset.done $0x0  }
0x271: {  	[sflag:s26] =	ssyncadd.s32 $0xFFFFE000  }
0x272: {  	_ =	swait.ge [sflag:s26], $0x2000  }
0x273: {  	[sflag:s26] =	ssyncset.done $0x0  }
0x274: {  	[sflag:s26] =	ssyncadd.s32 $0xFFFFE000  }
0x275: {  	_ =	swait.ge [sflag:s26], $0x2000  }
0x276: {  	[sflag:s26] =	ssyncset.done $0x0  }
0x277: {  	[sflag:s26] =	ssyncadd.s32 $0xFFFFE000  }
0x278: {  	_ =	swait.ge [sflag:s26], $0x2000  }
0x279: {  	[sflag:s26] =	ssyncset.done $0x0  }
0x27a: {  	[sflag:s26] =	ssyncadd.s32 $0xFFFFE000  }
0x27b: {  	s8 =	simm.s32 $0x840;
	[bflag:$0x0] =	sbarrier.arrive $0xFFFF  }
0x27c: {  	s7 =	simm.s32 $0x40;
	v4 =	vld [tilespmem:s8+$0xFFFFFFC0]  }
0x27d: {  	v5 =	vld [tilespmem:s7+$0xFFFFFFC0];
	_ =	sdelay $0x2  }
0x27e: {  	s0 =	simm.s32 $0x1040  }
0x27f: {  	v6 =	vld [tilespmem:s0+$0xFFFFFFC0];
	v7 =	vsub.s32 v4, v0;
	vm0 =	vge.s32 v4, v0  }
0x280: {  	vm1 =	vlt.s32 v4, v1;
	v4 =	vshll.u32 v7, $0x9;
	v7 =	vand.u32 $0xFFFFFE00, v5  }
0x281: {  	s18 =	simm.s32 $0x0;
	vm0 =	vmand vm0, vm1;
	v4 =	vadd.s32 v4, v5;
	vm6 =	veq.s32 v7, $0x600  }
0x282: {  	v5 =	vor.u32 s18, v3;
	vm0 =	vmand vm6, vm0;
	v4 =	vadd.s32 $0xFFFFFA00, v4  }
0x283: {  	s5 =	simm.s32 $0x3040;
	v4 =	vsel vm0, v4, v5  }
0x284: {  	s6 =	simm.s32 $0x5040;
	[tilespmem:s5+$0xFFFFFFC0] =	vst v4;
	v4 =	vnsel vm0, $0x0, v6  }
0x285: {  	[tilespmem:s6+$0xFFFFFFC0] =	vst v4  }
0x286: {  	v4 =	vld [tilespmem:s8+$0xFFFFFFD0]  }
0x287: {  	v5 =	vld [tilespmem:s7+$0xFFFFFFD0];
	_ =	sdelay $0x3  }
0x288: {  	v6 =	vld [tilespmem:s0+$0xFFFFFFD0];
	v7 =	vsub.s32 v4, v0;
	vm7 =	vge.s32 v4, v0  }
0x289: {  	vm8 =	vlt.s32 v4, v1;
	v4 =	vshll.u32 v7, $0x9;
	v7 =	vand.u32 $0xFFFFFE00, v5  }
0x28a: {  	s18 =	simm.s32 $0x10;
	vm0 =	vmand vm7, vm8;
	v4 =	vadd.s32 v4, v5;
	vm9 =	veq.s32 v7, $0x600  }
0x28b: {  	v5 =	vor.u32 s18, v3;
	vm0 =	vmand vm9, vm0;
	v4 =	vadd.s32 $0xFFFFFA00, v4  }
0x28c: {  	v4 =	vsel vm0, v4, v5  }
0x28d: {  	[tilespmem:s5+$0xFFFFFFD0] =	vst v4;
	v4 =	vnsel vm0, $0x0, v6  }
0x28e: {  	[tilespmem:s6+$0xFFFFFFD0] =	vst v4  }
0x28f: {  	v4 =	vld [tilespmem:s8+$0xFFFFFFE0]  }
0x290: {  	v5 =	vld [tilespmem:s7+$0xFFFFFFE0];
	_ =	sdelay $0x3  }
0x291: {  	v6 =	vld [tilespmem:s0+$0xFFFFFFE0];
	v7 =	vsub.s32 v4, v0;
	vm10 =	vge.s32 v4, v0  }
0x292: {  	vm11 =	vlt.s32 v4, v1;
	v4 =	vshll.u32 v7, $0x9;
	v7 =	vand.u32 $0xFFFFFE00, v5  }
0x293: {  	s19 =	simm.s32 $0x20;
	vm0 =	vmand vm10, vm11;
	v4 =	vadd.s32 v4, v5;
	vm12 =	veq.s32 v7, $0x600  }
0x294: {  	v5 =	vor.u32 s19, v3;
	vm0 =	vmand vm12, vm0;
	v4 =	vadd.s32 $0xFFFFFA00, v4  }
0x295: {  	v4 =	vsel vm0, v4, v5  }
0x296: {  	[tilespmem:s5+$0xFFFFFFE0] =	vst v4;
	v4 =	vnsel vm0, $0x0, v6  }
0x297: {  	[tilespmem:s6+$0xFFFFFFE0] =	vst v4  }
0x298: {  	v4 =	vld [tilespmem:s8+$0xFFFFFFF0]  }
0x299: {  	v5 =	vld [tilespmem:s7+$0xFFFFFFF0];
	_ =	sdelay $0x3  }
0x29a: {  	v6 =	vld [tilespmem:s0+$0xFFFFFFF0];
	v7 =	vsub.s32 v4, v0;
	vm13 =	vge.s32 v4, v0  }
0x29b: {  	vm14 =	vlt.s32 v4, v1;
	v4 =	vshll.u32 v7, $0x9;
	v7 =	vand.u32 $0xFFFFFE00, v5  }
0x29c: {  	s20 =	simm.s32 $0x30;
	vm0 =	vmand vm13, vm14;
	v4 =	vadd.s32 v4, v5;
	vm15 =	veq.s32 v7, $0x600  }
0x29d: {  	v5 =	vor.u32 s20, v3;
	vm0 =	vmand vm15, vm0;
	v4 =	vadd.s32 $0xFFFFFA00, v4  }
0x29e: {  	v4 =	vsel vm0, v4, v5  }
0x29f: {  	[tilespmem:s5+$0xFFFFFFF0] =	vst v4;
	v4 =	vnsel vm0, $0x0, v6  }
0x2a0: {  	[tilespmem:s6+$0xFFFFFFF0] =	vst v4  }
0x2a1: {  	v4 =	vld [tilespmem:s8+$0x0]  }
0x2a2: {  	v5 =	vld [tilespmem:s7+$0x0];
	_ =	sdelay $0x3  }
0x2a3: {  	v6 =	vld [tilespmem:s0+$0x0];
	v7 =	vsub.s32 v4, v0;
	vm4 =	vge.s32 v4, v0  }
0x2a4: {  	vm5 =	vlt.s32 v4, v1;
	v4 =	vshll.u32 v7, $0x9;
	v7 =	vand.u32 $0xFFFFFE00, v5  }
0x2a5: {  	s19 =	simm.s32 $0x40;
	vm0 =	vmand vm4, vm5;
	v4 =	vadd.s32 v4, v5;
	vm6 =	veq.s32 v7, $0x600  }
0x2a6: {  	v5 =	vor.u32 s19, v3;
	vm0 =	vmand vm6, vm0;
	v4 =	vadd.s32 $0xFFFFFA00, v4  }
0x2a7: {  	v4 =	vsel vm0, v4, v5  }
0x2a8: {  	[tilespmem:s5+$0x0] =	vst v4;
	v4 =	vnsel vm0, $0x0, v6  }
0x2a9: {  	[tilespmem:s6+$0x0] =	vst v4  }
0x2aa: {  	v4 =	vld [tilespmem:s8+$0x10]  }
0x2ab: {  	v5 =	vld [tilespmem:s7+$0x10];
	_ =	sdelay $0x3  }
0x2ac: {  	v6 =	vld [tilespmem:s0+$0x10];
	v7 =	vsub.s32 v4, v0;
	vm7 =	vge.s32 v4, v0  }
0x2ad: {  	vm8 =	vlt.s32 v4, v1;
	v4 =	vshll.u32 v7, $0x9;
	v7 =	vand.u32 $0xFFFFFE00, v5  }
0x2ae: {  	s20 =	simm.s32 $0x50;
	vm0 =	vmand vm7, vm8;
	v4 =	vadd.s32 v4, v5;
	vm9 =	veq.s32 v7, $0x600  }
0x2af: {  	v5 =	vor.u32 s20, v3;
	vm0 =	vmand vm9, vm0;
	v4 =	vadd.s32 $0xFFFFFA00, v4  }
0x2b0: {  	v4 =	vsel vm0, v4, v5  }
0x2b1: {  	[tilespmem:s5+$0x10] =	vst v4;
	v4 =	vnsel vm0, $0x0, v6  }
0x2b2: {  	[tilespmem:s6+$0x10] =	vst v4  }
0x2b3: {  	v4 =	vld [tilespmem:s8+$0x20]  }
0x2b4: {  	v5 =	vld [tilespmem:s7+$0x20];
	_ =	sdelay $0x3  }
0x2b5: {  	v6 =	vld [tilespmem:s0+$0x20];
	v7 =	vsub.s32 v4, v0;
	vm10 =	vge.s32 v4, v0  }
0x2b6: {  	vm11 =	vlt.s32 v4, v1;
	v4 =	vshll.u32 v7, $0x9;
	v7 =	vand.u32 $0xFFFFFE00, v5  }
0x2b7: {  	s19 =	simm.s32 $0x60;
	vm0 =	vmand vm10, vm11;
	v4 =	vadd.s32 v4, v5;
	vm12 =	veq.s32 v7, $0x600  }
0x2b8: {  	v5 =	vor.u32 s19, v3;
	vm0 =	vmand vm12, vm0;
	v4 =	vadd.s32 $0xFFFFFA00, v4  }
0x2b9: {  	v4 =	vsel vm0, v4, v5  }
0x2ba: {  	[tilespmem:s5+$0x20] =	vst v4;
	v4 =	vnsel vm0, $0x0, v6  }
0x2bb: {  	[tilespmem:s6+$0x20] =	vst v4  }
0x2bc: {  	v4 =	vld [tilespmem:s8+$0x30]  }
0x2bd: {  	v5 =	vld [tilespmem:s7+$0x30];
	_ =	sdelay $0x3  }
0x2be: {  	v6 =	vld [tilespmem:s0+$0x30];
	v7 =	vsub.s32 v4, v0;
	vm13 =	vge.s32 v4, v0  }
0x2bf: {  	vm14 =	vlt.s32 v4, v1;
	v4 =	vshll.u32 v7, $0x9;
	v7 =	vand.u32 $0xFFFFFE00, v5  }
0x2c0: {  	s20 =	simm.s32 $0x70;
	vm0 =	vmand vm13, vm14;
	v4 =	vadd.s32 v4, v5;
	vm15 =	veq.s32 v7, $0x600  }
0x2c1: {  	v5 =	vor.u32 s20, v3;
	vm0 =	vmand vm15, vm0;
	v4 =	vadd.s32 $0xFFFFFA00, v4  }
0x2c2: {  	v4 =	vsel vm0, v4, v5  }
0x2c3: {  	s18 =	simm.s32 $0xC0;
	s7 =	simm.s32 $0xF0;
	s8 =	simm.s32 $0x8C0;
	[tilespmem:s5+$0x30] =	vst v4;
	v4 =	vnsel vm0, $0x0, v6  }
.LBB2_10:
0x2c4: {  	[tilespmem:s6+$0x30] =	vst v4;
	s6 =	sadd.s32 $0x80, s6;
	s5 =	sadd.s32 $0x80, s5;
	s0 =	sadd.s32 $0x80, s0  }
0x2c5: {  	p1 =	sne.s32 s7, $0x7F0;
	s19 =	smov.u32 s7;
	s7 =	sadd.s32 $0x80, s7;
	v4 =	vld [tilespmem:s8+$0xFFFFFFC0]  }
0x2c6: {  	v5 =	vld [tilespmem:s18+$0xFFFFFFC0];
	_ =	sdelay $0x3  }
0x2c7: {  	v6 =	vld [tilespmem:s0+$0xFFFFFFC0];
	v7 =	vsub.s32 v4, v0;
	vm0 =	vge.s32 v4, v0;
	vm1 =	vlt.s32 v4, v1  }
0x2c8: {  	v4 =	vshll.u32 v7, $0x9;
	vm0 =	vmand vm0, vm1;
	v7 =	vand.u32 $0xFFFFFE00, v5  }
0x2c9: {  	s20 =	sadd.s32 $0xFFFFFF90, s19;
	v4 =	vadd.s32 v4, v5;
	vm1 =	veq.s32 v7, $0x600  }
0x2ca: {  	v5 =	vor.u32 s20, v3;
	vm0 =	vmand vm1, vm0;
	v4 =	vadd.s32 $0xFFFFFA00, v4  }
0x2cb: {  	v4 =	vsel vm0, v4, v5  }
0x2cc: {  	[tilespmem:s5+$0xFFFFFFC0] =	vst v4;
	v4 =	vnsel vm0, $0x0, v6  }
0x2cd: {  	[tilespmem:s6+$0xFFFFFFC0] =	vst v4  }
0x2ce: {  	v4 =	vld [tilespmem:s8+$0xFFFFFFD0]  }
0x2cf: {  	v5 =	vld [tilespmem:s18+$0xFFFFFFD0];
	_ =	sdelay $0x3  }
0x2d0: {  	v6 =	vld [tilespmem:s0+$0xFFFFFFD0];
	v7 =	vsub.s32 v4, v0;
	vm0 =	vge.s32 v4, v0;
	vm1 =	vlt.s32 v4, v1  }
0x2d1: {  	v4 =	vshll.u32 v7, $0x9;
	vm0 =	vmand vm0, vm1;
	v7 =	vand.u32 $0xFFFFFE00, v5  }
0x2d2: {  	s20 =	sadd.s32 $0xFFFFFFA0, s19;
	v4 =	vadd.s32 v4, v5;
	vm1 =	veq.s32 v7, $0x600  }
0x2d3: {  	v5 =	vor.u32 s20, v3;
	vm0 =	vmand vm1, vm0;
	v4 =	vadd.s32 $0xFFFFFA00, v4  }
0x2d4: {  	v4 =	vsel vm0, v4, v5  }
0x2d5: {  	[tilespmem:s5+$0xFFFFFFD0] =	vst v4;
	v4 =	vnsel vm0, $0x0, v6  }
0x2d6: {  	[tilespmem:s6+$0xFFFFFFD0] =	vst v4  }
0x2d7: {  	v4 =	vld [tilespmem:s8+$0xFFFFFFE0]  }
0x2d8: {  	v5 =	vld [tilespmem:s18+$0xFFFFFFE0];
	_ =	sdelay $0x3  }
0x2d9: {  	v6 =	vld [tilespmem:s0+$0xFFFFFFE0];
	v7 =	vsub.s32 v4, v0;
	vm0 =	vge.s32 v4, v0;
	vm1 =	vlt.s32 v4, v1  }
0x2da: {  	v4 =	vshll.u32 v7, $0x9;
	vm0 =	vmand vm0, vm1;
	v7 =	vand.u32 $0xFFFFFE00, v5  }
0x2db: {  	s20 =	sadd.s32 $0xFFFFFFB0, s19;
	v4 =	vadd.s32 v4, v5;
	vm1 =	veq.s32 v7, $0x600  }
0x2dc: {  	v5 =	vor.u32 s20, v3;
	vm0 =	vmand vm1, vm0;
	v4 =	vadd.s32 $0xFFFFFA00, v4  }
0x2dd: {  	v4 =	vsel vm0, v4, v5  }
0x2de: {  	[tilespmem:s5+$0xFFFFFFE0] =	vst v4;
	v4 =	vnsel vm0, $0x0, v6  }
0x2df: {  	[tilespmem:s6+$0xFFFFFFE0] =	vst v4  }
0x2e0: {  	v4 =	vld [tilespmem:s8+$0xFFFFFFF0]  }
0x2e1: {  	v5 =	vld [tilespmem:s18+$0xFFFFFFF0];
	_ =	sdelay $0x3  }
0x2e2: {  	v6 =	vld [tilespmem:s0+$0xFFFFFFF0];
	v7 =	vsub.s32 v4, v0;
	vm0 =	vge.s32 v4, v0;
	vm1 =	vlt.s32 v4, v1  }
0x2e3: {  	v4 =	vshll.u32 v7, $0x9;
	vm0 =	vmand vm0, vm1;
	v7 =	vand.u32 $0xFFFFFE00, v5  }
0x2e4: {  	s20 =	sadd.s32 $0xFFFFFFC0, s19;
	v4 =	vadd.s32 v4, v5;
	vm1 =	veq.s32 v7, $0x600  }
0x2e5: {  	v5 =	vor.u32 s20, v3;
	vm0 =	vmand vm1, vm0;
	v4 =	vadd.s32 $0xFFFFFA00, v4  }
0x2e6: {  	v4 =	vsel vm0, v4, v5  }
0x2e7: {  	[tilespmem:s5+$0xFFFFFFF0] =	vst v4;
	v4 =	vnsel vm0, $0x0, v6  }
0x2e8: {  	[tilespmem:s6+$0xFFFFFFF0] =	vst v4  }
0x2e9: {  	v4 =	vld [tilespmem:s8+$0x0]  }
0x2ea: {  	v5 =	vld [tilespmem:s18+$0x0];
	_ =	sdelay $0x3  }
0x2eb: {  	v6 =	vld [tilespmem:s0+$0x0];
	v7 =	vsub.s32 v4, v0;
	vm0 =	vge.s32 v4, v0;
	vm1 =	vlt.s32 v4, v1  }
0x2ec: {  	v4 =	vshll.u32 v7, $0x9;
	vm0 =	vmand vm0, vm1;
	v7 =	vand.u32 $0xFFFFFE00, v5  }
0x2ed: {  	s20 =	sadd.s32 $0xFFFFFFD0, s19;
	v4 =	vadd.s32 v4, v5;
	vm1 =	veq.s32 v7, $0x600  }
0x2ee: {  	v5 =	vor.u32 s20, v3;
	vm0 =	vmand vm1, vm0;
	v4 =	vadd.s32 $0xFFFFFA00, v4  }
0x2ef: {  	v4 =	vsel vm0, v4, v5  }
0x2f0: {  	[tilespmem:s5+$0x0] =	vst v4;
	v4 =	vnsel vm0, $0x0, v6  }
0x2f1: {  	[tilespmem:s6+$0x0] =	vst v4  }
0x2f2: {  	v4 =	vld [tilespmem:s8+$0x10]  }
0x2f3: {  	v5 =	vld [tilespmem:s18+$0x10]  }
0x2f4: {  	v6 =	vld [tilespmem:s0+$0x10];
	_ =	sdelay $0x2  }
0x2f5: {  	v7 =	vsub.s32 v4, v0;
	vm0 =	vge.s32 v4, v0;
	vm1 =	vlt.s32 v4, v1  }
0x2f6: {  	v4 =	vshll.u32 v7, $0x9;
	vm0 =	vmand vm0, vm1;
	v7 =	vand.u32 $0xFFFFFE00, v5  }
0x2f7: {  	s20 =	sadd.s32 $0xFFFFFFE0, s19;
	v4 =	vadd.s32 v4, v5;
	vm1 =	veq.s32 v7, $0x600  }
0x2f8: {  	v5 =	vor.u32 s20, v3;
	vm0 =	vmand vm1, vm0;
	v4 =	vadd.s32 $0xFFFFFA00, v4  }
0x2f9: {  	v4 =	vsel vm0, v4, v5  }
0x2fa: {  	[tilespmem:s5+$0x10] =	vst v4;
	v4 =	vnsel vm0, $0x0, v6  }
0x2fb: {  	[tilespmem:s6+$0x10] =	vst v4  }
0x2fc: {  	v4 =	vld [tilespmem:s8+$0x20]  }
0x2fd: {  	v5 =	vld [tilespmem:s18+$0x20]  }
0x2fe: {  	v6 =	vld [tilespmem:s0+$0x20];
	_ =	sdelay $0x2  }
0x2ff: {  	v7 =	vsub.s32 v4, v0;
	vm0 =	vge.s32 v4, v0;
	vm1 =	vlt.s32 v4, v1  }
0x300: {  	v4 =	vshll.u32 v7, $0x9;
	vm0 =	vmand vm0, vm1;
	v7 =	vand.u32 $0xFFFFFE00, v5  }
0x301: {  	s20 =	sadd.s32 $0xFFFFFFF0, s19;
	v4 =	vadd.s32 v4, v5;
	vm1 =	veq.s32 v7, $0x600  }
0x302: {  	v5 =	vor.u32 s20, v3;
	vm0 =	vmand vm1, vm0;
	v4 =	vadd.s32 $0xFFFFFA00, v4  }
0x303: {  	v4 =	vsel vm0, v4, v5  }
0x304: {  	[tilespmem:s5+$0x20] =	vst v4;
	v4 =	vnsel vm0, $0x0, v6  }
0x305: {  	[tilespmem:s6+$0x20] =	vst v4  }
0x306: {  	v4 =	vld [tilespmem:s8+$0x30]  }
0x307: {  	v5 =	vld [tilespmem:s18+$0x30]  }
0x308: {  	v6 =	vld [tilespmem:s0+$0x30];
	_ =	sdelay $0x2  }
0x309: {  	v7 =	vsub.s32 v4, v0;
	vm0 =	vge.s32 v4, v0;
	vm1 =	vlt.s32 v4, v1  }
.Ltmp4:
0x30a: {  	v4 =	vshll.u32 v7, $0x9;
	vm0 =	vmand vm0, vm1;
	v7 =	vand.u32 $0xFFFFFE00, v5;
	(pc) =	sbr.rel @p1 .LBB2_10-.Ltmp4, $4  }
0x30b: {  	v4 =	vadd.s32 v4, v5;
	vm1 =	veq.s32 v7, $0x600  }
0x30c: {  	v5 =	vor.u32 s19, v3;
	vm0 =	vmand vm1, vm0;
	v4 =	vadd.s32 $0xFFFFFA00, v4  }
0x30d: {  	v4 =	vsel vm0, v4, v5  }
0x30e: {  	s8 =	sadd.s32 $0x80, s8;
	s18 =	sadd.s32 $0x80, s18;
	[tilespmem:s5+$0x30] =	vst v4;
	v4 =	vnsel vm0, $0x0, v6  }
0x30f: {  	[tilespmem:s6+$0x30] =	vst v4;
	s0 =	simm.s32 $0x3000;
	s5 =	simm.s32 $0x5000  }
0x310: {  	[spmem:s2] =	stream.indirect.scatter.add.f32 [tilespmem:s5], [sflag:$0x1], $0x1, s0, s23, $0xb8;
	[tilespmem:$0x18840] =	vst v63  }
0x311: {  	_ =	swait.ge [sflag:s26], $0x800  }
0x312: {  	[sflag:s26] =	ssyncset.done $0x0  }
0x313: {  	[sflag:s26] =	ssyncadd.s32 $0xFFFFF800  }
0x314: {  	[bflag:$0x0] =	sbarrier.arrive $0xFFFF  }
0x315: {  	s20 =	rddreg [dreg:$0xc]  }
0x316: {  	[hbm:s20], [sflag:s29] =	dma.local [spmem:s30], $0x1000  }
0x317: {  	_ =	swait.ge [sflag:s28], $0x1000  }
0x318: {  	[sflag:s28] =	ssyncset.done $0x0  }
0x319: {  	[sflag:s28] =	ssyncadd.s32 $0xFFFFF000  }
0x31a: {  	[bflag:$0x0] =	sbarrier.arrive $0xFFFF  }
0x31b: {  	s30 =	rddreg [dreg:$0xd]  }
0x31c: {  	[hbm:s30], [sflag:s29] =	dma.local [spmem:s31], $0x1000  }
0x31d: {  	_ =	swait.ge [sflag:s28], $0x1000  }
0x31e: {  	s24 =	sadd.s32 $0x1, s24;
	[sflag:s28] =	ssyncset.done $0x0  }
0x31f: {  	s0 =	sshrl.u32 @!p0 s3, $0x3;
	p1 =	sne.s32 s24, s22;
	[sflag:s28] =	ssyncadd.s32 $0xFFFFF000  }
0x320: {  	[hbm:s21], [sflag:s29] =	dma.local @!p0 [spmem:s0], $0x80  }
.Ltmp5:
0x321: {  	_ = 	snop;
	(pc) =	sbr.rel @p1 .LBB2_1-.Ltmp5, $4  }
0x322: {  	s0 =	simm.s32 @!p0 $0x2  }
0x323: {  	_ =	swait.ge @!p0 [sflag:s0], $0x80  }
0x324: {  	[sflag:s0] =	ssyncset.done @!p0 $0x0  }
0x325: {  	[sflag:s0] =	ssyncadd.s32 @!p0 $0xFFFFFF80  }
0x326: {  	_ =	sfence.sel $0x180000  }
0x327: {  	[bflag:$0x0] =	sbarrier.arrive $0xFFFF  }
0x328: {  	_ =	strace $0x90000047  }
0x329: {  	[bflag:$0x2] =	sbarrier.arrive $0xFFFF  }
0x32a: {  	s0 =	rddreg [dreg:$0x7]  }
0x32b: {  	s0 =	sadd.s32 @!p0 $0x100000, s0  }
0x32c: {  	[sflag:s0] =	ssyncadd.tile.s32 @!p0 $0x1;
	_ =	shalt  }
.Lfunc_end2:
_tile_overlayer_lowered:
.L_overlay_start_2:
0x32d: {  	(tag) =	ssettag $0x2  }
0x32e: {  	s0 =	rddreg [dreg:$0x0];
	s2 =	stileid.u32  }
0x32f: {  	s1 =	rddreg [dreg:$0x1];
	p0 =	sne.s32 s2, $0x0  }
0x330: {  	s3 =	rddreg [dreg:$0x2];
	[bflag:$0x3] =	sbarrier.arrive $0xFFFF;
	s2 =	simm.s32 @!p0 $0x1C02  }
0x331: {  	[timem:s3], [sflag:s2] =	dma.local @!p0 [hbm:s0], s1  }
0x332: {  	s0 =	simm.s32 @!p0 $0x2  }
0x333: {  	_ =	swait.ge @!p0 [sflag:s0], s1  }
0x334: {  	s1 =	ssub.s32 @!p0 $0x0, s1;
	[sflag:s0] =	ssyncset.done @!p0 $0x0  }
0x335: {  	[sflag:s0] =	ssyncadd.s32 @!p0 s1  }
0x336: {  	[bflag:$0x3] =	sbarrier.arrive $0xFFFF  }
0x337: {  	_ =	shalt  }

</sc_bundles>
